<compile_context>
chip_gen: v7x
topology: tpu7x:2x2x1
jax: 0.10.2.dev20260603
libtpu: 0.0.44.dev20260713+nightly
codegen_flags: <defaults>
</compile_context>

<pallas_src>
import functools

import numpy as np
import jax
import jax.numpy as jnp
from jax import lax
from jax.experimental import pallas as pl
from jax.experimental.pallas import tpu as pltpu
from jax.experimental.pallas import tpu_sc as plsc

_MAX_LEN = 5000
_NC = 2
_NS = 16
_NW = _NC * _NS
_L = 16


def _positional_encoding(max_len, d_model):
    pos = np.arange(max_len)[:, None].astype(np.float32)
    i = np.arange(d_model)[None, :].astype(np.float32)
    angle_rates = 1.0 / np.power(10000.0, (2.0 * np.floor(i / 2.0)) / np.float32(d_model))
    angle_rads = pos * angle_rates
    angle_rads[:, 0::2] = np.sin(angle_rads[:, 0::2])
    angle_rads[:, 1::2] = np.cos(angle_rads[:, 1::2])
    return angle_rads


def _splat(v, dtype=jnp.int32):
    return jnp.full((_L,), v, dtype=dtype)


@functools.partial(jax.jit, static_argnums=(3, 4, 5))
def _launch(inp, E, pos, B, S, D):
    BW = B // _NW
    V = E.shape[0]
    scale = float(np.float32(np.sqrt(np.float32(D))))
    R8 = D // 8
    CB = B // 128

    mesh = plsc.VectorSubcoreMesh(
        core_axis_name="c", subcore_axis_name="s",
        num_cores=_NC, num_subcores=_NS)

    @functools.partial(
        pl.kernel,
        out_type=jax.ShapeDtypeStruct((S, R8, CB, 8, 128), jnp.float32),
        mesh=mesh,
        scratch_types=[
            pltpu.VMEM((BW, S), jnp.int32),
            pltpu.VMEM((S, D), jnp.float32),
            pltpu.VMEM((256,), jnp.int32),
            pltpu.VMEM((256,), jnp.int32),
            pltpu.VMEM((256, D), jnp.float32),
            pltpu.VMEM((256, D), jnp.float32),
            pltpu.VMEM((2, R8, 8, 129), jnp.float32),
            pltpu.VMEM((2, R8, 8, 129), jnp.float32),
            pltpu.SemaphoreType.DMA,
            pltpu.SemaphoreType.DMA,
            pltpu.SemaphoreType.DMA,
            pltpu.SemaphoreType.DMA,
        ],
        compiler_params=pltpu.CompilerParams(
            use_tc_tiling_on_sc=False, needs_layout_passes=False),
    )
    def run(inp_hbm, table_hbm, pos_hbm, out_hbm,
            idxblk, pos_v, idxA, idxB, rowsA, rowsB, outA, outB,
            gsemA, gsemB, wsemA, wsemB):
        wid = lax.axis_index("s") * _NC + lax.axis_index("c")
        pltpu.sync_copy(inp_hbm.at[pl.ds(wid * BW, BW), :], idxblk)
        pltpu.sync_copy(pos_hbm, pos_v)
        iota = lax.iota(jnp.int32, _L)

        def build_idx(g, idx_ref):
            sg = 2 * g
            for j in range(2):
                for k in range(BW // _L):
                    v = plsc.load_gather(idxblk, [iota + (k * _L), _splat(sg + j)])
                    idx_ref[pl.ds(j * BW + k * _L, _L)] = v

        dch = D // _L
        r_tile = [(iota + c * _L) // 8 for c in range(dch)]
        r_sub = [(iota + c * _L) % 8 for c in range(dch)]

        def compute(s, rows_ref, out_ref):
            posv = [pos_v[s, pl.ds(c * _L, _L)] for c in range(dch)]

            @plsc.parallel_loop(0, BW, 1, unroll=8)
            def bbody(b):
                bs = _splat(b)
                for c in range(dch):
                    g = rows_ref[b, pl.ds(c * _L, _L)]
                    v = g * scale + posv[c]
                    plsc.store_scatter(out_ref, [r_tile[c], r_sub[c], bs], v)

        def fire_gather(idx_ref, rows_ref, sem):
            return pltpu.async_copy(table_hbm.at[idx_ref], rows_ref, sem)

        def fire_wb(s, out_ref, sem):
            return pltpu.async_copy(
                out_ref.at[:, :, :, pl.ds(0, 128)],
                out_hbm.at[pl.ds(s, 2), :, wid], sem)

        def drain_gather(idx_ref, rows_ref, sem):
            pltpu.make_async_copy(table_hbm.at[idx_ref], rows_ref, sem).wait()

        def drain_wb(out_ref, sem):
            pltpu.make_async_copy(
                out_ref.at[:, :, :, pl.ds(0, 128)],
                out_hbm.at[pl.ds(0, 2), :, wid], sem).wait()

        build_idx(0, idxA)
        fire_gather(idxA, rowsA, gsemA)
        NG = S // 2

        def sbody(i, carry):
            g0 = 2 * i
            g1 = g0 + 1
            s0 = 2 * g0
            build_idx(g1, idxB)
            fire_gather(idxB, rowsB, gsemB)
            drain_gather(idxA, rowsA, gsemA)
            @pl.when(i > 0)
            def _():
                drain_wb(outA, wsemA)
            compute(s0, rowsA.at[pl.ds(0, BW), :], outA.at[0])
            compute(s0 + 1, rowsA.at[pl.ds(BW, BW), :], outA.at[1])
            fire_wb(s0, outA, wsemA)
            @pl.when(i < (NG // 2 - 1))
            def _():
                build_idx(g0 + 2, idxA)
                fire_gather(idxA, rowsA, gsemA)
            drain_gather(idxB, rowsB, gsemB)
            @pl.when(i > 0)
            def _():
                drain_wb(outB, wsemB)
            compute(s0 + 2, rowsB.at[pl.ds(0, BW), :], outB.at[0])
            compute(s0 + 3, rowsB.at[pl.ds(BW, BW), :], outB.at[1])
            fire_wb(s0 + 2, outB, wsemB)
            return carry
        lax.fori_loop(0, NG // 2, sbody, 0)

        drain_wb(outA, wsemA)
        drain_wb(outB, wsemB)

    return run(inp, E, pos)


def kernel(input, E):
    B, S = input.shape
    V, D = E.shape
    pos = jnp.asarray(_positional_encoding(_MAX_LEN, D)[:S], dtype=jnp.float32)
    out5 = _launch(input, E, pos, B, S, D)
    return out5.transpose(2, 4, 0, 1, 3).reshape(B, S, D)

# --- scband reference (transcript-rebuilt; emitter-appended) ---
"""Pipeline reference for scband-preprocessing-35124242546787 (READ-ONLY COPY).

The authoritative reference and input builder live on the scoring server;
editing this copy changes nothing except your own understanding.
"""

import jax, jax.numpy as jnp
import numpy as np

VOCAB = 1000000
DIM = 64
MAX_LEN = 5000
BATCH = 4096
SEQ = 200


def positional_encoding(max_len, d_model):
    pos = np.arange(max_len)[:, None].astype(np.float32)
    i = np.arange(d_model)[None, :].astype(np.float32)
    angle_rates = 1.0 / np.power(10000.0, (2.0 * np.floor(i / 2.0)) / np.float32(d_model))
    angle_rads = pos * angle_rates
    angle_rads[:, 0::2] = np.sin(angle_rads[:, 0::2])
    angle_rads[:, 1::2] = np.cos(angle_rads[:, 1::2])
    return jnp.asarray(angle_rads[None, ...], dtype=jnp.float32)  # [1, max_len, d_model]


def setup_inputs(seed: int = 0) -> dict:
    key = jax.random.key(seed)
    k1, k2 = jax.random.split(key)
    inp = jax.random.randint(k1, (BATCH, SEQ), 0, VOCAB, dtype=jnp.int32)
    E = jax.random.normal(k2, (VOCAB, DIM), dtype=jnp.float32) * 0.02
    return {"input": inp, "E": E}


def reference(input, E):
    seq_len = input.shape[1]
    # token embedding lookup (gather)
    x = jnp.take(E, input, axis=0)  # [B, S, D]
    # scale by sqrt(embedding_dim)
    x = x * jnp.sqrt(jnp.asarray(DIM, dtype=jnp.float32))
    # add positional encoding
    pos = positional_encoding(MAX_LEN, DIM)[:, :seq_len, :]
    return x + pos

if __name__ == "__main__":
    import jax
    _d = setup_inputs()
    print(jax.jit(kernel)(*tuple(_d.values())))

</pallas_src>

<mosaic_0001>
#map = affine_map<(d0, d1) -> (0, 0)>
#map1 = affine_map<(d0, d1) -> (0, 0, 0, 0, 0)>
module attributes {stable_mosaic.version = 14 : i64} {
  func.func @run(%arg0: i32, %arg1: i32, %arg2: memref<4096x200xi32, #tpu.memory_space<hbm>>, %arg3: memref<1000000x64xf32, #tpu.memory_space<hbm>>, %arg4: memref<200x64xf32, #tpu.memory_space<hbm>>, %arg5: memref<200x8x32x8x128xf32, #tpu.memory_space<hbm>>, %arg6: memref<128x200xi32, #tpu.memory_space<vmem>>, %arg7: memref<200x64xf32, #tpu.memory_space<vmem>>, %arg8: memref<256xi32, #tpu.memory_space<vmem>>, %arg9: memref<256xi32, #tpu.memory_space<vmem>>, %arg10: memref<256x64xf32, #tpu.memory_space<vmem>>, %arg11: memref<256x64xf32, #tpu.memory_space<vmem>>, %arg12: memref<2x8x8x129xf32, #tpu.memory_space<vmem>>, %arg13: memref<2x8x8x129xf32, #tpu.memory_space<vmem>>, %arg14: memref<!tpu.dma_semaphore, #tpu.memory_space<semaphore_mem>>, %arg15: memref<!tpu.dma_semaphore, #tpu.memory_space<semaphore_mem>>, %arg16: memref<!tpu.dma_semaphore, #tpu.memory_space<semaphore_mem>>, %arg17: memref<!tpu.dma_semaphore, #tpu.memory_space<semaphore_mem>>) attributes {dimension_semantics = [#tpu.dimension_semantics<core_parallel>, #tpu.dimension_semantics<subcore_parallel>], iteration_bounds = array<i64: 2, 16>, scalar_prefetch = 0 : i64, scratch_operands = 12 : i64, tpu.core_type = #tpu.core_type<sc_vector_subcore>, window_params = [{transform_indices = #map}, {transform_indices = #map}, {transform_indices = #map}, {transform_indices = #map1}]} {
    %mul3A = arith.constant 2 : i32
    %mul3A_0 = arith.muli %arg1, %mul3A : i32
    %add3A = arith.addi %mul3A_0, %arg0 : i32
    %mul3A_1 = arith.constant 128 : i32
    %mul3A_2 = arith.muli %add3A, %mul3A_1 : i32
    "tpu.region"() ({
      %run_scoped3A = tpu.sem_alloc : memref<!tpu.dma_semaphore, #tpu.memory_space<semaphore_mem>>
      %dma_start3A_404 = arith.constant 0 : i32
      %dma_start3A_405 = tpu.memref_slice %arg2[%mul3A_2, %dma_start3A_404] : memref<4096x200xi32, #tpu.memory_space<hbm>> -> memref<128x200xi32, #tpu.memory_space<hbm>>
      %dma_start3A_406 = arith.constant 0 : i32
      %dma_start3A_407 = tpu.memref_slice %arg2[%mul3A_2, %dma_start3A_406] : memref<4096x200xi32, #tpu.memory_space<hbm>> -> memref<128x200xi32, #tpu.memory_space<hbm>>
      tpu.enqueue_dma source(%dma_start3A_407 : memref<128x200xi32, #tpu.memory_space<hbm>>) target(%arg6 : memref<128x200xi32, #tpu.memory_space<vmem>>) target_semaphore(%run_scoped3A : memref<!tpu.dma_semaphore, #tpu.memory_space<semaphore_mem>>)
      %dma_wait3A_408 = arith.constant 0 : i32
      %dma_wait3A_409 = tpu.memref_slice %arg2[%mul3A_2, %dma_wait3A_408] : memref<4096x200xi32, #tpu.memory_space<hbm>> -> memref<128x200xi32, #tpu.memory_space<hbm>>
      %dma_wait3A_410 = arith.constant 0 : i32
      %dma_wait3A_411 = tpu.memref_slice %arg2[%mul3A_2, %dma_wait3A_410] : memref<4096x200xi32, #tpu.memory_space<hbm>> -> memref<128x200xi32, #tpu.memory_space<hbm>>
      tpu.wait_dma2 semaphore(%run_scoped3A : memref<!tpu.dma_semaphore, #tpu.memory_space<semaphore_mem>>) src(%dma_wait3A_411 : memref<128x200xi32, #tpu.memory_space<hbm>>) dst(%arg6 : memref<128x200xi32, #tpu.memory_space<vmem>>)
      tpu.yield
    }) : () -> ()
    "tpu.region"() ({
      %run_scoped3A = tpu.sem_alloc : memref<!tpu.dma_semaphore, #tpu.memory_space<semaphore_mem>>
      tpu.enqueue_dma source(%arg4 : memref<200x64xf32, #tpu.memory_space<hbm>>) target(%arg7 : memref<200x64xf32, #tpu.memory_space<vmem>>) target_semaphore(%run_scoped3A : memref<!tpu.dma_semaphore, #tpu.memory_space<semaphore_mem>>)
      tpu.wait_dma2 semaphore(%run_scoped3A : memref<!tpu.dma_semaphore, #tpu.memory_space<semaphore_mem>>) src(%arg4 : memref<200x64xf32, #tpu.memory_space<hbm>>) dst(%arg7 : memref<200x64xf32, #tpu.memory_space<vmem>>)
      tpu.yield
    }) : () -> ()
    %iota3A = tpu.iota {dimensions = array<i32: 0>} : vector<16xi32>
    %add3A_3 = arith.constant 0 : i32
    %add3A_4 = vector.broadcast %add3A_3 : i32 to vector<16xi32>
    %add3A_5 = arith.addi %iota3A, %add3A_4 : vector<16xi32>
    %jit3A = arith.constant 8 : i32
    %div3A = vector.broadcast %jit3A : i32 to vector<16xi32>
    %div3A_6 = arith.divsi %add3A_5, %div3A : vector<16xi32>
    %sign3A = arith.constant 0 : i32
    %sign3A_7 = vector.broadcast %sign3A : i32 to vector<16xi32>
    %sign3A_8 = arith.cmpi sgt, %add3A_5, %sign3A_7 : vector<16xi32>
    %sign3A_9 = arith.extui %sign3A_8 : vector<16xi1> to vector<16xi32>
    %sign3A_10 = arith.constant 0 : i32
    %sign3A_11 = vector.broadcast %sign3A_10 : i32 to vector<16xi32>
    %sign3A_12 = arith.cmpi slt, %add3A_5, %sign3A_11 : vector<16xi32>
    %sign3A_13 = arith.extui %sign3A_12 : vector<16xi1> to vector<16xi32>
    %sign3A_14 = arith.subi %sign3A_9, %sign3A_13 : vector<16xi32>
    %sign3A_15 = arith.constant 0 : i32
    %sign3A_16 = arith.cmpi sgt, %jit3A, %sign3A_15 : i32
    %sign3A_17 = arith.extui %sign3A_16 : i1 to i32
    %sign3A_18 = arith.constant 0 : i32
    %sign3A_19 = arith.cmpi slt, %jit3A, %sign3A_18 : i32
    %sign3A_20 = arith.extui %sign3A_19 : i1 to i32
    %sign3A_21 = arith.subi %sign3A_17, %sign3A_20 : i32
    %ne3A = vector.broadcast %sign3A_21 : i32 to vector<16xi32>
    %ne3A_22 = arith.cmpi ne, %sign3A_14, %ne3A : vector<16xi32>
    %rem3A = vector.broadcast %jit3A : i32 to vector<16xi32>
    %rem3A_23 = arith.remsi %add3A_5, %rem3A : vector<16xi32>
    %ne3A_24 = arith.constant 0 : i32
    %ne3A_25 = vector.broadcast %ne3A_24 : i32 to vector<16xi32>
    %ne3A_26 = arith.cmpi ne, %rem3A_23, %ne3A_25 : vector<16xi32>
    %and3A = arith.andi %ne3A_22, %ne3A_26 : vector<16xi1>
    %sub3A = arith.constant 1 : i32
    %sub3A_27 = vector.broadcast %sub3A : i32 to vector<16xi32>
    %sub3A_28 = arith.subi %div3A_6, %sub3A_27 : vector<16xi32>
    %select_n3A = arith.select %and3A, %sub3A_28, %div3A_6 : vector<16xi1>, vector<16xi32>
    %add3A_29 = arith.constant 16 : i32
    %add3A_30 = vector.broadcast %add3A_29 : i32 to vector<16xi32>
    %add3A_31 = arith.addi %iota3A, %add3A_30 : vector<16xi32>
    %jit3A_32 = arith.constant 8 : i32
    %div3A_33 = vector.broadcast %jit3A_32 : i32 to vector<16xi32>
    %div3A_34 = arith.divsi %add3A_31, %div3A_33 : vector<16xi32>
    %sign3A_35 = arith.constant 0 : i32
    %sign3A_36 = vector.broadcast %sign3A_35 : i32 to vector<16xi32>
    %sign3A_37 = arith.cmpi sgt, %add3A_31, %sign3A_36 : vector<16xi32>
    %sign3A_38 = arith.extui %sign3A_37 : vector<16xi1> to vector<16xi32>
    %sign3A_39 = arith.constant 0 : i32
    %sign3A_40 = vector.broadcast %sign3A_39 : i32 to vector<16xi32>
    %sign3A_41 = arith.cmpi slt, %add3A_31, %sign3A_40 : vector<16xi32>
    %sign3A_42 = arith.extui %sign3A_41 : vector<16xi1> to vector<16xi32>
    %sign3A_43 = arith.subi %sign3A_38, %sign3A_42 : vector<16xi32>
    %sign3A_44 = arith.constant 0 : i32
    %sign3A_45 = arith.cmpi sgt, %jit3A_32, %sign3A_44 : i32
    %sign3A_46 = arith.extui %sign3A_45 : i1 to i32
    %sign3A_47 = arith.constant 0 : i32
    %sign3A_48 = arith.cmpi slt, %jit3A_32, %sign3A_47 : i32
    %sign3A_49 = arith.extui %sign3A_48 : i1 to i32
    %sign3A_50 = arith.subi %sign3A_46, %sign3A_49 : i32
    %ne3A_51 = vector.broadcast %sign3A_50 : i32 to vector<16xi32>
    %ne3A_52 = arith.cmpi ne, %sign3A_43, %ne3A_51 : vector<16xi32>
    %rem3A_53 = vector.broadcast %jit3A_32 : i32 to vector<16xi32>
    %rem3A_54 = arith.remsi %add3A_31, %rem3A_53 : vector<16xi32>
    %ne3A_55 = arith.constant 0 : i32
    %ne3A_56 = vector.broadcast %ne3A_55 : i32 to vector<16xi32>
    %ne3A_57 = arith.cmpi ne, %rem3A_54, %ne3A_56 : vector<16xi32>
    %and3A_58 = arith.andi %ne3A_52, %ne3A_57 : vector<16xi1>
    %sub3A_59 = arith.constant 1 : i32
    %sub3A_60 = vector.broadcast %sub3A_59 : i32 to vector<16xi32>
    %sub3A_61 = arith.subi %div3A_34, %sub3A_60 : vector<16xi32>
    %select_n3A_62 = arith.select %and3A_58, %sub3A_61, %div3A_34 : vector<16xi1>, vector<16xi32>
    %add3A_63 = arith.constant 32 : i32
    %add3A_64 = vector.broadcast %add3A_63 : i32 to vector<16xi32>
    %add3A_65 = arith.addi %iota3A, %add3A_64 : vector<16xi32>
    %jit3A_66 = arith.constant 8 : i32
    %div3A_67 = vector.broadcast %jit3A_66 : i32 to vector<16xi32>
    %div3A_68 = arith.divsi %add3A_65, %div3A_67 : vector<16xi32>
    %sign3A_69 = arith.constant 0 : i32
    %sign3A_70 = vector.broadcast %sign3A_69 : i32 to vector<16xi32>
    %sign3A_71 = arith.cmpi sgt, %add3A_65, %sign3A_70 : vector<16xi32>
    %sign3A_72 = arith.extui %sign3A_71 : vector<16xi1> to vector<16xi32>
    %sign3A_73 = arith.constant 0 : i32
    %sign3A_74 = vector.broadcast %sign3A_73 : i32 to vector<16xi32>
    %sign3A_75 = arith.cmpi slt, %add3A_65, %sign3A_74 : vector<16xi32>
    %sign3A_76 = arith.extui %sign3A_75 : vector<16xi1> to vector<16xi32>
    %sign3A_77 = arith.subi %sign3A_72, %sign3A_76 : vector<16xi32>
    %sign3A_78 = arith.constant 0 : i32
    %sign3A_79 = arith.cmpi sgt, %jit3A_66, %sign3A_78 : i32
    %sign3A_80 = arith.extui %sign3A_79 : i1 to i32
    %sign3A_81 = arith.constant 0 : i32
    %sign3A_82 = arith.cmpi slt, %jit3A_66, %sign3A_81 : i32
    %sign3A_83 = arith.extui %sign3A_82 : i1 to i32
    %sign3A_84 = arith.subi %sign3A_80, %sign3A_83 : i32
    %ne3A_85 = vector.broadcast %sign3A_84 : i32 to vector<16xi32>
    %ne3A_86 = arith.cmpi ne, %sign3A_77, %ne3A_85 : vector<16xi32>
    %rem3A_87 = vector.broadcast %jit3A_66 : i32 to vector<16xi32>
    %rem3A_88 = arith.remsi %add3A_65, %rem3A_87 : vector<16xi32>
    %ne3A_89 = arith.constant 0 : i32
    %ne3A_90 = vector.broadcast %ne3A_89 : i32 to vector<16xi32>
    %ne3A_91 = arith.cmpi ne, %rem3A_88, %ne3A_90 : vector<16xi32>
    %and3A_92 = arith.andi %ne3A_86, %ne3A_91 : vector<16xi1>
    %sub3A_93 = arith.constant 1 : i32
    %sub3A_94 = vector.broadcast %sub3A_93 : i32 to vector<16xi32>
    %sub3A_95 = arith.subi %div3A_68, %sub3A_94 : vector<16xi32>
    %select_n3A_96 = arith.select %and3A_92, %sub3A_95, %div3A_68 : vector<16xi1>, vector<16xi32>
    %add3A_97 = arith.constant 48 : i32
    %add3A_98 = vector.broadcast %add3A_97 : i32 to vector<16xi32>
    %add3A_99 = arith.addi %iota3A, %add3A_98 : vector<16xi32>
    %jit3A_100 = arith.constant 8 : i32
    %div3A_101 = vector.broadcast %jit3A_100 : i32 to vector<16xi32>
    %div3A_102 = arith.divsi %add3A_99, %div3A_101 : vector<16xi32>
    %sign3A_103 = arith.constant 0 : i32
    %sign3A_104 = vector.broadcast %sign3A_103 : i32 to vector<16xi32>
    %sign3A_105 = arith.cmpi sgt, %add3A_99, %sign3A_104 : vector<16xi32>
    %sign3A_106 = arith.extui %sign3A_105 : vector<16xi1> to vector<16xi32>
    %sign3A_107 = arith.constant 0 : i32
    %sign3A_108 = vector.broadcast %sign3A_107 : i32 to vector<16xi32>
    %sign3A_109 = arith.cmpi slt, %add3A_99, %sign3A_108 : vector<16xi32>
    %sign3A_110 = arith.extui %sign3A_109 : vector<16xi1> to vector<16xi32>
    %sign3A_111 = arith.subi %sign3A_106, %sign3A_110 : vector<16xi32>
    %sign3A_112 = arith.constant 0 : i32
    %sign3A_113 = arith.cmpi sgt, %jit3A_100, %sign3A_112 : i32
    %sign3A_114 = arith.extui %sign3A_113 : i1 to i32
    %sign3A_115 = arith.constant 0 : i32
    %sign3A_116 = arith.cmpi slt, %jit3A_100, %sign3A_115 : i32
    %sign3A_117 = arith.extui %sign3A_116 : i1 to i32
    %sign3A_118 = arith.subi %sign3A_114, %sign3A_117 : i32
    %ne3A_119 = vector.broadcast %sign3A_118 : i32 to vector<16xi32>
    %ne3A_120 = arith.cmpi ne, %sign3A_111, %ne3A_119 : vector<16xi32>
    %rem3A_121 = vector.broadcast %jit3A_100 : i32 to vector<16xi32>
    %rem3A_122 = arith.remsi %add3A_99, %rem3A_121 : vector<16xi32>
    %ne3A_123 = arith.constant 0 : i32
    %ne3A_124 = vector.broadcast %ne3A_123 : i32 to vector<16xi32>
    %ne3A_125 = arith.cmpi ne, %rem3A_122, %ne3A_124 : vector<16xi32>
    %and3A_126 = arith.andi %ne3A_120, %ne3A_125 : vector<16xi1>
    %sub3A_127 = arith.constant 1 : i32
    %sub3A_128 = vector.broadcast %sub3A_127 : i32 to vector<16xi32>
    %sub3A_129 = arith.subi %div3A_102, %sub3A_128 : vector<16xi32>
    %select_n3A_130 = arith.select %and3A_126, %sub3A_129, %div3A_102 : vector<16xi1>, vector<16xi32>
    %add3A_131 = arith.constant 0 : i32
    %add3A_132 = vector.broadcast %add3A_131 : i32 to vector<16xi32>
    %add3A_133 = arith.addi %iota3A, %add3A_132 : vector<16xi32>
    %jit3A_134 = arith.constant 8 : i32
    %eq3A = arith.constant 0 : i32
    %eq3A_135 = arith.cmpi eq, %jit3A_134, %eq3A : i32
    %jit3A_136 = arith.constant 1 : i32
    %select_n3A_137 = arith.select %eq3A_135, %jit3A_136, %jit3A_134 : i32
    %rem3A_138 = vector.broadcast %select_n3A_137 : i32 to vector<16xi32>
    %rem3A_139 = arith.remsi %add3A_133, %rem3A_138 : vector<16xi32>
    %ne3A_140 = arith.constant 0 : i32
    %ne3A_141 = vector.broadcast %ne3A_140 : i32 to vector<16xi32>
    %ne3A_142 = arith.cmpi ne, %rem3A_139, %ne3A_141 : vector<16xi32>
    %lt3A = arith.constant 0 : i32
    %lt3A_143 = vector.broadcast %lt3A : i32 to vector<16xi32>
    %lt3A_144 = arith.cmpi slt, %rem3A_139, %lt3A_143 : vector<16xi32>
    %lt3A_145 = arith.constant 0 : i32
    %lt3A_146 = arith.cmpi slt, %select_n3A_137, %lt3A_145 : i32
    %ne3A_147 = vector.broadcast %lt3A_146 : i1 to vector<16xi1>
    %ne3A_148 = vector.broadcast %ne3A_147 : vector<16xi1> to vector<16xi1>
    %ne3A_149 = arith.xori %lt3A_144, %ne3A_148 : vector<16xi1>
    %and3A_150 = arith.andi %ne3A_149, %ne3A_142 : vector<16xi1>
    %add3A_151 = vector.broadcast %select_n3A_137 : i32 to vector<16xi32>
    %add3A_152 = arith.addi %rem3A_139, %add3A_151 : vector<16xi32>
    %select_n3A_153 = arith.select %and3A_150, %add3A_152, %rem3A_139 : vector<16xi1>, vector<16xi32>
    %add3A_154 = arith.constant 16 : i32
    %add3A_155 = vector.broadcast %add3A_154 : i32 to vector<16xi32>
    %add3A_156 = arith.addi %iota3A, %add3A_155 : vector<16xi32>
    %jit3A_157 = arith.constant 8 : i32
    %eq3A_158 = arith.constant 0 : i32
    %eq3A_159 = arith.cmpi eq, %jit3A_157, %eq3A_158 : i32
    %jit3A_160 = arith.constant 1 : i32
    %select_n3A_161 = arith.select %eq3A_159, %jit3A_160, %jit3A_157 : i32
    %rem3A_162 = vector.broadcast %select_n3A_161 : i32 to vector<16xi32>
    %rem3A_163 = arith.remsi %add3A_156, %rem3A_162 : vector<16xi32>
    %ne3A_164 = arith.constant 0 : i32
    %ne3A_165 = vector.broadcast %ne3A_164 : i32 to vector<16xi32>
    %ne3A_166 = arith.cmpi ne, %rem3A_163, %ne3A_165 : vector<16xi32>
    %lt3A_167 = arith.constant 0 : i32
    %lt3A_168 = vector.broadcast %lt3A_167 : i32 to vector<16xi32>
    %lt3A_169 = arith.cmpi slt, %rem3A_163, %lt3A_168 : vector<16xi32>
    %lt3A_170 = arith.constant 0 : i32
    %lt3A_171 = arith.cmpi slt, %select_n3A_161, %lt3A_170 : i32
    %ne3A_172 = vector.broadcast %lt3A_171 : i1 to vector<16xi1>
    %ne3A_173 = vector.broadcast %ne3A_172 : vector<16xi1> to vector<16xi1>
    %ne3A_174 = arith.xori %lt3A_169, %ne3A_173 : vector<16xi1>
    %and3A_175 = arith.andi %ne3A_174, %ne3A_166 : vector<16xi1>
    %add3A_176 = vector.broadcast %select_n3A_161 : i32 to vector<16xi32>
    %add3A_177 = arith.addi %rem3A_163, %add3A_176 : vector<16xi32>
    %select_n3A_178 = arith.select %and3A_175, %add3A_177, %rem3A_163 : vector<16xi1>, vector<16xi32>
    %add3A_179 = arith.constant 32 : i32
    %add3A_180 = vector.broadcast %add3A_179 : i32 to vector<16xi32>
    %add3A_181 = arith.addi %iota3A, %add3A_180 : vector<16xi32>
    %jit3A_182 = arith.constant 8 : i32
    %eq3A_183 = arith.constant 0 : i32
    %eq3A_184 = arith.cmpi eq, %jit3A_182, %eq3A_183 : i32
    %jit3A_185 = arith.constant 1 : i32
    %select_n3A_186 = arith.select %eq3A_184, %jit3A_185, %jit3A_182 : i32
    %rem3A_187 = vector.broadcast %select_n3A_186 : i32 to vector<16xi32>
    %rem3A_188 = arith.remsi %add3A_181, %rem3A_187 : vector<16xi32>
    %ne3A_189 = arith.constant 0 : i32
    %ne3A_190 = vector.broadcast %ne3A_189 : i32 to vector<16xi32>
    %ne3A_191 = arith.cmpi ne, %rem3A_188, %ne3A_190 : vector<16xi32>
    %lt3A_192 = arith.constant 0 : i32
    %lt3A_193 = vector.broadcast %lt3A_192 : i32 to vector<16xi32>
    %lt3A_194 = arith.cmpi slt, %rem3A_188, %lt3A_193 : vector<16xi32>
    %lt3A_195 = arith.constant 0 : i32
    %lt3A_196 = arith.cmpi slt, %select_n3A_186, %lt3A_195 : i32
    %ne3A_197 = vector.broadcast %lt3A_196 : i1 to vector<16xi1>
    %ne3A_198 = vector.broadcast %ne3A_197 : vector<16xi1> to vector<16xi1>
    %ne3A_199 = arith.xori %lt3A_194, %ne3A_198 : vector<16xi1>
    %and3A_200 = arith.andi %ne3A_199, %ne3A_191 : vector<16xi1>
    %add3A_201 = vector.broadcast %select_n3A_186 : i32 to vector<16xi32>
    %add3A_202 = arith.addi %rem3A_188, %add3A_201 : vector<16xi32>
    %select_n3A_203 = arith.select %and3A_200, %add3A_202, %rem3A_188 : vector<16xi1>, vector<16xi32>
    %add3A_204 = arith.constant 48 : i32
    %add3A_205 = vector.broadcast %add3A_204 : i32 to vector<16xi32>
    %add3A_206 = arith.addi %iota3A, %add3A_205 : vector<16xi32>
    %jit3A_207 = arith.constant 8 : i32
    %eq3A_208 = arith.constant 0 : i32
    %eq3A_209 = arith.cmpi eq, %jit3A_207, %eq3A_208 : i32
    %jit3A_210 = arith.constant 1 : i32
    %select_n3A_211 = arith.select %eq3A_209, %jit3A_210, %jit3A_207 : i32
    %rem3A_212 = vector.broadcast %select_n3A_211 : i32 to vector<16xi32>
    %rem3A_213 = arith.remsi %add3A_206, %rem3A_212 : vector<16xi32>
    %ne3A_214 = arith.constant 0 : i32
    %ne3A_215 = vector.broadcast %ne3A_214 : i32 to vector<16xi32>
    %ne3A_216 = arith.cmpi ne, %rem3A_213, %ne3A_215 : vector<16xi32>
    %lt3A_217 = arith.constant 0 : i32
    %lt3A_218 = vector.broadcast %lt3A_217 : i32 to vector<16xi32>
    %lt3A_219 = arith.cmpi slt, %rem3A_213, %lt3A_218 : vector<16xi32>
    %lt3A_220 = arith.constant 0 : i32
    %lt3A_221 = arith.cmpi slt, %select_n3A_211, %lt3A_220 : i32
    %ne3A_222 = vector.broadcast %lt3A_221 : i1 to vector<16xi1>
    %ne3A_223 = vector.broadcast %ne3A_222 : vector<16xi1> to vector<16xi1>
    %ne3A_224 = arith.xori %lt3A_219, %ne3A_223 : vector<16xi1>
    %and3A_225 = arith.andi %ne3A_224, %ne3A_216 : vector<16xi1>
    %add3A_226 = vector.broadcast %select_n3A_211 : i32 to vector<16xi32>
    %add3A_227 = arith.addi %rem3A_213, %add3A_226 : vector<16xi32>
    %select_n3A_228 = arith.select %and3A_225, %add3A_227, %rem3A_213 : vector<16xi1>, vector<16xi32>
    %add3A_229 = arith.constant 0 : i32
    %add3A_230 = vector.broadcast %add3A_229 : i32 to vector<16xi32>
    %add3A_231 = arith.addi %iota3A, %add3A_230 : vector<16xi32>
    %broadcast_in_dim3A = arith.constant 0 : i32
    %broadcast_in_dim3A_232 = vector.broadcast %broadcast_in_dim3A : i32 to vector<16xi32>
    %gather3A = tpu.vector_load_idx %arg6[%add3A_231, %broadcast_in_dim3A_232] : memref<128x200xi32, #tpu.memory_space<vmem>>[vector<16xi32>, vector<16xi32>], vector<16xi32>,
    %swap3A = arith.constant 0 : index
    %swap3A_233 = tpu.vector_load %arg8[%swap3A] {strides = array<i32>} : memref<256xi32, #tpu.memory_space<vmem>>, vector<16xi32>,
    tpu.vector_store %arg8[%swap3A], %gather3A {strides = array<i32>} : memref<256xi32, #tpu.memory_space<vmem>>, vector<16xi32>,
    %add3A_234 = arith.constant 16 : i32
    %add3A_235 = vector.broadcast %add3A_234 : i32 to vector<16xi32>
    %add3A_236 = arith.addi %iota3A, %add3A_235 : vector<16xi32>
    %broadcast_in_dim3A_237 = arith.constant 0 : i32
    %broadcast_in_dim3A_238 = vector.broadcast %broadcast_in_dim3A_237 : i32 to vector<16xi32>
    %gather3A_239 = tpu.vector_load_idx %arg6[%add3A_236, %broadcast_in_dim3A_238] : memref<128x200xi32, #tpu.memory_space<vmem>>[vector<16xi32>, vector<16xi32>], vector<16xi32>,
    %swap3A_240 = arith.constant 16 : index
    %swap3A_241 = tpu.vector_load %arg8[%swap3A_240] {strides = array<i32>} : memref<256xi32, #tpu.memory_space<vmem>>, vector<16xi32>,
    tpu.vector_store %arg8[%swap3A_240], %gather3A_239 {strides = array<i32>} : memref<256xi32, #tpu.memory_space<vmem>>, vector<16xi32>,
    %add3A_242 = arith.constant 32 : i32
    %add3A_243 = vector.broadcast %add3A_242 : i32 to vector<16xi32>
    %add3A_244 = arith.addi %iota3A, %add3A_243 : vector<16xi32>
    %broadcast_in_dim3A_245 = arith.constant 0 : i32
    %broadcast_in_dim3A_246 = vector.broadcast %broadcast_in_dim3A_245 : i32 to vector<16xi32>
    %gather3A_247 = tpu.vector_load_idx %arg6[%add3A_244, %broadcast_in_dim3A_246] : memref<128x200xi32, #tpu.memory_space<vmem>>[vector<16xi32>, vector<16xi32>], vector<16xi32>,
    %swap3A_248 = arith.constant 32 : index
    %swap3A_249 = tpu.vector_load %arg8[%swap3A_248] {strides = array<i32>} : memref<256xi32, #tpu.memory_space<vmem>>, vector<16xi32>,
    tpu.vector_store %arg8[%swap3A_248], %gather3A_247 {strides = array<i32>} : memref<256xi32, #tpu.memory_space<vmem>>, vector<16xi32>,
    %add3A_250 = arith.constant 48 : i32
    %add3A_251 = vector.broadcast %add3A_250 : i32 to vector<16xi32>
    %add3A_252 = arith.addi %iota3A, %add3A_251 : vector<16xi32>
    %broadcast_in_dim3A_253 = arith.constant 0 : i32
    %broadcast_in_dim3A_254 = vector.broadcast %broadcast_in_dim3A_253 : i32 to vector<16xi32>
    %gather3A_255 = tpu.vector_load_idx %arg6[%add3A_252, %broadcast_in_dim3A_254] : memref<128x200xi32, #tpu.memory_space<vmem>>[vector<16xi32>, vector<16xi32>], vector<16xi32>,
    %swap3A_256 = arith.constant 48 : index
    %swap3A_257 = tpu.vector_load %arg8[%swap3A_256] {strides = array<i32>} : memref<256xi32, #tpu.memory_space<vmem>>, vector<16xi32>,
    tpu.vector_store %arg8[%swap3A_256], %gather3A_255 {strides = array<i32>} : memref<256xi32, #tpu.memory_space<vmem>>, vector<16xi32>,
    %add3A_258 = arith.constant 64 : i32
    %add3A_259 = vector.broadcast %add3A_258 : i32 to vector<16xi32>
    %add3A_260 = arith.addi %iota3A, %add3A_259 : vector<16xi32>
    %broadcast_in_dim3A_261 = arith.constant 0 : i32
    %broadcast_in_dim3A_262 = vector.broadcast %broadcast_in_dim3A_261 : i32 to vector<16xi32>
    %gather3A_263 = tpu.vector_load_idx %arg6[%add3A_260, %broadcast_in_dim3A_262] : memref<128x200xi32, #tpu.memory_space<vmem>>[vector<16xi32>, vector<16xi32>], vector<16xi32>,
    %swap3A_264 = arith.constant 64 : index
    %swap3A_265 = tpu.vector_load %arg8[%swap3A_264] {strides = array<i32>} : memref<256xi32, #tpu.memory_space<vmem>>, vector<16xi32>,
    tpu.vector_store %arg8[%swap3A_264], %gather3A_263 {strides = array<i32>} : memref<256xi32, #tpu.memory_space<vmem>>, vector<16xi32>,
    %add3A_266 = arith.constant 80 : i32
    %add3A_267 = vector.broadcast %add3A_266 : i32 to vector<16xi32>
    %add3A_268 = arith.addi %iota3A, %add3A_267 : vector<16xi32>
    %broadcast_in_dim3A_269 = arith.constant 0 : i32
    %broadcast_in_dim3A_270 = vector.broadcast %broadcast_in_dim3A_269 : i32 to vector<16xi32>
    %gather3A_271 = tpu.vector_load_idx %arg6[%add3A_268, %broadcast_in_dim3A_270] : memref<128x200xi32, #tpu.memory_space<vmem>>[vector<16xi32>, vector<16xi32>], vector<16xi32>,
    %swap3A_272 = arith.constant 80 : index
    %swap3A_273 = tpu.vector_load %arg8[%swap3A_272] {strides = array<i32>} : memref<256xi32, #tpu.memory_space<vmem>>, vector<16xi32>,
    tpu.vector_store %arg8[%swap3A_272], %gather3A_271 {strides = array<i32>} : memref<256xi32, #tpu.memory_space<vmem>>, vector<16xi32>,
    %add3A_274 = arith.constant 96 : i32
    %add3A_275 = vector.broadcast %add3A_274 : i32 to vector<16xi32>
    %add3A_276 = arith.addi %iota3A, %add3A_275 : vector<16xi32>
    %broadcast_in_dim3A_277 = arith.constant 0 : i32
    %broadcast_in_dim3A_278 = vector.broadcast %broadcast_in_dim3A_277 : i32 to vector<16xi32>
    %gather3A_279 = tpu.vector_load_idx %arg6[%add3A_276, %broadcast_in_dim3A_278] : memref<128x200xi32, #tpu.memory_space<vmem>>[vector<16xi32>, vector<16xi32>], vector<16xi32>,
    %swap3A_280 = arith.constant 96 : index
    %swap3A_281 = tpu.vector_load %arg8[%swap3A_280] {strides = array<i32>} : memref<256xi32, #tpu.memory_space<vmem>>, vector<16xi32>,
    tpu.vector_store %arg8[%swap3A_280], %gather3A_279 {strides = array<i32>} : memref<256xi32, #tpu.memory_space<vmem>>, vector<16xi32>,
    %add3A_282 = arith.constant 112 : i32
    %add3A_283 = vector.broadcast %add3A_282 : i32 to vector<16xi32>
    %add3A_284 = arith.addi %iota3A, %add3A_283 : vector<16xi32>
    %broadcast_in_dim3A_285 = arith.constant 0 : i32
    %broadcast_in_dim3A_286 = vector.broadcast %broadcast_in_dim3A_285 : i32 to vector<16xi32>
    %gather3A_287 = tpu.vector_load_idx %arg6[%add3A_284, %broadcast_in_dim3A_286] : memref<128x200xi32, #tpu.memory_space<vmem>>[vector<16xi32>, vector<16xi32>], vector<16xi32>,
    %swap3A_288 = arith.constant 112 : index
    %swap3A_289 = tpu.vector_load %arg8[%swap3A_288] {strides = array<i32>} : memref<256xi32, #tpu.memory_space<vmem>>, vector<16xi32>,
    tpu.vector_store %arg8[%swap3A_288], %gather3A_287 {strides = array<i32>} : memref<256xi32, #tpu.memory_space<vmem>>, vector<16xi32>,
    %add3A_290 = arith.constant 0 : i32
    %add3A_291 = vector.broadcast %add3A_290 : i32 to vector<16xi32>
    %add3A_292 = arith.addi %iota3A, %add3A_291 : vector<16xi32>
    %broadcast_in_dim3A_293 = arith.constant 1 : i32
    %broadcast_in_dim3A_294 = vector.broadcast %broadcast_in_dim3A_293 : i32 to vector<16xi32>
    %gather3A_295 = tpu.vector_load_idx %arg6[%add3A_292, %broadcast_in_dim3A_294] : memref<128x200xi32, #tpu.memory_space<vmem>>[vector<16xi32>, vector<16xi32>], vector<16xi32>,
    %swap3A_296 = arith.constant 128 : index
    %swap3A_297 = tpu.vector_load %arg8[%swap3A_296] {strides = array<i32>} : memref<256xi32, #tpu.memory_space<vmem>>, vector<16xi32>,
    tpu.vector_store %arg8[%swap3A_296], %gather3A_295 {strides = array<i32>} : memref<256xi32, #tpu.memory_space<vmem>>, vector<16xi32>,
    %add3A_298 = arith.constant 16 : i32
    %add3A_299 = vector.broadcast %add3A_298 : i32 to vector<16xi32>
    %add3A_300 = arith.addi %iota3A, %add3A_299 : vector<16xi32>
    %broadcast_in_dim3A_301 = arith.constant 1 : i32
    %broadcast_in_dim3A_302 = vector.broadcast %broadcast_in_dim3A_301 : i32 to vector<16xi32>
    %gather3A_303 = tpu.vector_load_idx %arg6[%add3A_300, %broadcast_in_dim3A_302] : memref<128x200xi32, #tpu.memory_space<vmem>>[vector<16xi32>, vector<16xi32>], vector<16xi32>,
    %swap3A_304 = arith.constant 144 : index
    %swap3A_305 = tpu.vector_load %arg8[%swap3A_304] {strides = array<i32>} : memref<256xi32, #tpu.memory_space<vmem>>, vector<16xi32>,
    tpu.vector_store %arg8[%swap3A_304], %gather3A_303 {strides = array<i32>} : memref<256xi32, #tpu.memory_space<vmem>>, vector<16xi32>,
    %add3A_306 = arith.constant 32 : i32
    %add3A_307 = vector.broadcast %add3A_306 : i32 to vector<16xi32>
    %add3A_308 = arith.addi %iota3A, %add3A_307 : vector<16xi32>
    %broadcast_in_dim3A_309 = arith.constant 1 : i32
    %broadcast_in_dim3A_310 = vector.broadcast %broadcast_in_dim3A_309 : i32 to vector<16xi32>
    %gather3A_311 = tpu.vector_load_idx %arg6[%add3A_308, %broadcast_in_dim3A_310] : memref<128x200xi32, #tpu.memory_space<vmem>>[vector<16xi32>, vector<16xi32>], vector<16xi32>,
    %swap3A_312 = arith.constant 160 : index
    %swap3A_313 = tpu.vector_load %arg8[%swap3A_312] {strides = array<i32>} : memref<256xi32, #tpu.memory_space<vmem>>, vector<16xi32>,
    tpu.vector_store %arg8[%swap3A_312], %gather3A_311 {strides = array<i32>} : memref<256xi32, #tpu.memory_space<vmem>>, vector<16xi32>,
    %add3A_314 = arith.constant 48 : i32
    %add3A_315 = vector.broadcast %add3A_314 : i32 to vector<16xi32>
    %add3A_316 = arith.addi %iota3A, %add3A_315 : vector<16xi32>
    %broadcast_in_dim3A_317 = arith.constant 1 : i32
    %broadcast_in_dim3A_318 = vector.broadcast %broadcast_in_dim3A_317 : i32 to vector<16xi32>
    %gather3A_319 = tpu.vector_load_idx %arg6[%add3A_316, %broadcast_in_dim3A_318] : memref<128x200xi32, #tpu.memory_space<vmem>>[vector<16xi32>, vector<16xi32>], vector<16xi32>,
    %swap3A_320 = arith.constant 176 : index
    %swap3A_321 = tpu.vector_load %arg8[%swap3A_320] {strides = array<i32>} : memref<256xi32, #tpu.memory_space<vmem>>, vector<16xi32>,
    tpu.vector_store %arg8[%swap3A_320], %gather3A_319 {strides = array<i32>} : memref<256xi32, #tpu.memory_space<vmem>>, vector<16xi32>,
    %add3A_322 = arith.constant 64 : i32
    %add3A_323 = vector.broadcast %add3A_322 : i32 to vector<16xi32>
    %add3A_324 = arith.addi %iota3A, %add3A_323 : vector<16xi32>
    %broadcast_in_dim3A_325 = arith.constant 1 : i32
    %broadcast_in_dim3A_326 = vector.broadcast %broadcast_in_dim3A_325 : i32 to vector<16xi32>
    %gather3A_327 = tpu.vector_load_idx %arg6[%add3A_324, %broadcast_in_dim3A_326] : memref<128x200xi32, #tpu.memory_space<vmem>>[vector<16xi32>, vector<16xi32>], vector<16xi32>,
    %swap3A_328 = arith.constant 192 : index
    %swap3A_329 = tpu.vector_load %arg8[%swap3A_328] {strides = array<i32>} : memref<256xi32, #tpu.memory_space<vmem>>, vector<16xi32>,
    tpu.vector_store %arg8[%swap3A_328], %gather3A_327 {strides = array<i32>} : memref<256xi32, #tpu.memory_space<vmem>>, vector<16xi32>,
    %add3A_330 = arith.constant 80 : i32
    %add3A_331 = vector.broadcast %add3A_330 : i32 to vector<16xi32>
    %add3A_332 = arith.addi %iota3A, %add3A_331 : vector<16xi32>
    %broadcast_in_dim3A_333 = arith.constant 1 : i32
    %broadcast_in_dim3A_334 = vector.broadcast %broadcast_in_dim3A_333 : i32 to vector<16xi32>
    %gather3A_335 = tpu.vector_load_idx %arg6[%add3A_332, %broadcast_in_dim3A_334] : memref<128x200xi32, #tpu.memory_space<vmem>>[vector<16xi32>, vector<16xi32>], vector<16xi32>,
    %swap3A_336 = arith.constant 208 : index
    %swap3A_337 = tpu.vector_load %arg8[%swap3A_336] {strides = array<i32>} : memref<256xi32, #tpu.memory_space<vmem>>, vector<16xi32>,
    tpu.vector_store %arg8[%swap3A_336], %gather3A_335 {strides = array<i32>} : memref<256xi32, #tpu.memory_space<vmem>>, vector<16xi32>,
    %add3A_338 = arith.constant 96 : i32
    %add3A_339 = vector.broadcast %add3A_338 : i32 to vector<16xi32>
    %add3A_340 = arith.addi %iota3A, %add3A_339 : vector<16xi32>
    %broadcast_in_dim3A_341 = arith.constant 1 : i32
    %broadcast_in_dim3A_342 = vector.broadcast %broadcast_in_dim3A_341 : i32 to vector<16xi32>
    %gather3A_343 = tpu.vector_load_idx %arg6[%add3A_340, %broadcast_in_dim3A_342] : memref<128x200xi32, #tpu.memory_space<vmem>>[vector<16xi32>, vector<16xi32>], vector<16xi32>,
    %swap3A_344 = arith.constant 224 : index
    %swap3A_345 = tpu.vector_load %arg8[%swap3A_344] {strides = array<i32>} : memref<256xi32, #tpu.memory_space<vmem>>, vector<16xi32>,
    tpu.vector_store %arg8[%swap3A_344], %gather3A_343 {strides = array<i32>} : memref<256xi32, #tpu.memory_space<vmem>>, vector<16xi32>,
    %add3A_346 = arith.constant 112 : i32
    %add3A_347 = vector.broadcast %add3A_346 : i32 to vector<16xi32>
    %add3A_348 = arith.addi %iota3A, %add3A_347 : vector<16xi32>
    %broadcast_in_dim3A_349 = arith.constant 1 : i32
    %broadcast_in_dim3A_350 = vector.broadcast %broadcast_in_dim3A_349 : i32 to vector<16xi32>
    %gather3A_351 = tpu.vector_load_idx %arg6[%add3A_348, %broadcast_in_dim3A_350] : memref<128x200xi32, #tpu.memory_space<vmem>>[vector<16xi32>, vector<16xi32>], vector<16xi32>,
    %swap3A_352 = arith.constant 240 : index
    %swap3A_353 = tpu.vector_load %arg8[%swap3A_352] {strides = array<i32>} : memref<256xi32, #tpu.memory_space<vmem>>, vector<16xi32>,
    tpu.vector_store %arg8[%swap3A_352], %gather3A_351 {strides = array<i32>} : memref<256xi32, #tpu.memory_space<vmem>>, vector<16xi32>,
    %dma_start3A = arith.constant 0 : i32
    %dma_start3A_354 = arith.constant 0 : i32
    %dma_start3A_355 = tpu.memref_slice %arg3[%dma_start3A, %dma_start3A_354] : memref<1000000x64xf32, #tpu.memory_space<hbm>> -> memref<1000000x64xf32, #tpu.memory_space<hbm>>
    tpu.enqueue_indirect_dma source(%dma_start3A_355 : memref<1000000x64xf32, #tpu.memory_space<hbm>>) target(%arg10 : memref<256x64xf32, #tpu.memory_space<vmem>>) offsets(%arg8 : memref<256xi32, #tpu.memory_space<vmem>>) semaphore(%arg14 : memref<!tpu.dma_semaphore, #tpu.memory_space<semaphore_mem>>)
    %scan3A = arith.constant 0 : i32
    %scan3A_356 = arith.constant 0 : i32
    %scan3A_357 = arith.constant 50 : i32
    %scan3A_358 = arith.addi %scan3A_356, %scan3A_357 : i32
    %scan3A_359 = arith.constant 1 : i32
    scf.for %scan3A_404 = %scan3A_356 to %scan3A_358 step %scan3A_359  : i32 {
      %mul3A_405 = arith.constant 2 : i32
      %mul3A_406 = arith.muli %mul3A_405, %scan3A_404 : i32
      %add3A_407 = arith.constant 1 : i32
      %add3A_408 = arith.addi %mul3A_406, %add3A_407 : i32
      %mul3A_409 = arith.constant 2 : i32
      %mul3A_410 = arith.muli %mul3A_409, %mul3A_406 : i32
      %mul3A_411 = arith.constant 2 : i32
      %mul3A_412 = arith.muli %mul3A_411, %add3A_408 : i32
      %add3A_413 = arith.constant 0 : i32
      %add3A_414 = vector.broadcast %add3A_413 : i32 to vector<16xi32>
      %add3A_415 = arith.addi %iota3A, %add3A_414 : vector<16xi32>
      %add3A_416 = arith.constant 0 : i32
      %add3A_417 = arith.addi %mul3A_412, %add3A_416 : i32
      %broadcast_in_dim3A_418 = vector.broadcast %add3A_417 : i32 to vector<16xi32>
      %gather3A_419 = tpu.vector_load_idx %arg6[%add3A_415, %broadcast_in_dim3A_418] : memref<128x200xi32, #tpu.memory_space<vmem>>[vector<16xi32>, vector<16xi32>], vector<16xi32>,
      %swap3A_420 = arith.constant 0 : index
      %swap3A_421 = tpu.vector_load %arg9[%swap3A_420] {strides = array<i32>} : memref<256xi32, #tpu.memory_space<vmem>>, vector<16xi32>,
      tpu.vector_store %arg9[%swap3A_420], %gather3A_419 {strides = array<i32>} : memref<256xi32, #tpu.memory_space<vmem>>, vector<16xi32>,
      %add3A_422 = arith.constant 16 : i32
      %add3A_423 = vector.broadcast %add3A_422 : i32 to vector<16xi32>
      %add3A_424 = arith.addi %iota3A, %add3A_423 : vector<16xi32>
      %add3A_425 = arith.constant 0 : i32
      %add3A_426 = arith.addi %mul3A_412, %add3A_425 : i32
      %broadcast_in_dim3A_427 = vector.broadcast %add3A_426 : i32 to vector<16xi32>
      %gather3A_428 = tpu.vector_load_idx %arg6[%add3A_424, %broadcast_in_dim3A_427] : memref<128x200xi32, #tpu.memory_space<vmem>>[vector<16xi32>, vector<16xi32>], vector<16xi32>,
      %swap3A_429 = arith.constant 16 : index
      %swap3A_430 = tpu.vector_load %arg9[%swap3A_429] {strides = array<i32>} : memref<256xi32, #tpu.memory_space<vmem>>, vector<16xi32>,
      tpu.vector_store %arg9[%swap3A_429], %gather3A_428 {strides = array<i32>} : memref<256xi32, #tpu.memory_space<vmem>>, vector<16xi32>,
      %add3A_431 = arith.constant 32 : i32
      %add3A_432 = vector.broadcast %add3A_431 : i32 to vector<16xi32>
      %add3A_433 = arith.addi %iota3A, %add3A_432 : vector<16xi32>
      %add3A_434 = arith.constant 0 : i32
      %add3A_435 = arith.addi %mul3A_412, %add3A_434 : i32
      %broadcast_in_dim3A_436 = vector.broadcast %add3A_435 : i32 to vector<16xi32>
      %gather3A_437 = tpu.vector_load_idx %arg6[%add3A_433, %broadcast_in_dim3A_436] : memref<128x200xi32, #tpu.memory_space<vmem>>[vector<16xi32>, vector<16xi32>], vector<16xi32>,
      %swap3A_438 = arith.constant 32 : index
      %swap3A_439 = tpu.vector_load %arg9[%swap3A_438] {strides = array<i32>} : memref<256xi32, #tpu.memory_space<vmem>>, vector<16xi32>,
      tpu.vector_store %arg9[%swap3A_438], %gather3A_437 {strides = array<i32>} : memref<256xi32, #tpu.memory_space<vmem>>, vector<16xi32>,
      %add3A_440 = arith.constant 48 : i32
      %add3A_441 = vector.broadcast %add3A_440 : i32 to vector<16xi32>
      %add3A_442 = arith.addi %iota3A, %add3A_441 : vector<16xi32>
      %add3A_443 = arith.constant 0 : i32
      %add3A_444 = arith.addi %mul3A_412, %add3A_443 : i32
      %broadcast_in_dim3A_445 = vector.broadcast %add3A_444 : i32 to vector<16xi32>
      %gather3A_446 = tpu.vector_load_idx %arg6[%add3A_442, %broadcast_in_dim3A_445] : memref<128x200xi32, #tpu.memory_space<vmem>>[vector<16xi32>, vector<16xi32>], vector<16xi32>,
      %swap3A_447 = arith.constant 48 : index
      %swap3A_448 = tpu.vector_load %arg9[%swap3A_447] {strides = array<i32>} : memref<256xi32, #tpu.memory_space<vmem>>, vector<16xi32>,
      tpu.vector_store %arg9[%swap3A_447], %gather3A_446 {strides = array<i32>} : memref<256xi32, #tpu.memory_space<vmem>>, vector<16xi32>,
      %add3A_449 = arith.constant 64 : i32
      %add3A_450 = vector.broadcast %add3A_449 : i32 to vector<16xi32>
      %add3A_451 = arith.addi %iota3A, %add3A_450 : vector<16xi32>
      %add3A_452 = arith.constant 0 : i32
      %add3A_453 = arith.addi %mul3A_412, %add3A_452 : i32
      %broadcast_in_dim3A_454 = vector.broadcast %add3A_453 : i32 to vector<16xi32>
      %gather3A_455 = tpu.vector_load_idx %arg6[%add3A_451, %broadcast_in_dim3A_454] : memref<128x200xi32, #tpu.memory_space<vmem>>[vector<16xi32>, vector<16xi32>], vector<16xi32>,
      %swap3A_456 = arith.constant 64 : index
      %swap3A_457 = tpu.vector_load %arg9[%swap3A_456] {strides = array<i32>} : memref<256xi32, #tpu.memory_space<vmem>>, vector<16xi32>,
      tpu.vector_store %arg9[%swap3A_456], %gather3A_455 {strides = array<i32>} : memref<256xi32, #tpu.memory_space<vmem>>, vector<16xi32>,
      %add3A_458 = arith.constant 80 : i32
      %add3A_459 = vector.broadcast %add3A_458 : i32 to vector<16xi32>
      %add3A_460 = arith.addi %iota3A, %add3A_459 : vector<16xi32>
      %add3A_461 = arith.constant 0 : i32
      %add3A_462 = arith.addi %mul3A_412, %add3A_461 : i32
      %broadcast_in_dim3A_463 = vector.broadcast %add3A_462 : i32 to vector<16xi32>
      %gather3A_464 = tpu.vector_load_idx %arg6[%add3A_460, %broadcast_in_dim3A_463] : memref<128x200xi32, #tpu.memory_space<vmem>>[vector<16xi32>, vector<16xi32>], vector<16xi32>,
      %swap3A_465 = arith.constant 80 : index
      %swap3A_466 = tpu.vector_load %arg9[%swap3A_465] {strides = array<i32>} : memref<256xi32, #tpu.memory_space<vmem>>, vector<16xi32>,
      tpu.vector_store %arg9[%swap3A_465], %gather3A_464 {strides = array<i32>} : memref<256xi32, #tpu.memory_space<vmem>>, vector<16xi32>,
      %add3A_467 = arith.constant 96 : i32
      %add3A_468 = vector.broadcast %add3A_467 : i32 to vector<16xi32>
      %add3A_469 = arith.addi %iota3A, %add3A_468 : vector<16xi32>
      %add3A_470 = arith.constant 0 : i32
      %add3A_471 = arith.addi %mul3A_412, %add3A_470 : i32
      %broadcast_in_dim3A_472 = vector.broadcast %add3A_471 : i32 to vector<16xi32>
      %gather3A_473 = tpu.vector_load_idx %arg6[%add3A_469, %broadcast_in_dim3A_472] : memref<128x200xi32, #tpu.memory_space<vmem>>[vector<16xi32>, vector<16xi32>], vector<16xi32>,
      %swap3A_474 = arith.constant 96 : index
      %swap3A_475 = tpu.vector_load %arg9[%swap3A_474] {strides = array<i32>} : memref<256xi32, #tpu.memory_space<vmem>>, vector<16xi32>,
      tpu.vector_store %arg9[%swap3A_474], %gather3A_473 {strides = array<i32>} : memref<256xi32, #tpu.memory_space<vmem>>, vector<16xi32>,
      %add3A_476 = arith.constant 112 : i32
      %add3A_477 = vector.broadcast %add3A_476 : i32 to vector<16xi32>
      %add3A_478 = arith.addi %iota3A, %add3A_477 : vector<16xi32>
      %add3A_479 = arith.constant 0 : i32
      %add3A_480 = arith.addi %mul3A_412, %add3A_479 : i32
      %broadcast_in_dim3A_481 = vector.broadcast %add3A_480 : i32 to vector<16xi32>
      %gather3A_482 = tpu.vector_load_idx %arg6[%add3A_478, %broadcast_in_dim3A_481] : memref<128x200xi32, #tpu.memory_space<vmem>>[vector<16xi32>, vector<16xi32>], vector<16xi32>,
      %swap3A_483 = arith.constant 112 : index
      %swap3A_484 = tpu.vector_load %arg9[%swap3A_483] {strides = array<i32>} : memref<256xi32, #tpu.memory_space<vmem>>, vector<16xi32>,
      tpu.vector_store %arg9[%swap3A_483], %gather3A_482 {strides = array<i32>} : memref<256xi32, #tpu.memory_space<vmem>>, vector<16xi32>,
      %add3A_485 = arith.constant 0 : i32
      %add3A_486 = vector.broadcast %add3A_485 : i32 to vector<16xi32>
      %add3A_487 = arith.addi %iota3A, %add3A_486 : vector<16xi32>
      %add3A_488 = arith.constant 1 : i32
      %add3A_489 = arith.addi %mul3A_412, %add3A_488 : i32
      %broadcast_in_dim3A_490 = vector.broadcast %add3A_489 : i32 to vector<16xi32>
      %gather3A_491 = tpu.vector_load_idx %arg6[%add3A_487, %broadcast_in_dim3A_490] : memref<128x200xi32, #tpu.memory_space<vmem>>[vector<16xi32>, vector<16xi32>], vector<16xi32>,
      %swap3A_492 = arith.constant 128 : index
      %swap3A_493 = tpu.vector_load %arg9[%swap3A_492] {strides = array<i32>} : memref<256xi32, #tpu.memory_space<vmem>>, vector<16xi32>,
      tpu.vector_store %arg9[%swap3A_492], %gather3A_491 {strides = array<i32>} : memref<256xi32, #tpu.memory_space<vmem>>, vector<16xi32>,
      %add3A_494 = arith.constant 16 : i32
      %add3A_495 = vector.broadcast %add3A_494 : i32 to vector<16xi32>
      %add3A_496 = arith.addi %iota3A, %add3A_495 : vector<16xi32>
      %add3A_497 = arith.constant 1 : i32
      %add3A_498 = arith.addi %mul3A_412, %add3A_497 : i32
      %broadcast_in_dim3A_499 = vector.broadcast %add3A_498 : i32 to vector<16xi32>
      %gather3A_500 = tpu.vector_load_idx %arg6[%add3A_496, %broadcast_in_dim3A_499] : memref<128x200xi32, #tpu.memory_space<vmem>>[vector<16xi32>, vector<16xi32>], vector<16xi32>,
      %swap3A_501 = arith.constant 144 : index
      %swap3A_502 = tpu.vector_load %arg9[%swap3A_501] {strides = array<i32>} : memref<256xi32, #tpu.memory_space<vmem>>, vector<16xi32>,
      tpu.vector_store %arg9[%swap3A_501], %gather3A_500 {strides = array<i32>} : memref<256xi32, #tpu.memory_space<vmem>>, vector<16xi32>,
      %add3A_503 = arith.constant 32 : i32
      %add3A_504 = vector.broadcast %add3A_503 : i32 to vector<16xi32>
      %add3A_505 = arith.addi %iota3A, %add3A_504 : vector<16xi32>
      %add3A_506 = arith.constant 1 : i32
      %add3A_507 = arith.addi %mul3A_412, %add3A_506 : i32
      %broadcast_in_dim3A_508 = vector.broadcast %add3A_507 : i32 to vector<16xi32>
      %gather3A_509 = tpu.vector_load_idx %arg6[%add3A_505, %broadcast_in_dim3A_508] : memref<128x200xi32, #tpu.memory_space<vmem>>[vector<16xi32>, vector<16xi32>], vector<16xi32>,
      %swap3A_510 = arith.constant 160 : index
      %swap3A_511 = tpu.vector_load %arg9[%swap3A_510] {strides = array<i32>} : memref<256xi32, #tpu.memory_space<vmem>>, vector<16xi32>,
      tpu.vector_store %arg9[%swap3A_510], %gather3A_509 {strides = array<i32>} : memref<256xi32, #tpu.memory_space<vmem>>, vector<16xi32>,
      %add3A_512 = arith.constant 48 : i32
      %add3A_513 = vector.broadcast %add3A_512 : i32 to vector<16xi32>
      %add3A_514 = arith.addi %iota3A, %add3A_513 : vector<16xi32>
      %add3A_515 = arith.constant 1 : i32
      %add3A_516 = arith.addi %mul3A_412, %add3A_515 : i32
      %broadcast_in_dim3A_517 = vector.broadcast %add3A_516 : i32 to vector<16xi32>
      %gather3A_518 = tpu.vector_load_idx %arg6[%add3A_514, %broadcast_in_dim3A_517] : memref<128x200xi32, #tpu.memory_space<vmem>>[vector<16xi32>, vector<16xi32>], vector<16xi32>,
      %swap3A_519 = arith.constant 176 : index
      %swap3A_520 = tpu.vector_load %arg9[%swap3A_519] {strides = array<i32>} : memref<256xi32, #tpu.memory_space<vmem>>, vector<16xi32>,
      tpu.vector_store %arg9[%swap3A_519], %gather3A_518 {strides = array<i32>} : memref<256xi32, #tpu.memory_space<vmem>>, vector<16xi32>,
      %add3A_521 = arith.constant 64 : i32
      %add3A_522 = vector.broadcast %add3A_521 : i32 to vector<16xi32>
      %add3A_523 = arith.addi %iota3A, %add3A_522 : vector<16xi32>
      %add3A_524 = arith.constant 1 : i32
      %add3A_525 = arith.addi %mul3A_412, %add3A_524 : i32
      %broadcast_in_dim3A_526 = vector.broadcast %add3A_525 : i32 to vector<16xi32>
      %gather3A_527 = tpu.vector_load_idx %arg6[%add3A_523, %broadcast_in_dim3A_526] : memref<128x200xi32, #tpu.memory_space<vmem>>[vector<16xi32>, vector<16xi32>], vector<16xi32>,
      %swap3A_528 = arith.constant 192 : index
      %swap3A_529 = tpu.vector_load %arg9[%swap3A_528] {strides = array<i32>} : memref<256xi32, #tpu.memory_space<vmem>>, vector<16xi32>,
      tpu.vector_store %arg9[%swap3A_528], %gather3A_527 {strides = array<i32>} : memref<256xi32, #tpu.memory_space<vmem>>, vector<16xi32>,
      %add3A_530 = arith.constant 80 : i32
      %add3A_531 = vector.broadcast %add3A_530 : i32 to vector<16xi32>
      %add3A_532 = arith.addi %iota3A, %add3A_531 : vector<16xi32>
      %add3A_533 = arith.constant 1 : i32
      %add3A_534 = arith.addi %mul3A_412, %add3A_533 : i32
      %broadcast_in_dim3A_535 = vector.broadcast %add3A_534 : i32 to vector<16xi32>
      %gather3A_536 = tpu.vector_load_idx %arg6[%add3A_532, %broadcast_in_dim3A_535] : memref<128x200xi32, #tpu.memory_space<vmem>>[vector<16xi32>, vector<16xi32>], vector<16xi32>,
      %swap3A_537 = arith.constant 208 : index
      %swap3A_538 = tpu.vector_load %arg9[%swap3A_537] {strides = array<i32>} : memref<256xi32, #tpu.memory_space<vmem>>, vector<16xi32>,
      tpu.vector_store %arg9[%swap3A_537], %gather3A_536 {strides = array<i32>} : memref<256xi32, #tpu.memory_space<vmem>>, vector<16xi32>,
      %add3A_539 = arith.constant 96 : i32
      %add3A_540 = vector.broadcast %add3A_539 : i32 to vector<16xi32>
      %add3A_541 = arith.addi %iota3A, %add3A_540 : vector<16xi32>
      %add3A_542 = arith.constant 1 : i32
      %add3A_543 = arith.addi %mul3A_412, %add3A_542 : i32
      %broadcast_in_dim3A_544 = vector.broadcast %add3A_543 : i32 to vector<16xi32>
      %gather3A_545 = tpu.vector_load_idx %arg6[%add3A_541, %broadcast_in_dim3A_544] : memref<128x200xi32, #tpu.memory_space<vmem>>[vector<16xi32>, vector<16xi32>], vector<16xi32>,
      %swap3A_546 = arith.constant 224 : index
      %swap3A_547 = tpu.vector_load %arg9[%swap3A_546] {strides = array<i32>} : memref<256xi32, #tpu.memory_space<vmem>>, vector<16xi32>,
      tpu.vector_store %arg9[%swap3A_546], %gather3A_545 {strides = array<i32>} : memref<256xi32, #tpu.memory_space<vmem>>, vector<16xi32>,
      %add3A_548 = arith.constant 112 : i32
      %add3A_549 = vector.broadcast %add3A_548 : i32 to vector<16xi32>
      %add3A_550 = arith.addi %iota3A, %add3A_549 : vector<16xi32>
      %add3A_551 = arith.constant 1 : i32
      %add3A_552 = arith.addi %mul3A_412, %add3A_551 : i32
      %broadcast_in_dim3A_553 = vector.broadcast %add3A_552 : i32 to vector<16xi32>
      %gather3A_554 = tpu.vector_load_idx %arg6[%add3A_550, %broadcast_in_dim3A_553] : memref<128x200xi32, #tpu.memory_space<vmem>>[vector<16xi32>, vector<16xi32>], vector<16xi32>,
      %swap3A_555 = arith.constant 240 : index
      %swap3A_556 = tpu.vector_load %arg9[%swap3A_555] {strides = array<i32>} : memref<256xi32, #tpu.memory_space<vmem>>, vector<16xi32>,
      tpu.vector_store %arg9[%swap3A_555], %gather3A_554 {strides = array<i32>} : memref<256xi32, #tpu.memory_space<vmem>>, vector<16xi32>,
      %dma_start3A_557 = arith.constant 0 : i32
      %dma_start3A_558 = arith.constant 0 : i32
      %dma_start3A_559 = tpu.memref_slice %arg3[%dma_start3A_557, %dma_start3A_558] : memref<1000000x64xf32, #tpu.memory_space<hbm>> -> memref<1000000x64xf32, #tpu.memory_space<hbm>>
      tpu.enqueue_indirect_dma source(%dma_start3A_559 : memref<1000000x64xf32, #tpu.memory_space<hbm>>) target(%arg11 : memref<256x64xf32, #tpu.memory_space<vmem>>) offsets(%arg9 : memref<256xi32, #tpu.memory_space<vmem>>) semaphore(%arg15 : memref<!tpu.dma_semaphore, #tpu.memory_space<semaphore_mem>>)
      %dma_wait3A_560 = arith.constant 0 : i32
      %dma_wait3A_561 = arith.constant 0 : i32
      %dma_wait3A_562 = tpu.memref_slice %arg3[%dma_wait3A_560, %dma_wait3A_561] : memref<1000000x64xf32, #tpu.memory_space<hbm>> -> memref<1000000x64xf32, #tpu.memory_space<hbm>>
      tpu.wait_indirect_dma semaphore(%arg14 : memref<!tpu.dma_semaphore, #tpu.memory_space<semaphore_mem>>) src(%dma_wait3A_562 : memref<1000000x64xf32, #tpu.memory_space<hbm>>) dst(%arg10 : memref<256x64xf32, #tpu.memory_space<vmem>>)
      %gt3A = arith.constant 0 : i32
      %gt3A_563 = arith.cmpi sgt, %scan3A_404, %gt3A : i32
      %convert_element_type3A = arith.extui %gt3A_563 : i1 to i32
      %cond3A = arith.constant 0 : i32
      %cond3A_564 = arith.cmpi ne, %convert_element_type3A, %cond3A : i32
      scf.if %cond3A_564 {
        %dma_wait3A_688 = arith.constant 0 : i32
        %dma_wait3A_689 = arith.constant 0 : i32
        %dma_wait3A_690 = arith.constant 0 : i32
        %dma_wait3A_691 = arith.constant 0 : i32
        %dma_wait3A_692 = tpu.memref_slice %arg12[%dma_wait3A_688, %dma_wait3A_689, %dma_wait3A_690, %dma_wait3A_691] : memref<2x8x8x129xf32, #tpu.memory_space<vmem>> -> memref<2x8x8x128xf32, #tpu.memory_space<vmem>>
        %dma_wait3A_693 = arith.constant 0 : i32
        %dma_wait3A_694 = arith.constant 0 : i32
        %dma_wait3A_695 = arith.constant 0 : i32
        %dma_wait3A_696 = arith.constant 0 : i32
        %dma_wait3A_697 = tpu.memref_slice %arg5[%dma_wait3A_693, %dma_wait3A_694, %add3A, %dma_wait3A_695, %dma_wait3A_696] : memref<200x8x32x8x128xf32, #tpu.memory_space<hbm>> -> memref<2x8x1x8x128xf32, #tpu.memory_space<hbm>>
        %dma_wait3A_698 = tpu.memref_squeeze %dma_wait3A_697 : memref<2x8x1x8x128xf32, #tpu.memory_space<hbm>> -> memref<2x8x8x128xf32, #tpu.memory_space<hbm>>
        %dma_wait3A_699 = arith.constant 0 : i32
        %dma_wait3A_700 = arith.constant 0 : i32
        %dma_wait3A_701 = arith.constant 0 : i32
        %dma_wait3A_702 = arith.constant 0 : i32
        %dma_wait3A_703 = tpu.memref_slice %arg5[%dma_wait3A_699, %dma_wait3A_700, %add3A, %dma_wait3A_701, %dma_wait3A_702] : memref<200x8x32x8x128xf32, #tpu.memory_space<hbm>> -> memref<2x8x1x8x128xf32, #tpu.memory_space<hbm>>
        %dma_wait3A_704 = tpu.memref_squeeze %dma_wait3A_703 : memref<2x8x1x8x128xf32, #tpu.memory_space<hbm>> -> memref<2x8x8x128xf32, #tpu.memory_space<hbm>>
        %dma_wait3A_705 = arith.constant 0 : i32
        %dma_wait3A_706 = arith.constant 0 : i32
        %dma_wait3A_707 = arith.constant 0 : i32
        %dma_wait3A_708 = arith.constant 0 : i32
        %dma_wait3A_709 = tpu.memref_slice %arg12[%dma_wait3A_705, %dma_wait3A_706, %dma_wait3A_707, %dma_wait3A_708] : memref<2x8x8x129xf32, #tpu.memory_space<vmem>> -> memref<2x8x8x128xf32, #tpu.memory_space<vmem>>
        tpu.wait_dma2 semaphore(%arg16 : memref<!tpu.dma_semaphore, #tpu.memory_space<semaphore_mem>>) src(%dma_wait3A_709 : memref<2x8x8x128xf32, #tpu.memory_space<vmem>>) dst(%dma_wait3A_704 : memref<2x8x8x128xf32, #tpu.memory_space<hbm>>)
      } else {
      }
      %get3A = arith.index_cast %mul3A_410 : i32 to index
      %get3A_565 = arith.constant 0 : index
      %get3A_566 = tpu.vector_load %arg7[%get3A, %get3A_565] {strides = array<i32>} : memref<200x64xf32, #tpu.memory_space<vmem>>, vector<16xf32>,
      %get3A_567 = arith.index_cast %mul3A_410 : i32 to index
      %get3A_568 = arith.constant 16 : index
      %get3A_569 = tpu.vector_load %arg7[%get3A_567, %get3A_568] {strides = array<i32>} : memref<200x64xf32, #tpu.memory_space<vmem>>, vector<16xf32>,
      %get3A_570 = arith.index_cast %mul3A_410 : i32 to index
      %get3A_571 = arith.constant 32 : index
      %get3A_572 = tpu.vector_load %arg7[%get3A_570, %get3A_571] {strides = array<i32>} : memref<200x64xf32, #tpu.memory_space<vmem>>, vector<16xf32>,
      %get3A_573 = arith.index_cast %mul3A_410 : i32 to index
      %get3A_574 = arith.constant 48 : index
      %get3A_575 = tpu.vector_load %arg7[%get3A_573, %get3A_574] {strides = array<i32>} : memref<200x64xf32, #tpu.memory_space<vmem>>, vector<16xf32>,
      %parallel_loop3A = arith.constant 0 : i32
      %parallel_loop3A_576 = arith.constant 128 : i32
      %parallel_loop3A_577 = arith.constant 1 : i32
      %parallel_loop3A_578 = arith.constant 0 : i32
      scf.for %parallel_loop3A_688 = %parallel_loop3A to %parallel_loop3A_576 step %parallel_loop3A_577  : i32 {
        %parallel_loop3A_689 = vector.broadcast %parallel_loop3A_688 : i32 to vector<16xi32>
        %parallel_loop3A_690 = arith.constant 0 : i32
        %parallel_loop3A_691 = arith.constant 0 : i32
        %parallel_loop3A_692 = tpu.memref_slice %arg10[%parallel_loop3A_690, %parallel_loop3A_691] : memref<256x64xf32, #tpu.memory_space<vmem>> -> memref<128x64xf32, #tpu.memory_space<vmem>>
        %parallel_loop3A_693 = arith.index_cast %parallel_loop3A_688 : i32 to index
        %parallel_loop3A_694 = arith.constant 0 : index
        %parallel_loop3A_695 = tpu.vector_load %parallel_loop3A_692[%parallel_loop3A_693, %parallel_loop3A_694] {strides = array<i32>} : memref<128x64xf32, #tpu.memory_space<vmem>>, vector<16xf32>,
        %parallel_loop3A_696 = arith.constant 8.000000e+00 : f32
        %parallel_loop3A_697 = vector.broadcast %parallel_loop3A_696 : f32 to vector<16xf32>
        %parallel_loop3A_698 = arith.mulf %parallel_loop3A_695, %parallel_loop3A_697 : vector<16xf32>
        %parallel_loop3A_699 = arith.addf %parallel_loop3A_698, %get3A_566 : vector<16xf32>
        %parallel_loop3A_700 = arith.constant 0 : i32
        %parallel_loop3A_701 = arith.constant 0 : i32
        %parallel_loop3A_702 = arith.constant 0 : i32
        %parallel_loop3A_703 = tpu.memref_slice %arg12[%parallel_loop3A_578, %parallel_loop3A_700, %parallel_loop3A_701, %parallel_loop3A_702] : memref<2x8x8x129xf32, #tpu.memory_space<vmem>> -> memref<1x8x8x129xf32, #tpu.memory_space<vmem>>
        %parallel_loop3A_704 = tpu.memref_squeeze %parallel_loop3A_703 : memref<1x8x8x129xf32, #tpu.memory_space<vmem>> -> memref<8x8x129xf32, #tpu.memory_space<vmem>>
        tpu.vector_store_idx %parallel_loop3A_704[%select_n3A, %select_n3A_153, %parallel_loop3A_689], %parallel_loop3A_699 : memref<8x8x129xf32, #tpu.memory_space<vmem>>[vector<16xi32>, vector<16xi32>, vector<16xi32>], vector<16xf32>,
        %parallel_loop3A_705 = arith.constant 0 : i32
        %parallel_loop3A_706 = arith.constant 0 : i32
        %parallel_loop3A_707 = tpu.memref_slice %arg10[%parallel_loop3A_705, %parallel_loop3A_706] : memref<256x64xf32, #tpu.memory_space<vmem>> -> memref<128x64xf32, #tpu.memory_space<vmem>>
        %parallel_loop3A_708 = arith.index_cast %parallel_loop3A_688 : i32 to index
        %parallel_loop3A_709 = arith.constant 16 : index
        %parallel_loop3A_710 = tpu.vector_load %parallel_loop3A_707[%parallel_loop3A_708, %parallel_loop3A_709] {strides = array<i32>} : memref<128x64xf32, #tpu.memory_space<vmem>>, vector<16xf32>,
        %parallel_loop3A_711 = arith.constant 8.000000e+00 : f32
        %parallel_loop3A_712 = vector.broadcast %parallel_loop3A_711 : f32 to vector<16xf32>
        %parallel_loop3A_713 = arith.mulf %parallel_loop3A_710, %parallel_loop3A_712 : vector<16xf32>
        %parallel_loop3A_714 = arith.addf %parallel_loop3A_713, %get3A_569 : vector<16xf32>
        %parallel_loop3A_715 = arith.constant 0 : i32
        %parallel_loop3A_716 = arith.constant 0 : i32
        %parallel_loop3A_717 = arith.constant 0 : i32
        %parallel_loop3A_718 = tpu.memref_slice %arg12[%parallel_loop3A_578, %parallel_loop3A_715, %parallel_loop3A_716, %parallel_loop3A_717] : memref<2x8x8x129xf32, #tpu.memory_space<vmem>> -> memref<1x8x8x129xf32, #tpu.memory_space<vmem>>
        %parallel_loop3A_719 = tpu.memref_squeeze %parallel_loop3A_718 : memref<1x8x8x129xf32, #tpu.memory_space<vmem>> -> memref<8x8x129xf32, #tpu.memory_space<vmem>>
        tpu.vector_store_idx %parallel_loop3A_719[%select_n3A_62, %select_n3A_178, %parallel_loop3A_689], %parallel_loop3A_714 : memref<8x8x129xf32, #tpu.memory_space<vmem>>[vector<16xi32>, vector<16xi32>, vector<16xi32>], vector<16xf32>,
        %parallel_loop3A_720 = arith.constant 0 : i32
        %parallel_loop3A_721 = arith.constant 0 : i32
        %parallel_loop3A_722 = tpu.memref_slice %arg10[%parallel_loop3A_720, %parallel_loop3A_721] : memref<256x64xf32, #tpu.memory_space<vmem>> -> memref<128x64xf32, #tpu.memory_space<vmem>>
        %parallel_loop3A_723 = arith.index_cast %parallel_loop3A_688 : i32 to index
        %parallel_loop3A_724 = arith.constant 32 : index
        %parallel_loop3A_725 = tpu.vector_load %parallel_loop3A_722[%parallel_loop3A_723, %parallel_loop3A_724] {strides = array<i32>} : memref<128x64xf32, #tpu.memory_space<vmem>>, vector<16xf32>,
        %parallel_loop3A_726 = arith.constant 8.000000e+00 : f32
        %parallel_loop3A_727 = vector.broadcast %parallel_loop3A_726 : f32 to vector<16xf32>
        %parallel_loop3A_728 = arith.mulf %parallel_loop3A_725, %parallel_loop3A_727 : vector<16xf32>
        %parallel_loop3A_729 = arith.addf %parallel_loop3A_728, %get3A_572 : vector<16xf32>
        %parallel_loop3A_730 = arith.constant 0 : i32
        %parallel_loop3A_731 = arith.constant 0 : i32
        %parallel_loop3A_732 = arith.constant 0 : i32
        %parallel_loop3A_733 = tpu.memref_slice %arg12[%parallel_loop3A_578, %parallel_loop3A_730, %parallel_loop3A_731, %parallel_loop3A_732] : memref<2x8x8x129xf32, #tpu.memory_space<vmem>> -> memref<1x8x8x129xf32, #tpu.memory_space<vmem>>
        %parallel_loop3A_734 = tpu.memref_squeeze %parallel_loop3A_733 : memref<1x8x8x129xf32, #tpu.memory_space<vmem>> -> memref<8x8x129xf32, #tpu.memory_space<vmem>>
        tpu.vector_store_idx %parallel_loop3A_734[%select_n3A_96, %select_n3A_203, %parallel_loop3A_689], %parallel_loop3A_729 : memref<8x8x129xf32, #tpu.memory_space<vmem>>[vector<16xi32>, vector<16xi32>, vector<16xi32>], vector<16xf32>,
        %parallel_loop3A_735 = arith.constant 0 : i32
        %parallel_loop3A_736 = arith.constant 0 : i32
        %parallel_loop3A_737 = tpu.memref_slice %arg10[%parallel_loop3A_735, %parallel_loop3A_736] : memref<256x64xf32, #tpu.memory_space<vmem>> -> memref<128x64xf32, #tpu.memory_space<vmem>>
        %parallel_loop3A_738 = arith.index_cast %parallel_loop3A_688 : i32 to index
        %parallel_loop3A_739 = arith.constant 48 : index
        %parallel_loop3A_740 = tpu.vector_load %parallel_loop3A_737[%parallel_loop3A_738, %parallel_loop3A_739] {strides = array<i32>} : memref<128x64xf32, #tpu.memory_space<vmem>>, vector<16xf32>,
        %parallel_loop3A_741 = arith.constant 8.000000e+00 : f32
        %parallel_loop3A_742 = vector.broadcast %parallel_loop3A_741 : f32 to vector<16xf32>
        %parallel_loop3A_743 = arith.mulf %parallel_loop3A_740, %parallel_loop3A_742 : vector<16xf32>
        %parallel_loop3A_744 = arith.addf %parallel_loop3A_743, %get3A_575 : vector<16xf32>
        %parallel_loop3A_745 = arith.constant 0 : i32
        %parallel_loop3A_746 = arith.constant 0 : i32
        %parallel_loop3A_747 = arith.constant 0 : i32
        %parallel_loop3A_748 = tpu.memref_slice %arg12[%parallel_loop3A_578, %parallel_loop3A_745, %parallel_loop3A_746, %parallel_loop3A_747] : memref<2x8x8x129xf32, #tpu.memory_space<vmem>> -> memref<1x8x8x129xf32, #tpu.memory_space<vmem>>
        %parallel_loop3A_749 = tpu.memref_squeeze %parallel_loop3A_748 : memref<1x8x8x129xf32, #tpu.memory_space<vmem>> -> memref<8x8x129xf32, #tpu.memory_space<vmem>>
        tpu.vector_store_idx %parallel_loop3A_749[%select_n3A_130, %select_n3A_228, %parallel_loop3A_689], %parallel_loop3A_744 : memref<8x8x129xf32, #tpu.memory_space<vmem>>[vector<16xi32>, vector<16xi32>, vector<16xi32>], vector<16xf32>,
      } {sc.loop_unroll_factor = 8 : i64, sc.parallel_access}
      %add3A_579 = arith.constant 1 : i32
      %add3A_580 = arith.addi %mul3A_410, %add3A_579 : i32
      %get3A_581 = arith.index_cast %add3A_580 : i32 to index
      %get3A_582 = arith.constant 0 : index
      %get3A_583 = tpu.vector_load %arg7[%get3A_581, %get3A_582] {strides = array<i32>} : memref<200x64xf32, #tpu.memory_space<vmem>>, vector<16xf32>,
      %get3A_584 = arith.index_cast %add3A_580 : i32 to index
      %get3A_585 = arith.constant 16 : index
      %get3A_586 = tpu.vector_load %arg7[%get3A_584, %get3A_585] {strides = array<i32>} : memref<200x64xf32, #tpu.memory_space<vmem>>, vector<16xf32>,
      %get3A_587 = arith.index_cast %add3A_580 : i32 to index
      %get3A_588 = arith.constant 32 : index
      %get3A_589 = tpu.vector_load %arg7[%get3A_587, %get3A_588] {strides = array<i32>} : memref<200x64xf32, #tpu.memory_space<vmem>>, vector<16xf32>,
      %get3A_590 = arith.index_cast %add3A_580 : i32 to index
      %get3A_591 = arith.constant 48 : index
      %get3A_592 = tpu.vector_load %arg7[%get3A_590, %get3A_591] {strides = array<i32>} : memref<200x64xf32, #tpu.memory_space<vmem>>, vector<16xf32>,
      %parallel_loop3A_593 = arith.constant 0 : i32
      %parallel_loop3A_594 = arith.constant 128 : i32
      %parallel_loop3A_595 = arith.constant 1 : i32
      %parallel_loop3A_596 = arith.constant 1 : i32
      scf.for %parallel_loop3A_688 = %parallel_loop3A_593 to %parallel_loop3A_594 step %parallel_loop3A_595  : i32 {
        %parallel_loop3A_689 = vector.broadcast %parallel_loop3A_688 : i32 to vector<16xi32>
        %parallel_loop3A_690 = arith.constant 128 : i32
        %parallel_loop3A_691 = arith.constant 0 : i32
        %parallel_loop3A_692 = tpu.memref_slice %arg10[%parallel_loop3A_690, %parallel_loop3A_691] : memref<256x64xf32, #tpu.memory_space<vmem>> -> memref<128x64xf32, #tpu.memory_space<vmem>>
        %parallel_loop3A_693 = arith.index_cast %parallel_loop3A_688 : i32 to index
        %parallel_loop3A_694 = arith.constant 0 : index
        %parallel_loop3A_695 = tpu.vector_load %parallel_loop3A_692[%parallel_loop3A_693, %parallel_loop3A_694] {strides = array<i32>} : memref<128x64xf32, #tpu.memory_space<vmem>>, vector<16xf32>,
        %parallel_loop3A_696 = arith.constant 8.000000e+00 : f32
        %parallel_loop3A_697 = vector.broadcast %parallel_loop3A_696 : f32 to vector<16xf32>
        %parallel_loop3A_698 = arith.mulf %parallel_loop3A_695, %parallel_loop3A_697 : vector<16xf32>
        %parallel_loop3A_699 = arith.addf %parallel_loop3A_698, %get3A_583 : vector<16xf32>
        %parallel_loop3A_700 = arith.constant 0 : i32
        %parallel_loop3A_701 = arith.constant 0 : i32
        %parallel_loop3A_702 = arith.constant 0 : i32
        %parallel_loop3A_703 = tpu.memref_slice %arg12[%parallel_loop3A_596, %parallel_loop3A_700, %parallel_loop3A_701, %parallel_loop3A_702] : memref<2x8x8x129xf32, #tpu.memory_space<vmem>> -> memref<1x8x8x129xf32, #tpu.memory_space<vmem>>
        %parallel_loop3A_704 = tpu.memref_squeeze %parallel_loop3A_703 : memref<1x8x8x129xf32, #tpu.memory_space<vmem>> -> memref<8x8x129xf32, #tpu.memory_space<vmem>>
        tpu.vector_store_idx %parallel_loop3A_704[%select_n3A, %select_n3A_153, %parallel_loop3A_689], %parallel_loop3A_699 : memref<8x8x129xf32, #tpu.memory_space<vmem>>[vector<16xi32>, vector<16xi32>, vector<16xi32>], vector<16xf32>,
        %parallel_loop3A_705 = arith.constant 128 : i32
        %parallel_loop3A_706 = arith.constant 0 : i32
        %parallel_loop3A_707 = tpu.memref_slice %arg10[%parallel_loop3A_705, %parallel_loop3A_706] : memref<256x64xf32, #tpu.memory_space<vmem>> -> memref<128x64xf32, #tpu.memory_space<vmem>>
        %parallel_loop3A_708 = arith.index_cast %parallel_loop3A_688 : i32 to index
        %parallel_loop3A_709 = arith.constant 16 : index
        %parallel_loop3A_710 = tpu.vector_load %parallel_loop3A_707[%parallel_loop3A_708, %parallel_loop3A_709] {strides = array<i32>} : memref<128x64xf32, #tpu.memory_space<vmem>>, vector<16xf32>,
        %parallel_loop3A_711 = arith.constant 8.000000e+00 : f32
        %parallel_loop3A_712 = vector.broadcast %parallel_loop3A_711 : f32 to vector<16xf32>
        %parallel_loop3A_713 = arith.mulf %parallel_loop3A_710, %parallel_loop3A_712 : vector<16xf32>
        %parallel_loop3A_714 = arith.addf %parallel_loop3A_713, %get3A_586 : vector<16xf32>
        %parallel_loop3A_715 = arith.constant 0 : i32
        %parallel_loop3A_716 = arith.constant 0 : i32
        %parallel_loop3A_717 = arith.constant 0 : i32
        %parallel_loop3A_718 = tpu.memref_slice %arg12[%parallel_loop3A_596, %parallel_loop3A_715, %parallel_loop3A_716, %parallel_loop3A_717] : memref<2x8x8x129xf32, #tpu.memory_space<vmem>> -> memref<1x8x8x129xf32, #tpu.memory_space<vmem>>
        %parallel_loop3A_719 = tpu.memref_squeeze %parallel_loop3A_718 : memref<1x8x8x129xf32, #tpu.memory_space<vmem>> -> memref<8x8x129xf32, #tpu.memory_space<vmem>>
        tpu.vector_store_idx %parallel_loop3A_719[%select_n3A_62, %select_n3A_178, %parallel_loop3A_689], %parallel_loop3A_714 : memref<8x8x129xf32, #tpu.memory_space<vmem>>[vector<16xi32>, vector<16xi32>, vector<16xi32>], vector<16xf32>,
        %parallel_loop3A_720 = arith.constant 128 : i32
        %parallel_loop3A_721 = arith.constant 0 : i32
        %parallel_loop3A_722 = tpu.memref_slice %arg10[%parallel_loop3A_720, %parallel_loop3A_721] : memref<256x64xf32, #tpu.memory_space<vmem>> -> memref<128x64xf32, #tpu.memory_space<vmem>>
        %parallel_loop3A_723 = arith.index_cast %parallel_loop3A_688 : i32 to index
        %parallel_loop3A_724 = arith.constant 32 : index
        %parallel_loop3A_725 = tpu.vector_load %parallel_loop3A_722[%parallel_loop3A_723, %parallel_loop3A_724] {strides = array<i32>} : memref<128x64xf32, #tpu.memory_space<vmem>>, vector<16xf32>,
        %parallel_loop3A_726 = arith.constant 8.000000e+00 : f32
        %parallel_loop3A_727 = vector.broadcast %parallel_loop3A_726 : f32 to vector<16xf32>
        %parallel_loop3A_728 = arith.mulf %parallel_loop3A_725, %parallel_loop3A_727 : vector<16xf32>
        %parallel_loop3A_729 = arith.addf %parallel_loop3A_728, %get3A_589 : vector<16xf32>
        %parallel_loop3A_730 = arith.constant 0 : i32
        %parallel_loop3A_731 = arith.constant 0 : i32
        %parallel_loop3A_732 = arith.constant 0 : i32
        %parallel_loop3A_733 = tpu.memref_slice %arg12[%parallel_loop3A_596, %parallel_loop3A_730, %parallel_loop3A_731, %parallel_loop3A_732] : memref<2x8x8x129xf32, #tpu.memory_space<vmem>> -> memref<1x8x8x129xf32, #tpu.memory_space<vmem>>
        %parallel_loop3A_734 = tpu.memref_squeeze %parallel_loop3A_733 : memref<1x8x8x129xf32, #tpu.memory_space<vmem>> -> memref<8x8x129xf32, #tpu.memory_space<vmem>>
        tpu.vector_store_idx %parallel_loop3A_734[%select_n3A_96, %select_n3A_203, %parallel_loop3A_689], %parallel_loop3A_729 : memref<8x8x129xf32, #tpu.memory_space<vmem>>[vector<16xi32>, vector<16xi32>, vector<16xi32>], vector<16xf32>,
        %parallel_loop3A_735 = arith.constant 128 : i32
        %parallel_loop3A_736 = arith.constant 0 : i32
        %parallel_loop3A_737 = tpu.memref_slice %arg10[%parallel_loop3A_735, %parallel_loop3A_736] : memref<256x64xf32, #tpu.memory_space<vmem>> -> memref<128x64xf32, #tpu.memory_space<vmem>>
        %parallel_loop3A_738 = arith.index_cast %parallel_loop3A_688 : i32 to index
        %parallel_loop3A_739 = arith.constant 48 : index
        %parallel_loop3A_740 = tpu.vector_load %parallel_loop3A_737[%parallel_loop3A_738, %parallel_loop3A_739] {strides = array<i32>} : memref<128x64xf32, #tpu.memory_space<vmem>>, vector<16xf32>,
        %parallel_loop3A_741 = arith.constant 8.000000e+00 : f32
        %parallel_loop3A_742 = vector.broadcast %parallel_loop3A_741 : f32 to vector<16xf32>
        %parallel_loop3A_743 = arith.mulf %parallel_loop3A_740, %parallel_loop3A_742 : vector<16xf32>
        %parallel_loop3A_744 = arith.addf %parallel_loop3A_743, %get3A_592 : vector<16xf32>
        %parallel_loop3A_745 = arith.constant 0 : i32
        %parallel_loop3A_746 = arith.constant 0 : i32
        %parallel_loop3A_747 = arith.constant 0 : i32
        %parallel_loop3A_748 = tpu.memref_slice %arg12[%parallel_loop3A_596, %parallel_loop3A_745, %parallel_loop3A_746, %parallel_loop3A_747] : memref<2x8x8x129xf32, #tpu.memory_space<vmem>> -> memref<1x8x8x129xf32, #tpu.memory_space<vmem>>
        %parallel_loop3A_749 = tpu.memref_squeeze %parallel_loop3A_748 : memref<1x8x8x129xf32, #tpu.memory_space<vmem>> -> memref<8x8x129xf32, #tpu.memory_space<vmem>>
        tpu.vector_store_idx %parallel_loop3A_749[%select_n3A_130, %select_n3A_228, %parallel_loop3A_689], %parallel_loop3A_744 : memref<8x8x129xf32, #tpu.memory_space<vmem>>[vector<16xi32>, vector<16xi32>, vector<16xi32>], vector<16xf32>,
      } {sc.loop_unroll_factor = 8 : i64, sc.parallel_access}
      %dma_start3A_597 = arith.constant 0 : i32
      %dma_start3A_598 = arith.constant 0 : i32
      %dma_start3A_599 = arith.constant 0 : i32
      %dma_start3A_600 = arith.constant 0 : i32
      %dma_start3A_601 = tpu.memref_slice %arg12[%dma_start3A_597, %dma_start3A_598, %dma_start3A_599, %dma_start3A_600] : memref<2x8x8x129xf32, #tpu.memory_space<vmem>> -> memref<2x8x8x128xf32, #tpu.memory_space<vmem>>
      %dma_start3A_602 = arith.constant 0 : i32
      %dma_start3A_603 = arith.constant 0 : i32
      %dma_start3A_604 = arith.constant 0 : i32
      %dma_start3A_605 = tpu.memref_slice %arg5[%mul3A_410, %dma_start3A_602, %add3A, %dma_start3A_603, %dma_start3A_604] : memref<200x8x32x8x128xf32, #tpu.memory_space<hbm>> -> memref<2x8x1x8x128xf32, #tpu.memory_space<hbm>>
      %dma_start3A_606 = tpu.memref_squeeze %dma_start3A_605 : memref<2x8x1x8x128xf32, #tpu.memory_space<hbm>> -> memref<2x8x8x128xf32, #tpu.memory_space<hbm>>
      %dma_start3A_607 = arith.constant 0 : i32
      %dma_start3A_608 = arith.constant 0 : i32
      %dma_start3A_609 = arith.constant 0 : i32
      %dma_start3A_610 = tpu.memref_slice %arg5[%mul3A_410, %dma_start3A_607, %add3A, %dma_start3A_608, %dma_start3A_609] : memref<200x8x32x8x128xf32, #tpu.memory_space<hbm>> -> memref<2x8x1x8x128xf32, #tpu.memory_space<hbm>>
      %dma_start3A_611 = tpu.memref_squeeze %dma_start3A_610 : memref<2x8x1x8x128xf32, #tpu.memory_space<hbm>> -> memref<2x8x8x128xf32, #tpu.memory_space<hbm>>
      %dma_start3A_612 = arith.constant 0 : i32
      %dma_start3A_613 = arith.constant 0 : i32
      %dma_start3A_614 = arith.constant 0 : i32
      %dma_start3A_615 = arith.constant 0 : i32
      %dma_start3A_616 = tpu.memref_slice %arg12[%dma_start3A_612, %dma_start3A_613, %dma_start3A_614, %dma_start3A_615] : memref<2x8x8x129xf32, #tpu.memory_space<vmem>> -> memref<2x8x8x128xf32, #tpu.memory_space<vmem>>
      tpu.enqueue_dma source(%dma_start3A_616 : memref<2x8x8x128xf32, #tpu.memory_space<vmem>>) target(%dma_start3A_611 : memref<2x8x8x128xf32, #tpu.memory_space<hbm>>) target_semaphore(%arg16 : memref<!tpu.dma_semaphore, #tpu.memory_space<semaphore_mem>>)
      %lt3A_617 = arith.constant 49 : i32
      %lt3A_618 = arith.cmpi slt, %scan3A_404, %lt3A_617 : i32
      %convert_element_type3A_619 = arith.extui %lt3A_618 : i1 to i32
      %cond3A_620 = arith.constant 0 : i32
      %cond3A_621 = arith.cmpi ne, %convert_element_type3A_619, %cond3A_620 : i32
      scf.if %cond3A_621 {
        %add3A_688 = arith.constant 2 : i32
        %add3A_689 = arith.addi %mul3A_406, %add3A_688 : i32
        %mul3A_690 = arith.constant 2 : i32
        %mul3A_691 = arith.muli %mul3A_690, %add3A_689 : i32
        %add3A_692 = arith.constant 0 : i32
        %add3A_693 = vector.broadcast %add3A_692 : i32 to vector<16xi32>
        %add3A_694 = arith.addi %iota3A, %add3A_693 : vector<16xi32>
        %add3A_695 = arith.constant 0 : i32
        %add3A_696 = arith.addi %mul3A_691, %add3A_695 : i32
        %broadcast_in_dim3A_697 = vector.broadcast %add3A_696 : i32 to vector<16xi32>
        %gather3A_698 = tpu.vector_load_idx %arg6[%add3A_694, %broadcast_in_dim3A_697] : memref<128x200xi32, #tpu.memory_space<vmem>>[vector<16xi32>, vector<16xi32>], vector<16xi32>,
        %swap3A_699 = arith.constant 0 : index
        %swap3A_700 = tpu.vector_load %arg8[%swap3A_699] {strides = array<i32>} : memref<256xi32, #tpu.memory_space<vmem>>, vector<16xi32>,
        tpu.vector_store %arg8[%swap3A_699], %gather3A_698 {strides = array<i32>} : memref<256xi32, #tpu.memory_space<vmem>>, vector<16xi32>,
        %add3A_701 = arith.constant 16 : i32
        %add3A_702 = vector.broadcast %add3A_701 : i32 to vector<16xi32>
        %add3A_703 = arith.addi %iota3A, %add3A_702 : vector<16xi32>
        %add3A_704 = arith.constant 0 : i32
        %add3A_705 = arith.addi %mul3A_691, %add3A_704 : i32
        %broadcast_in_dim3A_706 = vector.broadcast %add3A_705 : i32 to vector<16xi32>
        %gather3A_707 = tpu.vector_load_idx %arg6[%add3A_703, %broadcast_in_dim3A_706] : memref<128x200xi32, #tpu.memory_space<vmem>>[vector<16xi32>, vector<16xi32>], vector<16xi32>,
        %swap3A_708 = arith.constant 16 : index
        %swap3A_709 = tpu.vector_load %arg8[%swap3A_708] {strides = array<i32>} : memref<256xi32, #tpu.memory_space<vmem>>, vector<16xi32>,
        tpu.vector_store %arg8[%swap3A_708], %gather3A_707 {strides = array<i32>} : memref<256xi32, #tpu.memory_space<vmem>>, vector<16xi32>,
        %add3A_710 = arith.constant 32 : i32
        %add3A_711 = vector.broadcast %add3A_710 : i32 to vector<16xi32>
        %add3A_712 = arith.addi %iota3A, %add3A_711 : vector<16xi32>
        %add3A_713 = arith.constant 0 : i32
        %add3A_714 = arith.addi %mul3A_691, %add3A_713 : i32
        %broadcast_in_dim3A_715 = vector.broadcast %add3A_714 : i32 to vector<16xi32>
        %gather3A_716 = tpu.vector_load_idx %arg6[%add3A_712, %broadcast_in_dim3A_715] : memref<128x200xi32, #tpu.memory_space<vmem>>[vector<16xi32>, vector<16xi32>], vector<16xi32>,
        %swap3A_717 = arith.constant 32 : index
        %swap3A_718 = tpu.vector_load %arg8[%swap3A_717] {strides = array<i32>} : memref<256xi32, #tpu.memory_space<vmem>>, vector<16xi32>,
        tpu.vector_store %arg8[%swap3A_717], %gather3A_716 {strides = array<i32>} : memref<256xi32, #tpu.memory_space<vmem>>, vector<16xi32>,
        %add3A_719 = arith.constant 48 : i32
        %add3A_720 = vector.broadcast %add3A_719 : i32 to vector<16xi32>
        %add3A_721 = arith.addi %iota3A, %add3A_720 : vector<16xi32>
        %add3A_722 = arith.constant 0 : i32
        %add3A_723 = arith.addi %mul3A_691, %add3A_722 : i32
        %broadcast_in_dim3A_724 = vector.broadcast %add3A_723 : i32 to vector<16xi32>
        %gather3A_725 = tpu.vector_load_idx %arg6[%add3A_721, %broadcast_in_dim3A_724] : memref<128x200xi32, #tpu.memory_space<vmem>>[vector<16xi32>, vector<16xi32>], vector<16xi32>,
        %swap3A_726 = arith.constant 48 : index
        %swap3A_727 = tpu.vector_load %arg8[%swap3A_726] {strides = array<i32>} : memref<256xi32, #tpu.memory_space<vmem>>, vector<16xi32>,
        tpu.vector_store %arg8[%swap3A_726], %gather3A_725 {strides = array<i32>} : memref<256xi32, #tpu.memory_space<vmem>>, vector<16xi32>,
        %add3A_728 = arith.constant 64 : i32
        %add3A_729 = vector.broadcast %add3A_728 : i32 to vector<16xi32>
        %add3A_730 = arith.addi %iota3A, %add3A_729 : vector<16xi32>
        %add3A_731 = arith.constant 0 : i32
        %add3A_732 = arith.addi %mul3A_691, %add3A_731 : i32
        %broadcast_in_dim3A_733 = vector.broadcast %add3A_732 : i32 to vector<16xi32>
        %gather3A_734 = tpu.vector_load_idx %arg6[%add3A_730, %broadcast_in_dim3A_733] : memref<128x200xi32, #tpu.memory_space<vmem>>[vector<16xi32>, vector<16xi32>], vector<16xi32>,
        %swap3A_735 = arith.constant 64 : index
        %swap3A_736 = tpu.vector_load %arg8[%swap3A_735] {strides = array<i32>} : memref<256xi32, #tpu.memory_space<vmem>>, vector<16xi32>,
        tpu.vector_store %arg8[%swap3A_735], %gather3A_734 {strides = array<i32>} : memref<256xi32, #tpu.memory_space<vmem>>, vector<16xi32>,
        %add3A_737 = arith.constant 80 : i32
        %add3A_738 = vector.broadcast %add3A_737 : i32 to vector<16xi32>
        %add3A_739 = arith.addi %iota3A, %add3A_738 : vector<16xi32>
        %add3A_740 = arith.constant 0 : i32
        %add3A_741 = arith.addi %mul3A_691, %add3A_740 : i32
        %broadcast_in_dim3A_742 = vector.broadcast %add3A_741 : i32 to vector<16xi32>
        %gather3A_743 = tpu.vector_load_idx %arg6[%add3A_739, %broadcast_in_dim3A_742] : memref<128x200xi32, #tpu.memory_space<vmem>>[vector<16xi32>, vector<16xi32>], vector<16xi32>,
        %swap3A_744 = arith.constant 80 : index
        %swap3A_745 = tpu.vector_load %arg8[%swap3A_744] {strides = array<i32>} : memref<256xi32, #tpu.memory_space<vmem>>, vector<16xi32>,
        tpu.vector_store %arg8[%swap3A_744], %gather3A_743 {strides = array<i32>} : memref<256xi32, #tpu.memory_space<vmem>>, vector<16xi32>,
        %add3A_746 = arith.constant 96 : i32
        %add3A_747 = vector.broadcast %add3A_746 : i32 to vector<16xi32>
        %add3A_748 = arith.addi %iota3A, %add3A_747 : vector<16xi32>
        %add3A_749 = arith.constant 0 : i32
        %add3A_750 = arith.addi %mul3A_691, %add3A_749 : i32
        %broadcast_in_dim3A_751 = vector.broadcast %add3A_750 : i32 to vector<16xi32>
        %gather3A_752 = tpu.vector_load_idx %arg6[%add3A_748, %broadcast_in_dim3A_751] : memref<128x200xi32, #tpu.memory_space<vmem>>[vector<16xi32>, vector<16xi32>], vector<16xi32>,
        %swap3A_753 = arith.constant 96 : index
        %swap3A_754 = tpu.vector_load %arg8[%swap3A_753] {strides = array<i32>} : memref<256xi32, #tpu.memory_space<vmem>>, vector<16xi32>,
        tpu.vector_store %arg8[%swap3A_753], %gather3A_752 {strides = array<i32>} : memref<256xi32, #tpu.memory_space<vmem>>, vector<16xi32>,
        %add3A_755 = arith.constant 112 : i32
        %add3A_756 = vector.broadcast %add3A_755 : i32 to vector<16xi32>
        %add3A_757 = arith.addi %iota3A, %add3A_756 : vector<16xi32>
        %add3A_758 = arith.constant 0 : i32
        %add3A_759 = arith.addi %mul3A_691, %add3A_758 : i32
        %broadcast_in_dim3A_760 = vector.broadcast %add3A_759 : i32 to vector<16xi32>
        %gather3A_761 = tpu.vector_load_idx %arg6[%add3A_757, %broadcast_in_dim3A_760] : memref<128x200xi32, #tpu.memory_space<vmem>>[vector<16xi32>, vector<16xi32>], vector<16xi32>,
        %swap3A_762 = arith.constant 112 : index
        %swap3A_763 = tpu.vector_load %arg8[%swap3A_762] {strides = array<i32>} : memref<256xi32, #tpu.memory_space<vmem>>, vector<16xi32>,
        tpu.vector_store %arg8[%swap3A_762], %gather3A_761 {strides = array<i32>} : memref<256xi32, #tpu.memory_space<vmem>>, vector<16xi32>,
        %add3A_764 = arith.constant 0 : i32
        %add3A_765 = vector.broadcast %add3A_764 : i32 to vector<16xi32>
        %add3A_766 = arith.addi %iota3A, %add3A_765 : vector<16xi32>
        %add3A_767 = arith.constant 1 : i32
        %add3A_768 = arith.addi %mul3A_691, %add3A_767 : i32
        %broadcast_in_dim3A_769 = vector.broadcast %add3A_768 : i32 to vector<16xi32>
        %gather3A_770 = tpu.vector_load_idx %arg6[%add3A_766, %broadcast_in_dim3A_769] : memref<128x200xi32, #tpu.memory_space<vmem>>[vector<16xi32>, vector<16xi32>], vector<16xi32>,
        %swap3A_771 = arith.constant 128 : index
        %swap3A_772 = tpu.vector_load %arg8[%swap3A_771] {strides = array<i32>} : memref<256xi32, #tpu.memory_space<vmem>>, vector<16xi32>,
        tpu.vector_store %arg8[%swap3A_771], %gather3A_770 {strides = array<i32>} : memref<256xi32, #tpu.memory_space<vmem>>, vector<16xi32>,
        %add3A_773 = arith.constant 16 : i32
        %add3A_774 = vector.broadcast %add3A_773 : i32 to vector<16xi32>
        %add3A_775 = arith.addi %iota3A, %add3A_774 : vector<16xi32>
        %add3A_776 = arith.constant 1 : i32
        %add3A_777 = arith.addi %mul3A_691, %add3A_776 : i32
        %broadcast_in_dim3A_778 = vector.broadcast %add3A_777 : i32 to vector<16xi32>
        %gather3A_779 = tpu.vector_load_idx %arg6[%add3A_775, %broadcast_in_dim3A_778] : memref<128x200xi32, #tpu.memory_space<vmem>>[vector<16xi32>, vector<16xi32>], vector<16xi32>,
        %swap3A_780 = arith.constant 144 : index
        %swap3A_781 = tpu.vector_load %arg8[%swap3A_780] {strides = array<i32>} : memref<256xi32, #tpu.memory_space<vmem>>, vector<16xi32>,
        tpu.vector_store %arg8[%swap3A_780], %gather3A_779 {strides = array<i32>} : memref<256xi32, #tpu.memory_space<vmem>>, vector<16xi32>,
        %add3A_782 = arith.constant 32 : i32
        %add3A_783 = vector.broadcast %add3A_782 : i32 to vector<16xi32>
        %add3A_784 = arith.addi %iota3A, %add3A_783 : vector<16xi32>
        %add3A_785 = arith.constant 1 : i32
        %add3A_786 = arith.addi %mul3A_691, %add3A_785 : i32
        %broadcast_in_dim3A_787 = vector.broadcast %add3A_786 : i32 to vector<16xi32>
        %gather3A_788 = tpu.vector_load_idx %arg6[%add3A_784, %broadcast_in_dim3A_787] : memref<128x200xi32, #tpu.memory_space<vmem>>[vector<16xi32>, vector<16xi32>], vector<16xi32>,
        %swap3A_789 = arith.constant 160 : index
        %swap3A_790 = tpu.vector_load %arg8[%swap3A_789] {strides = array<i32>} : memref<256xi32, #tpu.memory_space<vmem>>, vector<16xi32>,
        tpu.vector_store %arg8[%swap3A_789], %gather3A_788 {strides = array<i32>} : memref<256xi32, #tpu.memory_space<vmem>>, vector<16xi32>,
        %add3A_791 = arith.constant 48 : i32
        %add3A_792 = vector.broadcast %add3A_791 : i32 to vector<16xi32>
        %add3A_793 = arith.addi %iota3A, %add3A_792 : vector<16xi32>
        %add3A_794 = arith.constant 1 : i32
        %add3A_795 = arith.addi %mul3A_691, %add3A_794 : i32
        %broadcast_in_dim3A_796 = vector.broadcast %add3A_795 : i32 to vector<16xi32>
        %gather3A_797 = tpu.vector_load_idx %arg6[%add3A_793, %broadcast_in_dim3A_796] : memref<128x200xi32, #tpu.memory_space<vmem>>[vector<16xi32>, vector<16xi32>], vector<16xi32>,
        %swap3A_798 = arith.constant 176 : index
        %swap3A_799 = tpu.vector_load %arg8[%swap3A_798] {strides = array<i32>} : memref<256xi32, #tpu.memory_space<vmem>>, vector<16xi32>,
        tpu.vector_store %arg8[%swap3A_798], %gather3A_797 {strides = array<i32>} : memref<256xi32, #tpu.memory_space<vmem>>, vector<16xi32>,
        %add3A_800 = arith.constant 64 : i32
        %add3A_801 = vector.broadcast %add3A_800 : i32 to vector<16xi32>
        %add3A_802 = arith.addi %iota3A, %add3A_801 : vector<16xi32>
        %add3A_803 = arith.constant 1 : i32
        %add3A_804 = arith.addi %mul3A_691, %add3A_803 : i32
        %broadcast_in_dim3A_805 = vector.broadcast %add3A_804 : i32 to vector<16xi32>
        %gather3A_806 = tpu.vector_load_idx %arg6[%add3A_802, %broadcast_in_dim3A_805] : memref<128x200xi32, #tpu.memory_space<vmem>>[vector<16xi32>, vector<16xi32>], vector<16xi32>,
        %swap3A_807 = arith.constant 192 : index
        %swap3A_808 = tpu.vector_load %arg8[%swap3A_807] {strides = array<i32>} : memref<256xi32, #tpu.memory_space<vmem>>, vector<16xi32>,
        tpu.vector_store %arg8[%swap3A_807], %gather3A_806 {strides = array<i32>} : memref<256xi32, #tpu.memory_space<vmem>>, vector<16xi32>,
        %add3A_809 = arith.constant 80 : i32
        %add3A_810 = vector.broadcast %add3A_809 : i32 to vector<16xi32>
        %add3A_811 = arith.addi %iota3A, %add3A_810 : vector<16xi32>
        %add3A_812 = arith.constant 1 : i32
        %add3A_813 = arith.addi %mul3A_691, %add3A_812 : i32
        %broadcast_in_dim3A_814 = vector.broadcast %add3A_813 : i32 to vector<16xi32>
        %gather3A_815 = tpu.vector_load_idx %arg6[%add3A_811, %broadcast_in_dim3A_814] : memref<128x200xi32, #tpu.memory_space<vmem>>[vector<16xi32>, vector<16xi32>], vector<16xi32>,
        %swap3A_816 = arith.constant 208 : index
        %swap3A_817 = tpu.vector_load %arg8[%swap3A_816] {strides = array<i32>} : memref<256xi32, #tpu.memory_space<vmem>>, vector<16xi32>,
        tpu.vector_store %arg8[%swap3A_816], %gather3A_815 {strides = array<i32>} : memref<256xi32, #tpu.memory_space<vmem>>, vector<16xi32>,
        %add3A_818 = arith.constant 96 : i32
        %add3A_819 = vector.broadcast %add3A_818 : i32 to vector<16xi32>
        %add3A_820 = arith.addi %iota3A, %add3A_819 : vector<16xi32>
        %add3A_821 = arith.constant 1 : i32
        %add3A_822 = arith.addi %mul3A_691, %add3A_821 : i32
        %broadcast_in_dim3A_823 = vector.broadcast %add3A_822 : i32 to vector<16xi32>
        %gather3A_824 = tpu.vector_load_idx %arg6[%add3A_820, %broadcast_in_dim3A_823] : memref<128x200xi32, #tpu.memory_space<vmem>>[vector<16xi32>, vector<16xi32>], vector<16xi32>,
        %swap3A_825 = arith.constant 224 : index
        %swap3A_826 = tpu.vector_load %arg8[%swap3A_825] {strides = array<i32>} : memref<256xi32, #tpu.memory_space<vmem>>, vector<16xi32>,
        tpu.vector_store %arg8[%swap3A_825], %gather3A_824 {strides = array<i32>} : memref<256xi32, #tpu.memory_space<vmem>>, vector<16xi32>,
        %add3A_827 = arith.constant 112 : i32
        %add3A_828 = vector.broadcast %add3A_827 : i32 to vector<16xi32>
        %add3A_829 = arith.addi %iota3A, %add3A_828 : vector<16xi32>
        %add3A_830 = arith.constant 1 : i32
        %add3A_831 = arith.addi %mul3A_691, %add3A_830 : i32
        %broadcast_in_dim3A_832 = vector.broadcast %add3A_831 : i32 to vector<16xi32>
        %gather3A_833 = tpu.vector_load_idx %arg6[%add3A_829, %broadcast_in_dim3A_832] : memref<128x200xi32, #tpu.memory_space<vmem>>[vector<16xi32>, vector<16xi32>], vector<16xi32>,
        %swap3A_834 = arith.constant 240 : index
        %swap3A_835 = tpu.vector_load %arg8[%swap3A_834] {strides = array<i32>} : memref<256xi32, #tpu.memory_space<vmem>>, vector<16xi32>,
        tpu.vector_store %arg8[%swap3A_834], %gather3A_833 {strides = array<i32>} : memref<256xi32, #tpu.memory_space<vmem>>, vector<16xi32>,
        %dma_start3A_836 = arith.constant 0 : i32
        %dma_start3A_837 = arith.constant 0 : i32
        %dma_start3A_838 = tpu.memref_slice %arg3[%dma_start3A_836, %dma_start3A_837] : memref<1000000x64xf32, #tpu.memory_space<hbm>> -> memref<1000000x64xf32, #tpu.memory_space<hbm>>
        tpu.enqueue_indirect_dma source(%dma_start3A_838 : memref<1000000x64xf32, #tpu.memory_space<hbm>>) target(%arg10 : memref<256x64xf32, #tpu.memory_space<vmem>>) offsets(%arg8 : memref<256xi32, #tpu.memory_space<vmem>>) semaphore(%arg14 : memref<!tpu.dma_semaphore, #tpu.memory_space<semaphore_mem>>)
      } else {
      }
      %dma_wait3A_622 = arith.constant 0 : i32
      %dma_wait3A_623 = arith.constant 0 : i32
      %dma_wait3A_624 = tpu.memref_slice %arg3[%dma_wait3A_622, %dma_wait3A_623] : memref<1000000x64xf32, #tpu.memory_space<hbm>> -> memref<1000000x64xf32, #tpu.memory_space<hbm>>
      tpu.wait_indirect_dma semaphore(%arg15 : memref<!tpu.dma_semaphore, #tpu.memory_space<semaphore_mem>>) src(%dma_wait3A_624 : memref<1000000x64xf32, #tpu.memory_space<hbm>>) dst(%arg11 : memref<256x64xf32, #tpu.memory_space<vmem>>)
      %gt3A_625 = arith.constant 0 : i32
      %gt3A_626 = arith.cmpi sgt, %scan3A_404, %gt3A_625 : i32
      %convert_element_type3A_627 = arith.extui %gt3A_626 : i1 to i32
      %cond3A_628 = arith.constant 0 : i32
      %cond3A_629 = arith.cmpi ne, %convert_element_type3A_627, %cond3A_628 : i32
      scf.if %cond3A_629 {
        %dma_wait3A_688 = arith.constant 0 : i32
        %dma_wait3A_689 = arith.constant 0 : i32
        %dma_wait3A_690 = arith.constant 0 : i32
        %dma_wait3A_691 = arith.constant 0 : i32
        %dma_wait3A_692 = tpu.memref_slice %arg13[%dma_wait3A_688, %dma_wait3A_689, %dma_wait3A_690, %dma_wait3A_691] : memref<2x8x8x129xf32, #tpu.memory_space<vmem>> -> memref<2x8x8x128xf32, #tpu.memory_space<vmem>>
        %dma_wait3A_693 = arith.constant 0 : i32
        %dma_wait3A_694 = arith.constant 0 : i32
        %dma_wait3A_695 = arith.constant 0 : i32
        %dma_wait3A_696 = arith.constant 0 : i32
        %dma_wait3A_697 = tpu.memref_slice %arg5[%dma_wait3A_693, %dma_wait3A_694, %add3A, %dma_wait3A_695, %dma_wait3A_696] : memref<200x8x32x8x128xf32, #tpu.memory_space<hbm>> -> memref<2x8x1x8x128xf32, #tpu.memory_space<hbm>>
        %dma_wait3A_698 = tpu.memref_squeeze %dma_wait3A_697 : memref<2x8x1x8x128xf32, #tpu.memory_space<hbm>> -> memref<2x8x8x128xf32, #tpu.memory_space<hbm>>
        %dma_wait3A_699 = arith.constant 0 : i32
        %dma_wait3A_700 = arith.constant 0 : i32
        %dma_wait3A_701 = arith.constant 0 : i32
        %dma_wait3A_702 = arith.constant 0 : i32
        %dma_wait3A_703 = tpu.memref_slice %arg5[%dma_wait3A_699, %dma_wait3A_700, %add3A, %dma_wait3A_701, %dma_wait3A_702] : memref<200x8x32x8x128xf32, #tpu.memory_space<hbm>> -> memref<2x8x1x8x128xf32, #tpu.memory_space<hbm>>
        %dma_wait3A_704 = tpu.memref_squeeze %dma_wait3A_703 : memref<2x8x1x8x128xf32, #tpu.memory_space<hbm>> -> memref<2x8x8x128xf32, #tpu.memory_space<hbm>>
        %dma_wait3A_705 = arith.constant 0 : i32
        %dma_wait3A_706 = arith.constant 0 : i32
        %dma_wait3A_707 = arith.constant 0 : i32
        %dma_wait3A_708 = arith.constant 0 : i32
        %dma_wait3A_709 = tpu.memref_slice %arg13[%dma_wait3A_705, %dma_wait3A_706, %dma_wait3A_707, %dma_wait3A_708] : memref<2x8x8x129xf32, #tpu.memory_space<vmem>> -> memref<2x8x8x128xf32, #tpu.memory_space<vmem>>
        tpu.wait_dma2 semaphore(%arg17 : memref<!tpu.dma_semaphore, #tpu.memory_space<semaphore_mem>>) src(%dma_wait3A_709 : memref<2x8x8x128xf32, #tpu.memory_space<vmem>>) dst(%dma_wait3A_704 : memref<2x8x8x128xf32, #tpu.memory_space<hbm>>)
      } else {
      }
      %add3A_630 = arith.constant 2 : i32
      %add3A_631 = arith.addi %mul3A_410, %add3A_630 : i32
      %get3A_632 = arith.index_cast %add3A_631 : i32 to index
      %get3A_633 = arith.constant 0 : index
      %get3A_634 = tpu.vector_load %arg7[%get3A_632, %get3A_633] {strides = array<i32>} : memref<200x64xf32, #tpu.memory_space<vmem>>, vector<16xf32>,
      %get3A_635 = arith.index_cast %add3A_631 : i32 to index
      %get3A_636 = arith.constant 16 : index
      %get3A_637 = tpu.vector_load %arg7[%get3A_635, %get3A_636] {strides = array<i32>} : memref<200x64xf32, #tpu.memory_space<vmem>>, vector<16xf32>,
      %get3A_638 = arith.index_cast %add3A_631 : i32 to index
      %get3A_639 = arith.constant 32 : index
      %get3A_640 = tpu.vector_load %arg7[%get3A_638, %get3A_639] {strides = array<i32>} : memref<200x64xf32, #tpu.memory_space<vmem>>, vector<16xf32>,
      %get3A_641 = arith.index_cast %add3A_631 : i32 to index
      %get3A_642 = arith.constant 48 : index
      %get3A_643 = tpu.vector_load %arg7[%get3A_641, %get3A_642] {strides = array<i32>} : memref<200x64xf32, #tpu.memory_space<vmem>>, vector<16xf32>,
      %parallel_loop3A_644 = arith.constant 0 : i32
      %parallel_loop3A_645 = arith.constant 128 : i32
      %parallel_loop3A_646 = arith.constant 1 : i32
      %parallel_loop3A_647 = arith.constant 0 : i32
      scf.for %parallel_loop3A_688 = %parallel_loop3A_644 to %parallel_loop3A_645 step %parallel_loop3A_646  : i32 {
        %parallel_loop3A_689 = vector.broadcast %parallel_loop3A_688 : i32 to vector<16xi32>
        %parallel_loop3A_690 = arith.constant 0 : i32
        %parallel_loop3A_691 = arith.constant 0 : i32
        %parallel_loop3A_692 = tpu.memref_slice %arg11[%parallel_loop3A_690, %parallel_loop3A_691] : memref<256x64xf32, #tpu.memory_space<vmem>> -> memref<128x64xf32, #tpu.memory_space<vmem>>
        %parallel_loop3A_693 = arith.index_cast %parallel_loop3A_688 : i32 to index
        %parallel_loop3A_694 = arith.constant 0 : index
        %parallel_loop3A_695 = tpu.vector_load %parallel_loop3A_692[%parallel_loop3A_693, %parallel_loop3A_694] {strides = array<i32>} : memref<128x64xf32, #tpu.memory_space<vmem>>, vector<16xf32>,
        %parallel_loop3A_696 = arith.constant 8.000000e+00 : f32
        %parallel_loop3A_697 = vector.broadcast %parallel_loop3A_696 : f32 to vector<16xf32>
        %parallel_loop3A_698 = arith.mulf %parallel_loop3A_695, %parallel_loop3A_697 : vector<16xf32>
        %parallel_loop3A_699 = arith.addf %parallel_loop3A_698, %get3A_634 : vector<16xf32>
        %parallel_loop3A_700 = arith.constant 0 : i32
        %parallel_loop3A_701 = arith.constant 0 : i32
        %parallel_loop3A_702 = arith.constant 0 : i32
        %parallel_loop3A_703 = tpu.memref_slice %arg13[%parallel_loop3A_647, %parallel_loop3A_700, %parallel_loop3A_701, %parallel_loop3A_702] : memref<2x8x8x129xf32, #tpu.memory_space<vmem>> -> memref<1x8x8x129xf32, #tpu.memory_space<vmem>>
        %parallel_loop3A_704 = tpu.memref_squeeze %parallel_loop3A_703 : memref<1x8x8x129xf32, #tpu.memory_space<vmem>> -> memref<8x8x129xf32, #tpu.memory_space<vmem>>
        tpu.vector_store_idx %parallel_loop3A_704[%select_n3A, %select_n3A_153, %parallel_loop3A_689], %parallel_loop3A_699 : memref<8x8x129xf32, #tpu.memory_space<vmem>>[vector<16xi32>, vector<16xi32>, vector<16xi32>], vector<16xf32>,
        %parallel_loop3A_705 = arith.constant 0 : i32
        %parallel_loop3A_706 = arith.constant 0 : i32
        %parallel_loop3A_707 = tpu.memref_slice %arg11[%parallel_loop3A_705, %parallel_loop3A_706] : memref<256x64xf32, #tpu.memory_space<vmem>> -> memref<128x64xf32, #tpu.memory_space<vmem>>
        %parallel_loop3A_708 = arith.index_cast %parallel_loop3A_688 : i32 to index
        %parallel_loop3A_709 = arith.constant 16 : index
        %parallel_loop3A_710 = tpu.vector_load %parallel_loop3A_707[%parallel_loop3A_708, %parallel_loop3A_709] {strides = array<i32>} : memref<128x64xf32, #tpu.memory_space<vmem>>, vector<16xf32>,
        %parallel_loop3A_711 = arith.constant 8.000000e+00 : f32
        %parallel_loop3A_712 = vector.broadcast %parallel_loop3A_711 : f32 to vector<16xf32>
        %parallel_loop3A_713 = arith.mulf %parallel_loop3A_710, %parallel_loop3A_712 : vector<16xf32>
        %parallel_loop3A_714 = arith.addf %parallel_loop3A_713, %get3A_637 : vector<16xf32>
        %parallel_loop3A_715 = arith.constant 0 : i32
        %parallel_loop3A_716 = arith.constant 0 : i32
        %parallel_loop3A_717 = arith.constant 0 : i32
        %parallel_loop3A_718 = tpu.memref_slice %arg13[%parallel_loop3A_647, %parallel_loop3A_715, %parallel_loop3A_716, %parallel_loop3A_717] : memref<2x8x8x129xf32, #tpu.memory_space<vmem>> -> memref<1x8x8x129xf32, #tpu.memory_space<vmem>>
        %parallel_loop3A_719 = tpu.memref_squeeze %parallel_loop3A_718 : memref<1x8x8x129xf32, #tpu.memory_space<vmem>> -> memref<8x8x129xf32, #tpu.memory_space<vmem>>
        tpu.vector_store_idx %parallel_loop3A_719[%select_n3A_62, %select_n3A_178, %parallel_loop3A_689], %parallel_loop3A_714 : memref<8x8x129xf32, #tpu.memory_space<vmem>>[vector<16xi32>, vector<16xi32>, vector<16xi32>], vector<16xf32>,
        %parallel_loop3A_720 = arith.constant 0 : i32
        %parallel_loop3A_721 = arith.constant 0 : i32
        %parallel_loop3A_722 = tpu.memref_slice %arg11[%parallel_loop3A_720, %parallel_loop3A_721] : memref<256x64xf32, #tpu.memory_space<vmem>> -> memref<128x64xf32, #tpu.memory_space<vmem>>
        %parallel_loop3A_723 = arith.index_cast %parallel_loop3A_688 : i32 to index
        %parallel_loop3A_724 = arith.constant 32 : index
        %parallel_loop3A_725 = tpu.vector_load %parallel_loop3A_722[%parallel_loop3A_723, %parallel_loop3A_724] {strides = array<i32>} : memref<128x64xf32, #tpu.memory_space<vmem>>, vector<16xf32>,
        %parallel_loop3A_726 = arith.constant 8.000000e+00 : f32
        %parallel_loop3A_727 = vector.broadcast %parallel_loop3A_726 : f32 to vector<16xf32>
        %parallel_loop3A_728 = arith.mulf %parallel_loop3A_725, %parallel_loop3A_727 : vector<16xf32>
        %parallel_loop3A_729 = arith.addf %parallel_loop3A_728, %get3A_640 : vector<16xf32>
        %parallel_loop3A_730 = arith.constant 0 : i32
        %parallel_loop3A_731 = arith.constant 0 : i32
        %parallel_loop3A_732 = arith.constant 0 : i32
        %parallel_loop3A_733 = tpu.memref_slice %arg13[%parallel_loop3A_647, %parallel_loop3A_730, %parallel_loop3A_731, %parallel_loop3A_732] : memref<2x8x8x129xf32, #tpu.memory_space<vmem>> -> memref<1x8x8x129xf32, #tpu.memory_space<vmem>>
        %parallel_loop3A_734 = tpu.memref_squeeze %parallel_loop3A_733 : memref<1x8x8x129xf32, #tpu.memory_space<vmem>> -> memref<8x8x129xf32, #tpu.memory_space<vmem>>
        tpu.vector_store_idx %parallel_loop3A_734[%select_n3A_96, %select_n3A_203, %parallel_loop3A_689], %parallel_loop3A_729 : memref<8x8x129xf32, #tpu.memory_space<vmem>>[vector<16xi32>, vector<16xi32>, vector<16xi32>], vector<16xf32>,
        %parallel_loop3A_735 = arith.constant 0 : i32
        %parallel_loop3A_736 = arith.constant 0 : i32
        %parallel_loop3A_737 = tpu.memref_slice %arg11[%parallel_loop3A_735, %parallel_loop3A_736] : memref<256x64xf32, #tpu.memory_space<vmem>> -> memref<128x64xf32, #tpu.memory_space<vmem>>
        %parallel_loop3A_738 = arith.index_cast %parallel_loop3A_688 : i32 to index
        %parallel_loop3A_739 = arith.constant 48 : index
        %parallel_loop3A_740 = tpu.vector_load %parallel_loop3A_737[%parallel_loop3A_738, %parallel_loop3A_739] {strides = array<i32>} : memref<128x64xf32, #tpu.memory_space<vmem>>, vector<16xf32>,
        %parallel_loop3A_741 = arith.constant 8.000000e+00 : f32
        %parallel_loop3A_742 = vector.broadcast %parallel_loop3A_741 : f32 to vector<16xf32>
        %parallel_loop3A_743 = arith.mulf %parallel_loop3A_740, %parallel_loop3A_742 : vector<16xf32>
        %parallel_loop3A_744 = arith.addf %parallel_loop3A_743, %get3A_643 : vector<16xf32>
        %parallel_loop3A_745 = arith.constant 0 : i32
        %parallel_loop3A_746 = arith.constant 0 : i32
        %parallel_loop3A_747 = arith.constant 0 : i32
        %parallel_loop3A_748 = tpu.memref_slice %arg13[%parallel_loop3A_647, %parallel_loop3A_745, %parallel_loop3A_746, %parallel_loop3A_747] : memref<2x8x8x129xf32, #tpu.memory_space<vmem>> -> memref<1x8x8x129xf32, #tpu.memory_space<vmem>>
        %parallel_loop3A_749 = tpu.memref_squeeze %parallel_loop3A_748 : memref<1x8x8x129xf32, #tpu.memory_space<vmem>> -> memref<8x8x129xf32, #tpu.memory_space<vmem>>
        tpu.vector_store_idx %parallel_loop3A_749[%select_n3A_130, %select_n3A_228, %parallel_loop3A_689], %parallel_loop3A_744 : memref<8x8x129xf32, #tpu.memory_space<vmem>>[vector<16xi32>, vector<16xi32>, vector<16xi32>], vector<16xf32>,
      } {sc.loop_unroll_factor = 8 : i64, sc.parallel_access}
      %add3A_648 = arith.constant 3 : i32
      %add3A_649 = arith.addi %mul3A_410, %add3A_648 : i32
      %get3A_650 = arith.index_cast %add3A_649 : i32 to index
      %get3A_651 = arith.constant 0 : index
      %get3A_652 = tpu.vector_load %arg7[%get3A_650, %get3A_651] {strides = array<i32>} : memref<200x64xf32, #tpu.memory_space<vmem>>, vector<16xf32>,
      %get3A_653 = arith.index_cast %add3A_649 : i32 to index
      %get3A_654 = arith.constant 16 : index
      %get3A_655 = tpu.vector_load %arg7[%get3A_653, %get3A_654] {strides = array<i32>} : memref<200x64xf32, #tpu.memory_space<vmem>>, vector<16xf32>,
      %get3A_656 = arith.index_cast %add3A_649 : i32 to index
      %get3A_657 = arith.constant 32 : index
      %get3A_658 = tpu.vector_load %arg7[%get3A_656, %get3A_657] {strides = array<i32>} : memref<200x64xf32, #tpu.memory_space<vmem>>, vector<16xf32>,
      %get3A_659 = arith.index_cast %add3A_649 : i32 to index
      %get3A_660 = arith.constant 48 : index
      %get3A_661 = tpu.vector_load %arg7[%get3A_659, %get3A_660] {strides = array<i32>} : memref<200x64xf32, #tpu.memory_space<vmem>>, vector<16xf32>,
      %parallel_loop3A_662 = arith.constant 0 : i32
      %parallel_loop3A_663 = arith.constant 128 : i32
      %parallel_loop3A_664 = arith.constant 1 : i32
      %parallel_loop3A_665 = arith.constant 1 : i32
      scf.for %parallel_loop3A_688 = %parallel_loop3A_662 to %parallel_loop3A_663 step %parallel_loop3A_664  : i32 {
        %parallel_loop3A_689 = vector.broadcast %parallel_loop3A_688 : i32 to vector<16xi32>
        %parallel_loop3A_690 = arith.constant 128 : i32
        %parallel_loop3A_691 = arith.constant 0 : i32
        %parallel_loop3A_692 = tpu.memref_slice %arg11[%parallel_loop3A_690, %parallel_loop3A_691] : memref<256x64xf32, #tpu.memory_space<vmem>> -> memref<128x64xf32, #tpu.memory_space<vmem>>
        %parallel_loop3A_693 = arith.index_cast %parallel_loop3A_688 : i32 to index
        %parallel_loop3A_694 = arith.constant 0 : index
        %parallel_loop3A_695 = tpu.vector_load %parallel_loop3A_692[%parallel_loop3A_693, %parallel_loop3A_694] {strides = array<i32>} : memref<128x64xf32, #tpu.memory_space<vmem>>, vector<16xf32>,
        %parallel_loop3A_696 = arith.constant 8.000000e+00 : f32
        %parallel_loop3A_697 = vector.broadcast %parallel_loop3A_696 : f32 to vector<16xf32>
        %parallel_loop3A_698 = arith.mulf %parallel_loop3A_695, %parallel_loop3A_697 : vector<16xf32>
        %parallel_loop3A_699 = arith.addf %parallel_loop3A_698, %get3A_652 : vector<16xf32>
        %parallel_loop3A_700 = arith.constant 0 : i32
        %parallel_loop3A_701 = arith.constant 0 : i32
        %parallel_loop3A_702 = arith.constant 0 : i32
        %parallel_loop3A_703 = tpu.memref_slice %arg13[%parallel_loop3A_665, %parallel_loop3A_700, %parallel_loop3A_701, %parallel_loop3A_702] : memref<2x8x8x129xf32, #tpu.memory_space<vmem>> -> memref<1x8x8x129xf32, #tpu.memory_space<vmem>>
        %parallel_loop3A_704 = tpu.memref_squeeze %parallel_loop3A_703 : memref<1x8x8x129xf32, #tpu.memory_space<vmem>> -> memref<8x8x129xf32, #tpu.memory_space<vmem>>
        tpu.vector_store_idx %parallel_loop3A_704[%select_n3A, %select_n3A_153, %parallel_loop3A_689], %parallel_loop3A_699 : memref<8x8x129xf32, #tpu.memory_space<vmem>>[vector<16xi32>, vector<16xi32>, vector<16xi32>], vector<16xf32>,
        %parallel_loop3A_705 = arith.constant 128 : i32
        %parallel_loop3A_706 = arith.constant 0 : i32
        %parallel_loop3A_707 = tpu.memref_slice %arg11[%parallel_loop3A_705, %parallel_loop3A_706] : memref<256x64xf32, #tpu.memory_space<vmem>> -> memref<128x64xf32, #tpu.memory_space<vmem>>
        %parallel_loop3A_708 = arith.index_cast %parallel_loop3A_688 : i32 to index
        %parallel_loop3A_709 = arith.constant 16 : index
        %parallel_loop3A_710 = tpu.vector_load %parallel_loop3A_707[%parallel_loop3A_708, %parallel_loop3A_709] {strides = array<i32>} : memref<128x64xf32, #tpu.memory_space<vmem>>, vector<16xf32>,
        %parallel_loop3A_711 = arith.constant 8.000000e+00 : f32
        %parallel_loop3A_712 = vector.broadcast %parallel_loop3A_711 : f32 to vector<16xf32>
        %parallel_loop3A_713 = arith.mulf %parallel_loop3A_710, %parallel_loop3A_712 : vector<16xf32>
        %parallel_loop3A_714 = arith.addf %parallel_loop3A_713, %get3A_655 : vector<16xf32>
        %parallel_loop3A_715 = arith.constant 0 : i32
        %parallel_loop3A_716 = arith.constant 0 : i32
        %parallel_loop3A_717 = arith.constant 0 : i32
        %parallel_loop3A_718 = tpu.memref_slice %arg13[%parallel_loop3A_665, %parallel_loop3A_715, %parallel_loop3A_716, %parallel_loop3A_717] : memref<2x8x8x129xf32, #tpu.memory_space<vmem>> -> memref<1x8x8x129xf32, #tpu.memory_space<vmem>>
        %parallel_loop3A_719 = tpu.memref_squeeze %parallel_loop3A_718 : memref<1x8x8x129xf32, #tpu.memory_space<vmem>> -> memref<8x8x129xf32, #tpu.memory_space<vmem>>
        tpu.vector_store_idx %parallel_loop3A_719[%select_n3A_62, %select_n3A_178, %parallel_loop3A_689], %parallel_loop3A_714 : memref<8x8x129xf32, #tpu.memory_space<vmem>>[vector<16xi32>, vector<16xi32>, vector<16xi32>], vector<16xf32>,
        %parallel_loop3A_720 = arith.constant 128 : i32
        %parallel_loop3A_721 = arith.constant 0 : i32
        %parallel_loop3A_722 = tpu.memref_slice %arg11[%parallel_loop3A_720, %parallel_loop3A_721] : memref<256x64xf32, #tpu.memory_space<vmem>> -> memref<128x64xf32, #tpu.memory_space<vmem>>
        %parallel_loop3A_723 = arith.index_cast %parallel_loop3A_688 : i32 to index
        %parallel_loop3A_724 = arith.constant 32 : index
        %parallel_loop3A_725 = tpu.vector_load %parallel_loop3A_722[%parallel_loop3A_723, %parallel_loop3A_724] {strides = array<i32>} : memref<128x64xf32, #tpu.memory_space<vmem>>, vector<16xf32>,
        %parallel_loop3A_726 = arith.constant 8.000000e+00 : f32
        %parallel_loop3A_727 = vector.broadcast %parallel_loop3A_726 : f32 to vector<16xf32>
        %parallel_loop3A_728 = arith.mulf %parallel_loop3A_725, %parallel_loop3A_727 : vector<16xf32>
        %parallel_loop3A_729 = arith.addf %parallel_loop3A_728, %get3A_658 : vector<16xf32>
        %parallel_loop3A_730 = arith.constant 0 : i32
        %parallel_loop3A_731 = arith.constant 0 : i32
        %parallel_loop3A_732 = arith.constant 0 : i32
        %parallel_loop3A_733 = tpu.memref_slice %arg13[%parallel_loop3A_665, %parallel_loop3A_730, %parallel_loop3A_731, %parallel_loop3A_732] : memref<2x8x8x129xf32, #tpu.memory_space<vmem>> -> memref<1x8x8x129xf32, #tpu.memory_space<vmem>>
        %parallel_loop3A_734 = tpu.memref_squeeze %parallel_loop3A_733 : memref<1x8x8x129xf32, #tpu.memory_space<vmem>> -> memref<8x8x129xf32, #tpu.memory_space<vmem>>
        tpu.vector_store_idx %parallel_loop3A_734[%select_n3A_96, %select_n3A_203, %parallel_loop3A_689], %parallel_loop3A_729 : memref<8x8x129xf32, #tpu.memory_space<vmem>>[vector<16xi32>, vector<16xi32>, vector<16xi32>], vector<16xf32>,
        %parallel_loop3A_735 = arith.constant 128 : i32
        %parallel_loop3A_736 = arith.constant 0 : i32
        %parallel_loop3A_737 = tpu.memref_slice %arg11[%parallel_loop3A_735, %parallel_loop3A_736] : memref<256x64xf32, #tpu.memory_space<vmem>> -> memref<128x64xf32, #tpu.memory_space<vmem>>
        %parallel_loop3A_738 = arith.index_cast %parallel_loop3A_688 : i32 to index
        %parallel_loop3A_739 = arith.constant 48 : index
        %parallel_loop3A_740 = tpu.vector_load %parallel_loop3A_737[%parallel_loop3A_738, %parallel_loop3A_739] {strides = array<i32>} : memref<128x64xf32, #tpu.memory_space<vmem>>, vector<16xf32>,
        %parallel_loop3A_741 = arith.constant 8.000000e+00 : f32
        %parallel_loop3A_742 = vector.broadcast %parallel_loop3A_741 : f32 to vector<16xf32>
        %parallel_loop3A_743 = arith.mulf %parallel_loop3A_740, %parallel_loop3A_742 : vector<16xf32>
        %parallel_loop3A_744 = arith.addf %parallel_loop3A_743, %get3A_661 : vector<16xf32>
        %parallel_loop3A_745 = arith.constant 0 : i32
        %parallel_loop3A_746 = arith.constant 0 : i32
        %parallel_loop3A_747 = arith.constant 0 : i32
        %parallel_loop3A_748 = tpu.memref_slice %arg13[%parallel_loop3A_665, %parallel_loop3A_745, %parallel_loop3A_746, %parallel_loop3A_747] : memref<2x8x8x129xf32, #tpu.memory_space<vmem>> -> memref<1x8x8x129xf32, #tpu.memory_space<vmem>>
        %parallel_loop3A_749 = tpu.memref_squeeze %parallel_loop3A_748 : memref<1x8x8x129xf32, #tpu.memory_space<vmem>> -> memref<8x8x129xf32, #tpu.memory_space<vmem>>
        tpu.vector_store_idx %parallel_loop3A_749[%select_n3A_130, %select_n3A_228, %parallel_loop3A_689], %parallel_loop3A_744 : memref<8x8x129xf32, #tpu.memory_space<vmem>>[vector<16xi32>, vector<16xi32>, vector<16xi32>], vector<16xf32>,
      } {sc.loop_unroll_factor = 8 : i64, sc.parallel_access}
      %add3A_666 = arith.constant 2 : i32
      %add3A_667 = arith.addi %mul3A_410, %add3A_666 : i32
      %dma_start3A_668 = arith.constant 0 : i32
      %dma_start3A_669 = arith.constant 0 : i32
      %dma_start3A_670 = arith.constant 0 : i32
      %dma_start3A_671 = arith.constant 0 : i32
      %dma_start3A_672 = tpu.memref_slice %arg13[%dma_start3A_668, %dma_start3A_669, %dma_start3A_670, %dma_start3A_671] : memref<2x8x8x129xf32, #tpu.memory_space<vmem>> -> memref<2x8x8x128xf32, #tpu.memory_space<vmem>>
      %dma_start3A_673 = arith.constant 0 : i32
      %dma_start3A_674 = arith.constant 0 : i32
      %dma_start3A_675 = arith.constant 0 : i32
      %dma_start3A_676 = tpu.memref_slice %arg5[%add3A_667, %dma_start3A_673, %add3A, %dma_start3A_674, %dma_start3A_675] : memref<200x8x32x8x128xf32, #tpu.memory_space<hbm>> -> memref<2x8x1x8x128xf32, #tpu.memory_space<hbm>>
      %dma_start3A_677 = tpu.memref_squeeze %dma_start3A_676 : memref<2x8x1x8x128xf32, #tpu.memory_space<hbm>> -> memref<2x8x8x128xf32, #tpu.memory_space<hbm>>
      %dma_start3A_678 = arith.constant 0 : i32
      %dma_start3A_679 = arith.constant 0 : i32
      %dma_start3A_680 = arith.constant 0 : i32
      %dma_start3A_681 = tpu.memref_slice %arg5[%add3A_667, %dma_start3A_678, %add3A, %dma_start3A_679, %dma_start3A_680] : memref<200x8x32x8x128xf32, #tpu.memory_space<hbm>> -> memref<2x8x1x8x128xf32, #tpu.memory_space<hbm>>
      %dma_start3A_682 = tpu.memref_squeeze %dma_start3A_681 : memref<2x8x1x8x128xf32, #tpu.memory_space<hbm>> -> memref<2x8x8x128xf32, #tpu.memory_space<hbm>>
      %dma_start3A_683 = arith.constant 0 : i32
      %dma_start3A_684 = arith.constant 0 : i32
      %dma_start3A_685 = arith.constant 0 : i32
      %dma_start3A_686 = arith.constant 0 : i32
      %dma_start3A_687 = tpu.memref_slice %arg13[%dma_start3A_683, %dma_start3A_684, %dma_start3A_685, %dma_start3A_686] : memref<2x8x8x129xf32, #tpu.memory_space<vmem>> -> memref<2x8x8x128xf32, #tpu.memory_space<vmem>>
      tpu.enqueue_dma source(%dma_start3A_687 : memref<2x8x8x128xf32, #tpu.memory_space<vmem>>) target(%dma_start3A_682 : memref<2x8x8x128xf32, #tpu.memory_space<hbm>>) target_semaphore(%arg17 : memref<!tpu.dma_semaphore, #tpu.memory_space<semaphore_mem>>)
    }
    %scan3A_360 = arith.constant 50 : i32
    %dma_wait3A = arith.constant 0 : i32
    %dma_wait3A_361 = arith.constant 0 : i32
    %dma_wait3A_362 = arith.constant 0 : i32
    %dma_wait3A_363 = arith.constant 0 : i32
    %dma_wait3A_364 = tpu.memref_slice %arg12[%dma_wait3A, %dma_wait3A_361, %dma_wait3A_362, %dma_wait3A_363] : memref<2x8x8x129xf32, #tpu.memory_space<vmem>> -> memref<2x8x8x128xf32, #tpu.memory_space<vmem>>
    %dma_wait3A_365 = arith.constant 0 : i32
    %dma_wait3A_366 = arith.constant 0 : i32
    %dma_wait3A_367 = arith.constant 0 : i32
    %dma_wait3A_368 = arith.constant 0 : i32
    %dma_wait3A_369 = tpu.memref_slice %arg5[%dma_wait3A_365, %dma_wait3A_366, %add3A, %dma_wait3A_367, %dma_wait3A_368] : memref<200x8x32x8x128xf32, #tpu.memory_space<hbm>> -> memref<2x8x1x8x128xf32, #tpu.memory_space<hbm>>
    %dma_wait3A_370 = tpu.memref_squeeze %dma_wait3A_369 : memref<2x8x1x8x128xf32, #tpu.memory_space<hbm>> -> memref<2x8x8x128xf32, #tpu.memory_space<hbm>>
    %dma_wait3A_371 = arith.constant 0 : i32
    %dma_wait3A_372 = arith.constant 0 : i32
    %dma_wait3A_373 = arith.constant 0 : i32
    %dma_wait3A_374 = arith.constant 0 : i32
    %dma_wait3A_375 = tpu.memref_slice %arg5[%dma_wait3A_371, %dma_wait3A_372, %add3A, %dma_wait3A_373, %dma_wait3A_374] : memref<200x8x32x8x128xf32, #tpu.memory_space<hbm>> -> memref<2x8x1x8x128xf32, #tpu.memory_space<hbm>>
    %dma_wait3A_376 = tpu.memref_squeeze %dma_wait3A_375 : memref<2x8x1x8x128xf32, #tpu.memory_space<hbm>> -> memref<2x8x8x128xf32, #tpu.memory_space<hbm>>
    %dma_wait3A_377 = arith.constant 0 : i32
    %dma_wait3A_378 = arith.constant 0 : i32
    %dma_wait3A_379 = arith.constant 0 : i32
    %dma_wait3A_380 = arith.constant 0 : i32
    %dma_wait3A_381 = tpu.memref_slice %arg12[%dma_wait3A_377, %dma_wait3A_378, %dma_wait3A_379, %dma_wait3A_380] : memref<2x8x8x129xf32, #tpu.memory_space<vmem>> -> memref<2x8x8x128xf32, #tpu.memory_space<vmem>>
    tpu.wait_dma2 semaphore(%arg16 : memref<!tpu.dma_semaphore, #tpu.memory_space<semaphore_mem>>) src(%dma_wait3A_381 : memref<2x8x8x128xf32, #tpu.memory_space<vmem>>) dst(%dma_wait3A_376 : memref<2x8x8x128xf32, #tpu.memory_space<hbm>>)
    %dma_wait3A_382 = arith.constant 0 : i32
    %dma_wait3A_383 = arith.constant 0 : i32
    %dma_wait3A_384 = arith.constant 0 : i32
    %dma_wait3A_385 = arith.constant 0 : i32
    %dma_wait3A_386 = tpu.memref_slice %arg13[%dma_wait3A_382, %dma_wait3A_383, %dma_wait3A_384, %dma_wait3A_385] : memref<2x8x8x129xf32, #tpu.memory_space<vmem>> -> memref<2x8x8x128xf32, #tpu.memory_space<vmem>>
    %dma_wait3A_387 = arith.constant 0 : i32
    %dma_wait3A_388 = arith.constant 0 : i32
    %dma_wait3A_389 = arith.constant 0 : i32
    %dma_wait3A_390 = arith.constant 0 : i32
    %dma_wait3A_391 = tpu.memref_slice %arg5[%dma_wait3A_387, %dma_wait3A_388, %add3A, %dma_wait3A_389, %dma_wait3A_390] : memref<200x8x32x8x128xf32, #tpu.memory_space<hbm>> -> memref<2x8x1x8x128xf32, #tpu.memory_space<hbm>>
    %dma_wait3A_392 = tpu.memref_squeeze %dma_wait3A_391 : memref<2x8x1x8x128xf32, #tpu.memory_space<hbm>> -> memref<2x8x8x128xf32, #tpu.memory_space<hbm>>
    %dma_wait3A_393 = arith.constant 0 : i32
    %dma_wait3A_394 = arith.constant 0 : i32
    %dma_wait3A_395 = arith.constant 0 : i32
    %dma_wait3A_396 = arith.constant 0 : i32
    %dma_wait3A_397 = tpu.memref_slice %arg5[%dma_wait3A_393, %dma_wait3A_394, %add3A, %dma_wait3A_395, %dma_wait3A_396] : memref<200x8x32x8x128xf32, #tpu.memory_space<hbm>> -> memref<2x8x1x8x128xf32, #tpu.memory_space<hbm>>
    %dma_wait3A_398 = tpu.memref_squeeze %dma_wait3A_397 : memref<2x8x1x8x128xf32, #tpu.memory_space<hbm>> -> memref<2x8x8x128xf32, #tpu.memory_space<hbm>>
    %dma_wait3A_399 = arith.constant 0 : i32
    %dma_wait3A_400 = arith.constant 0 : i32
    %dma_wait3A_401 = arith.constant 0 : i32
    %dma_wait3A_402 = arith.constant 0 : i32
    %dma_wait3A_403 = tpu.memref_slice %arg13[%dma_wait3A_399, %dma_wait3A_400, %dma_wait3A_401, %dma_wait3A_402] : memref<2x8x8x129xf32, #tpu.memory_space<vmem>> -> memref<2x8x8x128xf32, #tpu.memory_space<vmem>>
    tpu.wait_dma2 semaphore(%arg17 : memref<!tpu.dma_semaphore, #tpu.memory_space<semaphore_mem>>) src(%dma_wait3A_403 : memref<2x8x8x128xf32, #tpu.memory_space<vmem>>) dst(%dma_wait3A_398 : memref<2x8x8x128xf32, #tpu.memory_space<hbm>>)
    return
  }
}

</mosaic_0001>

<sc_bundles>
// kernel: _launch.3.cloned.1.call-start
scs
__scs_entry_jumppad:
0x0: {  	(pc) =	sbr.rel $0x88, $3  }
0x1: {  	(tag) =	ssettag $0x0;
	lr =	simm.s32 $0x1  }
0x2: {  	[smem:$0x3F9E] =	sst lr;
	_ =	strace $0xD0000000  }
0x3: {  	_ = 	snop  }
0x4: {  	_ = 	snop  }
0x5: {  	_ = 	snop  }
0x6: {  	_ = 	snop  }
0x7: {  	_ = 	snop  }
__scs_overlays_trampoline_lowered:
0x8: {  	[smem:$0x3FAD] =	sst s0  }
0x9: {  	[smem:$0x3FAE] =	sst s1  }
0xa: {  	[smem:$0x3FAF] =	sst s2  }
0xb: {  	[smem:$0x3FB0] =	sst s3  }
0xc: {  	[smem:$0x3FB1] =	sst s4  }
0xd: {  	[smem:$0x3FB2] =	sst s5  }
0xe: {  	[smem:$0x3FB3] =	sst s6  }
0xf: {  	[smem:$0x3FB4] =	sst s7  }
0x10: {  	[smem:$0x3FB5] =	sst s8  }
0x11: {  	[smem:$0x3FB6] =	sst s9;
	s0 =	simm.s32 @!p0 $0x0  }
0x12: {  	s1 =	sld [smem:$0x3F9C];
	s0 =	simm.s32 @p0 $0x1  }
0x13: {  	[smem:$0x3FB7] =	sst s0;
	s0 =	simm.s32 @!p1 $0x0  }
0x14: {  	s2 =	sld [smem:$0x3F9B];
	s0 =	simm.s32 @p1 $0x1  }
0x15: {  	[smem:$0x3FB8] =	sst s0;
	s0 =	simm.s32 @!p2 $0x0  }
0x16: {  	s3 =	sld [smem:$0x3FDB];
	s0 =	simm.s32 @p2 $0x1  }
0x17: {  	s4 =	simm.s32 $0x1BF5;
	[smem:$0x3FBA] =	sst s0  }
0x18: {  	s0 =	sld [smem:$0x3F9D];
	_ =	swait.ge [sflag:s4], $0x0  }
0x19: {  	s7 =	sld [smem:$0x3F9E]  }
0x1a: {  	s8 =	sadd.s32 $0xFFFFE003, lr  }
0x1b: {  	s9 =	sadd.s32 $0xFFFFFEF7, lr;
	s5 =	simm.s32 $0xFFFFFFFF;
	p2 =	slt.u32 s8, $0xFFFFF086  }
0x1c: {  	p1 =	slt.u32 s9, $0xF7A;
	s5 =	simm.s32 @!p2 $0x0  }
0x1d: {  	s5 =	simm.s32 @p1 $0x1;
	p0 =	seq.s32 s7, s2  }
0x1e: {  	s7 =	smul.u32 @!p0 $0xF7A, s2;
	p2 =	seq.s32 @!p0 s5, $0x0  }
0x1f: {  	s9 =	smul.u32 $0xF7A, s1;
	s8 =	simm.s32 @!p0 $0x1BF5;
	p2 =	por !p2, p0  }
0x20: {  	[sflag:s8] =	ssyncset.s32 @!p0 $0xFFFFF086;
	s6 =	sadd.s32 @!p0 s3, s7;
	s7 =	simm.s32 @!p0 $0x108  }
0x21: {  	s3 =	sadd.s32 s3, s9;
	s6 =	sadd.s32 @!p0 $0x88, s6;
	s7 =	simm.s32 @p2 $0x1082  }
0x22: {  	[simem:s7], [sflag:s8] =	dma.local @!p0 [hbm:s6], $0xF7A  }
0x23: {  	s9 =	sor.u32 $0xD0000000, s2;
	s6 =	simm.s32 $0x108;
	_ =	swait.ge @!p0 [sflag:s8], $0x0  }
0x24: {  	s3 =	sadd.s32 $0x88, s3;
	s6 =	simm.s32 @!p1 $0x1082;
	[sflag:s4] =	ssyncset.s32 $0xFFFFF086  }
0x25: {  	[simem:s6], [sflag:s4] =	dma.local [hbm:s3], $0xF7A  }
0x26: {  	[smem:$0x3F9E] =	sst s1;
	(tag) =	ssettag s2;
	_ =	strace s9  }
0x27: {  	s1 =	sld [smem:$0x3FAE]  }
0x28: {  	s2 =	sld [smem:$0x3FAF]  }
0x29: {  	s4 =	sld [smem:$0x3FB1]  }
0x2a: {  	p0 =	seq.s32 s5, $0x0;
	s5 =	sld [smem:$0x3FB2]  }
0x2b: {  	s6 =	sld [smem:$0x3FB3]  }
0x2c: {  	s7 =	sld [smem:$0x3FB4]  }
0x2d: {  	s3 =	simm.s32 $0x108;
	s8 =	sld [smem:$0x3FB5]  }
0x2e: {  	s3 =	simm.s32 @!p0 $0x1082;
	s9 =	sld [smem:$0x3FB6]  }
0x2f: {  	lr =	sadd.s32 s0, s3;
	s0 =	sld [smem:$0x3FAD]  }
0x30: {  	s3 =	sld [smem:$0x3FB0]  }
0x31: {  	[smem:$0x3FB9] =	sst s10  }
0x32: {  	s10 =	sld [smem:$0x3FB7];
	_ =	sdelay $0x3  }
0x33: {  	p0 =	seq.s32 s10, $0x1;
	s10 =	sld [smem:$0x3FB9];
	_ =	sdelay $0x3  }
0x34: {  	[smem:$0x3FB9] =	sst s10  }
0x35: {  	s10 =	sld [smem:$0x3FB8];
	_ =	sdelay $0x3  }
0x36: {  	p1 =	seq.s32 s10, $0x1;
	s10 =	sld [smem:$0x3FB9];
	_ =	sdelay $0x3  }
0x37: {  	[smem:$0x3FB9] =	sst s10  }
0x38: {  	s10 =	sld [smem:$0x3FBA]  }
0x39: {  	_ = 	snop;
	(pc) =	sbr.ind lr, $3  }
0x3a: {  	_ = 	snop  }
0x3b: {  	_ = 	snop  }
0x3c: {  	p2 =	seq.s32 s10, $0x1;
	s10 =	sld [smem:$0x3FB9]  }
0x3d: {  	_ =	shalt  }
0x3e: {  	_ =	shalt  }
0x3f: {  	_ =	shalt  }
0x40: {  	_ =	shalt  }
0x41: {  	_ =	shalt  }
0x42: {  	_ =	shalt  }
0x43: {  	_ =	shalt  }
0x44: {  	_ =	shalt  }
0x45: {  	_ =	shalt  }
0x46: {  	_ =	shalt  }
0x47: {  	_ =	shalt  }
0x48: {  	_ =	shalt  }
0x49: {  	_ =	shalt  }
0x4a: {  	_ =	shalt  }
0x4b: {  	_ =	shalt  }
0x4c: {  	_ =	shalt  }
0x4d: {  	_ =	shalt  }
0x4e: {  	_ =	shalt  }
0x4f: {  	_ =	shalt  }
0x50: {  	_ =	shalt  }
0x51: {  	_ =	shalt  }
0x52: {  	_ =	shalt  }
0x53: {  	_ =	shalt  }
0x54: {  	_ =	shalt  }
0x55: {  	_ =	shalt  }
0x56: {  	_ =	shalt  }
0x57: {  	_ =	shalt  }
0x58: {  	_ =	shalt  }
0x59: {  	_ =	shalt  }
0x5a: {  	_ =	shalt  }
0x5b: {  	_ =	shalt  }
0x5c: {  	_ =	shalt  }
0x5d: {  	_ =	shalt  }
0x5e: {  	_ =	shalt  }
0x5f: {  	_ =	shalt  }
0x60: {  	_ =	shalt  }
0x61: {  	_ =	shalt  }
0x62: {  	_ =	shalt  }
0x63: {  	_ =	shalt  }
0x64: {  	_ =	shalt  }
0x65: {  	_ =	shalt  }
0x66: {  	_ =	shalt  }
0x67: {  	_ =	shalt  }
0x68: {  	_ =	shalt  }
0x69: {  	_ =	shalt  }
0x6a: {  	_ =	shalt  }
0x6b: {  	_ =	shalt  }
0x6c: {  	_ =	shalt  }
0x6d: {  	_ =	shalt  }
0x6e: {  	_ =	shalt  }
0x6f: {  	_ =	shalt  }
0x70: {  	_ =	shalt  }
0x71: {  	_ =	shalt  }
0x72: {  	_ =	shalt  }
0x73: {  	_ =	shalt  }
0x74: {  	_ =	shalt  }
0x75: {  	_ =	shalt  }
0x76: {  	_ =	shalt  }
0x77: {  	_ =	shalt  }
0x78: {  	_ =	shalt  }
0x79: {  	_ =	shalt  }
0x7a: {  	_ =	shalt  }
0x7b: {  	_ =	shalt  }
0x7c: {  	_ =	shalt  }
0x7d: {  	_ =	shalt  }
0x7e: {  	_ =	shalt  }
0x7f: {  	_ =	shalt  }
0x80: {  	_ =	shalt  }
0x81: {  	_ =	shalt  }
0x82: {  	_ =	shalt  }
0x83: {  	_ =	shalt  }
0x84: {  	_ =	shalt  }
0x85: {  	_ =	shalt  }
0x86: {  	_ =	shalt  }
0x87: {  	_ =	shalt  }
.Lfunc_end0:
.L_simem_size_0:
called_computation_lowered:
.L_overlay_start_0:
0x88: {  	s2 =	sld [smem:$0x3FD9]  }
0x89: {  	s3 =	sld [smem:$0x3FFE];
	_ =	sdelay $0x1  }
0x8a: {  	s1 =	srdreg.scid  }
0x8b: {  	s0 =	sand.u32 $0x1, s1  }
0x8c: {  	s17 =	sshll.u32 s0, $0xA;
	s2 =	sadd.s32 s3, s2  }
0x8d: {  	s2 =	sadd.s32 s2, s17  }
0x8e: {  	[smem:$0x3FC5] =	sst s2  }
0x8f: {  	_ = 	snop  }
0x90: {  	s2 =	sld [smem:$0x3FD0];
	(tm) =	ssettm $0x1  }
0x91: {  	s18 =	sld [smem:$0x3FFB];
	_ =	sdelay $0x3  }
0x92: {  	_ =	strace s18  }
0x93: {  	s3 =	sld [smem:$0x3FFC];
	_ =	sdelay $0x3  }
0x94: {  	_ =	strace s3  }
0x95: {  	s3 =	sld [smem:$0x3FFD];
	_ =	sdelay $0x3  }
0x96: {  	_ =	strace s3  }
0x97: {  	_ =	strace $0x8FFFFFFF  }
0x98: {  	s19 =	sld [smem:$0x3FDB];
	_ =	sdelay $0x1  }
0x99: {  	s4 =	simm.s32 $_scs_section_size  }
0x9a: {  	s5 =	simm.s32 $_size__tile_overlayer_lowered;
	s6 =	simm.s32 $_tile_overlayer_lowered  }
0x9b: {  	s22 =	simm.s32 $0x1BFF;
	s21 =	sshll.u32 s6, $0x1;
	s3 =	sadd.s32 s4, s19  }
0x9c: {  	s7 =	simm.s32 $0x0;
	s20 =	sshll.u32 s5, $0x1;
	s5 =	sadd.s32 s21, s3  }
0x9d: {  	[timem:s7], [sflag:s22] =	dma.local [hbm:s5], s20  }
0x9e: {  	_ =	swait.ge [sflag:s22], s20  }
0x9f: {  	s4 =	ssub.s32 $0x0, s20;
	[sflag:s22] =	ssyncset.done $0x0  }
0xa0: {  	[sflag:s22] =	ssyncadd.s32 s4;
	_ =	sdelay $0x1  }
0xa1: {  	s23 =	simm.s32 $0x1B8B  }
0xa2: {  	_ =	swait.ge [sflag:s23], $0x1  }
0xa3: {  	[sflag:s23] =	ssyncset.done $0x0  }
0xa4: {  	s25 =	simm.s32 $0x1B8E;
	s24 =	sld [smem:$0x3FFE];
	[sflag:s23] =	ssyncadd.s32 $0xFFFFFFFF  }
0xa5: {  	s26 =	simm.s32 $execute0_lowered;
	[smem:$0x3FD2] =	sst s25  }
0xa6: {  	s5 =	sshll.u32 s26, $0x1;
	_ =	strace $0x80000046;
	[dreg:$0x1] =	wrdreg $0xFFFFFFFF  }
0xa7: {  	s28 =	simm.s32 $_size_execute0_lowered;
	s3 =	sadd.s32 s3, s5;
	[dreg:$0x0] =	wrdreg $0x0  }
0xa8: {  	s5 =	sshll.u32 s28, $0x1;
	[dreg:$0x2] =	wrdreg s3  }
0xa9: {  	[dreg:$0x3] =	wrdreg s5  }
0xaa: {  	[dreg:$0x4] =	wrdreg $0xC0  }
0xab: {  	_ =	task [dreg:s7], $0x5FFFF  }
0xac: {  	[dreg:$0x1] =	wrdreg $0xFFFFFFFF  }
0xad: {  	[dreg:$0x0] =	wrdreg $0x60  }
0xae: {  	[dreg:$0x2] =	wrdreg s24  }
0xaf: {  	[dreg:$0x3] =	wrdreg s2  }
0xb0: {  	[dreg:$0x4] =	wrdreg $0x9  }
0xb1: {  	_ =	task.clear_ibuf [dreg:s7], $0x5FFFF;
	_ =	strace $0x90000046  }
0xb2: {  	s29 =	simm.s32 $0x9;
	_ =	strace $0x80000048  }
0xb3: {  	_ =	swait.ge [sflag:s29], $0x1  }
0xb4: {  	[sflag:s29] =	ssyncadd.s32 $0xFFFFFFFF  }
0xb5: {  	_ =	strace $0x90000048  }
0xb6: {  	_ =	sfence  }
0xb7: {  	s30 =	sld [smem:$0x0];
	_ =	sdelay $0x2  }
0xb8: {  	s31 =	sshll.u32 s1, $0xD;
	s1 =	sshrl.u32 s1, $0x2  }
0xb9: {  	s3 =	sand.u32 $0x4000, s31;
	s1 =	sadd.s32 s1, s30  }
0xba: {  	s0 =	sor.u32 s3, s0;
	s1 =	sshll.u32 s1, $0x11  }
0xbb: {  	s0 =	sor.u32 s1, s0  }
0xbc: {  	s0 =	sadd.s32 $0x8F2B, s0  }
0xbd: {  	[sflag:s0] =	ssyncadd.remote.s32 $0x1  }
0xbe: {  	_ =	sfence.sel $0xFFFF  }
0xbf: {  	[dreg:$0x0] =	wrdreg $0xFFFFFFFF;
	(pc) =	sbr.abs _section_cstart, $3  }
0xc0: {  	[dreg:$0x1] =	wrdreg $0xFFFFFFFF  }
0xc1: {  	_ =	task.clear_ibuf [dreg:s7], $0x2FFFF;
	_ =	strace $0x9FFFFFFF  }
0xc2: {  	(tm) =	ssettm $0x7FFFFFFF  }
0xc3: {  	_ =	shalt  }
tec
execute0_lowered:
.L_overlay_start_1:
0x0: {  	(tag) =	ssettag $0x1  }
0x1: {  	v8 =	vlaneseq.u32  }
0x2: {  	v0 =	vmul.u32 $0xC8, v8;
	_ =	sdelay $0x1  }
0x3: {  	v1 =	vadd.s32 $0xC80, v0;
	[tilespmem:$0x1FE10] =	vst v0  }
0x4: {  	v49 =	vadd.s32 $0x1900, v0;
	[tilespmem:$0x1FD30] =	vst v1  }
0x5: {  	v50 =	vadd.s32 $0x2580, v0;
	[tilespmem:$0x1FD40] =	vst v49  }
0x6: {  	v51 =	vadd.s32 $0x3200, v0;
	[tilespmem:$0x1FD50] =	vst v50  }
0x7: {  	v52 =	vadd.s32 $0x3E80, v0;
	[tilespmem:$0x1FD60] =	vst v51  }
0x8: {  	v53 =	vadd.s32 $0x4B00, v0;
	[tilespmem:$0x1FD70] =	vst v52  }
0x9: {  	v54 =	vadd.s32 $0x5780, v0;
	[tilespmem:$0x1FD80] =	vst v53  }
0xa: {  	v55 =	vor.u32 $0x1, v0;
	[tilespmem:$0x1FD90] =	vst v54  }
0xb: {  	v56 =	vadd.s32 $0xC81, v0;
	[tilespmem:$0x1FDA0] =	vst v55  }
0xc: {  	v57 =	vadd.s32 $0x1901, v0;
	[tilespmem:$0x1FDB0] =	vst v56  }
0xd: {  	v58 =	vadd.s32 $0x2581, v0;
	[tilespmem:$0x1FDC0] =	vst v57  }
0xe: {  	v59 =	vadd.s32 $0x3201, v0;
	[tilespmem:$0x1FDD0] =	vst v58  }
0xf: {  	v60 =	vadd.s32 $0x3E81, v0;
	[tilespmem:$0x1FDE0] =	vst v59  }
0x10: {  	s3 =	stileid.u32;
	v21 =	vmul.u32 $0x88, v8;
	v61 =	vadd.s32 $0x4B01, v0;
	[tilespmem:$0x1FDF0] =	vst v60  }
0x11: {  	s0 =	rddreg [dreg:$0x0];
	s4 =	sshll.u32 s3, $0x1;
	s3 =	simm.s32 $0x0;
	v0 =	vadd.s32 $0x5781, v0;
	[tilespmem:$0x1FE00] =	vst v61  }
0x12: {  	[smem:$0x7FF] =	sst s3;
	v63 =	vadd.s32 $0x1107, v21;
	[tilespmem:$0x1FE20] =	vst v0  }
0x13: {  	s2 =	rddreg [dreg:$0x1];
	v25 =	vadd.s32 $0x1980, v21;
	_ =	strace $0x80000047;
	[tilespmem:$0x1FE30] =	vst v63  }
0x14: {  	v29 =	vadd.s32 $0x1981, v21;
	[tilespmem:$0x1FE40] =	vst v25  }
0x15: {  	v33 =	vadd.s32 $0x1982, v21;
	[tilespmem:$0x1FE50] =	vst v29  }
0x16: {  	v37 =	vadd.s32 $0x1983, v21;
	[tilespmem:$0x1FE60] =	vst v33  }
0x17: {  	v26 =	vadd.s32 $0x1984, v21;
	[tilespmem:$0x1FE70] =	vst v37  }
0x18: {  	v20 =	vadd.s32 $0x1985, v21;
	[tilespmem:$0x1FE80] =	vst v26  }
0x19: {  	v54 =	vor.u32 $0x1, v21;
	[tilespmem:$0x1FE90] =	vst v20  }
0x1a: {  	v30 =	vor.u32 $0x2, v21;
	[tilespmem:$0x1FEA0] =	vst v54  }
0x1b: {  	v34 =	vor.u32 $0x3, v21;
	[tilespmem:$0x1FEB0] =	vst v30  }
0x1c: {  	v38 =	vor.u32 $0x4, v21;
	[tilespmem:$0x1FEC0] =	vst v34  }
0x1d: {  	v42 =	vor.u32 $0x5, v21;
	[tilespmem:$0x1FED0] =	vst v38  }
0x1e: {  	v46 =	vor.u32 $0x6, v21;
	[tilespmem:$0x1FEE0] =	vst v42  }
0x1f: {  	v19 =	vor.u32 $0x7, v21;
	[tilespmem:$0x1FEF0] =	vst v46  }
0x20: {  	v28 =	vadd.s32 $0x1987, v21;
	[tilespmem:$0x1FF00] =	vst v19  }
0x21: {  	v18 =	vadd.s32 $0x1986, v21;
	[tilespmem:$0x1FF10] =	vst v28  }
0x22: {  	v43 =	vadd.s32 $0x1101, v21;
	[tilespmem:$0x1FF20] =	vst v18  }
0x23: {  	v35 =	vadd.s32 $0x1100, v21;
	[tilespmem:$0x1FF30] =	vst v43  }
0x24: {  	v39 =	vadd.s32 $0x1102, v21;
	[tilespmem:$0x1FF40] =	vst v35  }
0x25: {  	v40 =	vadd.s32 $0x1104, v21;
	[tilespmem:$0x1FF50] =	vst v39  }
0x26: {  	s1 =	srdreg.scid;
	s9 =	simm.s32 $0x5;
	v31 =	vadd.s32 $0x1103, v21;
	[tilespmem:$0x1FF60] =	vst v40  }
0x27: {  	s11 =	simm.s32 $0x100;
	s12 =	simm.s32 $0x9600;
	s13 =	simm.s32 $0x9800;
	v23 =	vadd.s32 $0x1106, v21;
	[tilespmem:$0x1FF70] =	vst v31  }
0x28: {  	s14 =	simm.s32 $0x9700;
	s15 =	simm.s32 $0xD800;
	s16 =	simm.s32 $0x1;
	v48 =	vadd.s32 $0x1105, v21;
	[tilespmem:$0x1FF80] =	vst v23  }
0x29: {  	s17 =	simm.s32 $0x11800;
	s18 =	simm.s32 $0x13A00;
	s19 =	simm.s32 $0x2;
	v14 =	vadd.s32 $0x886, v21;
	[tilespmem:$0x1FF90] =	vst v48  }
0x2a: {  	s20 =	simm.s32 $0x4;
	s21 =	simm.s32 $0x15C00;
	s1 =	sand.u32 $0x1, s1;
	v24 =	vadd.s32 $0x882, v21;
	[tilespmem:$0x1FFA0] =	vst v14  }
0x2b: {  	s22 =	simm.s32 $0x17E00;
	s7 =	sor.u32 s1, s4;
	s1 =	ssub.s32 $0x2, s1;
	v41 =	vadd.s32 $0x881, v21;
	[tilespmem:$0x1FFB0] =	vst v24  }
0x2c: {  	s23 =	simm.s32 $0x3;
	s4 =	smul.u32 $0xC80, s7;
	s8 =	sshrl.u32 s1, $0x1;
	v44 =	vadd.s32 $0x883, v21;
	[tilespmem:$0x1FFC0] =	vst v41  }
0x2d: {  	s24 =	simm.s32 $0x0;
	v32 =	vadd.s32 $0x880, v21;
	s7 =	sshll.u32 s7, $0xA;
	s31 =	ssub.s32 s1, s8;
	[tilespmem:$0x1FFD0] =	vst v44  }
0x2e: {  	v62 =	vimm.s32 $0x0;
	vm0 =	vcmask $0x300;
	v47 =	vadd.s32 $0x884, v21;
	s6 =	sadd.s32 s4, s0;
	s4 =	sadd.s32 $0xF42C00, s0;
	s0 =	sadd.s32 $0x19800, s0;
	[tilespmem:$0x1FFE0] =	vst v32  }
0x2f: {  	v17 =	vsel vm0, $0x3, v62;
	v27 =	vadd.s32 $0x885, v21;
	v22 =	vadd.s32 $0x887, v21;
	s8 =	smax.u32 s31, $0x1;
	[tilespmem:$0x1FFF0] =	vst v47;
	[dreg:$0x3] =	wrdreg s0;
	s6 =	sadd.s32 $0x800, s6  }
.LBB2_1:
0x30: {  	[tilespmem:s3], [sflag:$0x5] =	stream.linear.gather [hbm4b:s6+s3], $0x6400, $0x38;
	[tilespmem:$0x1A000] =	vst v63  }
0x31: {  	_ =	swait.ge [sflag:s9], $0x6400  }
0x32: {  	[sflag:s9] =	ssyncset.done $0x0  }
0x33: {  	s1 =	simm.s32 $0x6400;
	s0 =	rddreg [dreg:$0x3];
	[sflag:s9] =	ssyncadd.s32 $0xFFFF9C00  }
0x34: {  	[tilespmem:s1], [sflag:$0x5] =	stream.linear.gather [hbm4b:s0+s3], $0x3200, $0x38;
	[tilespmem:$0x1A000] =	vst v63  }
0x35: {  	_ =	swait.ge [sflag:s9], $0x3200  }
0x36: {  	v0 =	vld [tilespmem:$0x1FE10];
	_ =	sdelay $0x5  }
0x37: {  	[sflag:s9] =	ssyncset.done $0x0;
	v45 =	vld [tilespmem:$0x1FD30]  }
0x38: {  	[sflag:s9] =	ssyncadd.s32 $0xFFFFCE00  }
0x39: {  	v8 =	vld.idx.msk [tilespmem:v0+s3+$0x0], $0xffff;
	_ =	sdelay $0x3  }
0x3a: {  	v49 =	vld [tilespmem:$0x1FD40]  }
0x3b: {  	[tilespmem:$0x9600] =	vst v8  }
0x3c: {  	v8 =	vld.idx.msk [tilespmem:v45+s3+$0x0], $0xffff;
	_ =	sdelay $0x3  }
0x3d: {  	v50 =	vld [tilespmem:$0x1FD50]  }
0x3e: {  	[tilespmem:$0x9610] =	vst v8  }
0x3f: {  	v8 =	vld.idx.msk [tilespmem:v49+s3+$0x0], $0xffff;
	_ =	sdelay $0x3  }
0x40: {  	v51 =	vld [tilespmem:$0x1FD60]  }
0x41: {  	[tilespmem:$0x9620] =	vst v8  }
0x42: {  	v8 =	vld.idx.msk [tilespmem:v50+s3+$0x0], $0xffff;
	_ =	sdelay $0x3  }
0x43: {  	v52 =	vld [tilespmem:$0x1FD70]  }
0x44: {  	[tilespmem:$0x9630] =	vst v8  }
0x45: {  	v8 =	vld.idx.msk [tilespmem:v51+s3+$0x0], $0xffff;
	_ =	sdelay $0x3  }
0x46: {  	v53 =	vld [tilespmem:$0x1FD80]  }
0x47: {  	[tilespmem:$0x9640] =	vst v8  }
0x48: {  	v8 =	vld.idx.msk [tilespmem:v52+s3+$0x0], $0xffff;
	_ =	sdelay $0x3  }
0x49: {  	v55 =	vld [tilespmem:$0x1FD90]  }
0x4a: {  	[tilespmem:$0x9650] =	vst v8  }
0x4b: {  	v8 =	vld.idx.msk [tilespmem:v53+s3+$0x0], $0xffff;
	_ =	sdelay $0x3  }
0x4c: {  	v56 =	vld [tilespmem:$0x1FDA0]  }
0x4d: {  	[tilespmem:$0x9660] =	vst v8  }
0x4e: {  	v8 =	vld.idx.msk [tilespmem:v55+s3+$0x0], $0xffff;
	_ =	sdelay $0x3  }
0x4f: {  	v57 =	vld [tilespmem:$0x1FDB0]  }
0x50: {  	[tilespmem:$0x9670] =	vst v8  }
0x51: {  	v8 =	vld.idx.msk [tilespmem:v56+s3+$0x0], $0xffff;
	_ =	sdelay $0x3  }
0x52: {  	v58 =	vld [tilespmem:$0x1FDC0]  }
0x53: {  	[tilespmem:$0x9680] =	vst v8  }
0x54: {  	v8 =	vld.idx.msk [tilespmem:v57+s3+$0x0], $0xffff;
	_ =	sdelay $0x3  }
0x55: {  	v59 =	vld [tilespmem:$0x1FDD0]  }
0x56: {  	[tilespmem:$0x9690] =	vst v8  }
0x57: {  	v8 =	vld.idx.msk [tilespmem:v58+s3+$0x0], $0xffff;
	_ =	sdelay $0x3  }
0x58: {  	v60 =	vld [tilespmem:$0x1FDE0]  }
0x59: {  	[tilespmem:$0x96A0] =	vst v8  }
0x5a: {  	v8 =	vld.idx.msk [tilespmem:v59+s3+$0x0], $0xffff;
	_ =	sdelay $0x3  }
0x5b: {  	v61 =	vld [tilespmem:$0x1FDF0]  }
0x5c: {  	[tilespmem:$0x96B0] =	vst v8  }
0x5d: {  	v8 =	vld.idx.msk [tilespmem:v60+s3+$0x0], $0xffff;
	_ =	sdelay $0x3  }
0x5e: {  	v62 =	vld [tilespmem:$0x1FE00]  }
0x5f: {  	[tilespmem:$0x96C0] =	vst v8  }
0x60: {  	v8 =	vld.idx.msk [tilespmem:v61+s3+$0x0], $0xffff;
	_ =	sdelay $0x3  }
0x61: {  	v63 =	vld [tilespmem:$0x1FE20]  }
0x62: {  	[tilespmem:$0x96D0] =	vst v8  }
0x63: {  	v8 =	vld.idx.msk [tilespmem:v62+s3+$0x0], $0xffff;
	_ =	sdelay $0x4  }
0x64: {  	[tilespmem:$0x96E0] =	vst v8  }
0x65: {  	v8 =	vld.idx.msk [tilespmem:v63+s3+$0x0], $0xffff;
	_ =	sdelay $0x4  }
0x66: {  	s25 =	simm.s32 $0x0;
	[tilespmem:$0x96F0] =	vst v8  }
0x67: {  	[tilespmem:s13], [sflag:$0x1] =	stream.indirect.gather [hbm4b:s4+s11], $0x40, s12, s11, $0xb8;
	[tilespmem:$0x1A000] =	vst v63  }
.LBB2_2:
0x68: {  	v0 =	vld [tilespmem:$0x1FE10]  }
0x69: {  	s29 =	sshll.u32 s25, $0x2  }
0x6a: {  	s26 =	sor.u32 $0x2, s29  }
0x6b: {  	v8 =	vmov s26  }
0x6c: {  	v8 =	vand.u32 $0xFE, v8  }
0x6d: {  	v9 =	vadd.s32 v0, v8  }
0x6e: {  	v1 =	vld [tilespmem:$0x1FD30];
	_ =	sdelay $0x3  }
0x6f: {  	v9 =	vld.idx.msk [tilespmem:v9+s3+$0x0], $0xffff  }
0x70: {  	v10 =	vadd.s32 v1, v8  }
0x71: {  	v2 =	vld [tilespmem:$0x1FD40];
	_ =	sdelay $0x2  }
0x72: {  	[tilespmem:$0x9700] =	vst v9  }
0x73: {  	v9 =	vld.idx.msk [tilespmem:v10+s3+$0x0], $0xffff  }
0x74: {  	v10 =	vadd.s32 v2, v8  }
0x75: {  	v3 =	vld [tilespmem:$0x1FD50];
	_ =	sdelay $0x2  }
0x76: {  	[tilespmem:$0x9710] =	vst v9  }
0x77: {  	v9 =	vld.idx.msk [tilespmem:v10+s3+$0x0], $0xffff  }
0x78: {  	v10 =	vadd.s32 v3, v8  }
0x79: {  	v4 =	vld [tilespmem:$0x1FD60];
	_ =	sdelay $0x2  }
0x7a: {  	[tilespmem:$0x9720] =	vst v9  }
0x7b: {  	v9 =	vld.idx.msk [tilespmem:v10+s3+$0x0], $0xffff  }
0x7c: {  	v10 =	vadd.s32 v4, v8  }
0x7d: {  	v5 =	vld [tilespmem:$0x1FD70];
	_ =	sdelay $0x2  }
0x7e: {  	[tilespmem:$0x9730] =	vst v9  }
0x7f: {  	v9 =	vld.idx.msk [tilespmem:v10+s3+$0x0], $0xffff  }
0x80: {  	v10 =	vadd.s32 v5, v8  }
0x81: {  	v6 =	vld [tilespmem:$0x1FD80];
	_ =	sdelay $0x2  }
0x82: {  	[tilespmem:$0x9740] =	vst v9  }
0x83: {  	v9 =	vld.idx.msk [tilespmem:v10+s3+$0x0], $0xffff  }
0x84: {  	v10 =	vadd.s32 v6, v8  }
0x85: {  	v7 =	vld [tilespmem:$0x1FD90];
	_ =	sdelay $0x2  }
0x86: {  	[tilespmem:$0x9750] =	vst v9  }
0x87: {  	v9 =	vld.idx.msk [tilespmem:v10+s3+$0x0], $0xffff  }
0x88: {  	v8 =	vadd.s32 v7, v8;
	_ =	sdelay $0x2  }
0x89: {  	s0 =	sshllo.u32 s25, $0x2  }
0x8a: {  	[tilespmem:$0x9760] =	vst v9;
	v9 =	vmov s0  }
0x8b: {  	v8 =	vld.idx.msk [tilespmem:v8+s3+$0x0], $0xffff;
	v9 =	vand.u32 $0xFF, v9  }
0x8c: {  	v10 =	vadd.s32 v0, v9;
	_ =	sdelay $0x3  }
0x8d: {  	[tilespmem:$0x9770] =	vst v8  }
0x8e: {  	v8 =	vld.idx.msk [tilespmem:v10+s3+$0x0], $0xffff  }
0x8f: {  	v10 =	vadd.s32 v1, v9;
	_ =	sdelay $0x3  }
0x90: {  	[tilespmem:$0x9780] =	vst v8  }
0x91: {  	v8 =	vld.idx.msk [tilespmem:v10+s3+$0x0], $0xffff  }
0x92: {  	v10 =	vadd.s32 v2, v9;
	_ =	sdelay $0x3  }
0x93: {  	[tilespmem:$0x9790] =	vst v8  }
0x94: {  	v8 =	vld.idx.msk [tilespmem:v10+s3+$0x0], $0xffff  }
0x95: {  	v10 =	vadd.s32 v3, v9;
	_ =	sdelay $0x3  }
0x96: {  	[tilespmem:$0x97A0] =	vst v8  }
0x97: {  	v8 =	vld.idx.msk [tilespmem:v10+s3+$0x0], $0xffff  }
0x98: {  	v10 =	vadd.s32 v4, v9;
	_ =	sdelay $0x3  }
0x99: {  	[tilespmem:$0x97B0] =	vst v8  }
0x9a: {  	v8 =	vld.idx.msk [tilespmem:v10+s3+$0x0], $0xffff  }
0x9b: {  	v10 =	vadd.s32 v5, v9;
	_ =	sdelay $0x3  }
0x9c: {  	[tilespmem:$0x97C0] =	vst v8  }
0x9d: {  	v8 =	vld.idx.msk [tilespmem:v10+s3+$0x0], $0xffff  }
0x9e: {  	v10 =	vadd.s32 v6, v9;
	_ =	sdelay $0x3  }
0x9f: {  	[tilespmem:$0x97D0] =	vst v8  }
0xa0: {  	v8 =	vld.idx.msk [tilespmem:v10+s3+$0x0], $0xffff  }
0xa1: {  	v9 =	vadd.s32 v7, v9;
	_ =	sdelay $0x3  }
0xa2: {  	[tilespmem:$0x97E0] =	vst v8  }
0xa3: {  	v8 =	vld.idx.msk [tilespmem:v9+s3+$0x0], $0xffff;
	_ =	sdelay $0x4  }
0xa4: {  	p0 =	seq.s32 s25, $0x0;
	[tilespmem:$0x97F0] =	vst v8  }
0xa5: {  	[tilespmem:s15], [sflag:$0x2] =	stream.indirect.gather [hbm4b:s4+s11], $0x40, s14, s11, $0xb8;
	[tilespmem:$0x1A000] =	vst v63  }
0xa6: {  	s5 =	simm.s32 $0x2;
	s10 =	sshll.u32 s25, $0x8;
	_ =	swait.ge [sflag:s16], $0x4000  }
0xa7: {  	s28 =	sand.u32 $0x3FFFFF00, s10;
	s10 =	simm.s32 $0x6;
	[sflag:s16] =	ssyncset.done $0x0  }
0xa8: {  	v15 =	vmov s10;
	s0 =	simm.s32 @!p0 $0x3;
	v10 =	vmov s5;
	s5 =	simm.s32 $0x4;
	[sflag:s16] =	ssyncadd.s32 $0xFFFFC000  }
0xa9: {  	v15 =	vshrl.u32 v15, $0x3;
	v12 =	vmov s5;
	s5 =	simm.s32 $0x5;
	_ =	swait.ge @!p0 [sflag:s0], $0x4000  }
0xaa: {  	v10 =	vshrl.u32 v10, $0x3;
	v13 =	vmov s5;
	v12 =	vshrl.u32 v12, $0x3;
	s5 =	simm.s32 $0x7;
	[sflag:s0] =	ssyncset.done @!p0 $0x0  }
0xab: {  	s1 =	simm.s32 $0x0;
	v10 =	vshll.u32 v10, v17;
	v13 =	vshrl.u32 v13, $0x3;
	v16 =	vmov s5;
	[sflag:s0] =	ssyncadd.s32 @!p0 $0xFFFFC000  }
0xac: {  	v12 =	vshll.u32 v12, v17;
	v58 =	vbroadcast v10, $0x0;
	v8 =	vmov s1;
	v52 =	vld [tilespmem:s28+$0x6400]  }
0xad: {  	s30 =	simm.s32 $0x9900;
	v16 =	vshrl.u32 v16, $0x3;
	v13 =	vshll.u32 v13, v17;
	s1 =	simm.s32 $0x1;
	v8 =	vshrl.u32 v8, $0x3;
	v51 =	vld [tilespmem:s28+$0x6410]  }
0xae: {  	v55 =	vbroadcast v12, $0x0;
	v9 =	vmov s1;
	s1 =	simm.s32 $0x3;
	v8 =	vshll.u32 v8, v17;
	v49 =	vld [tilespmem:s30+$0xC0]  }
0xaf: {  	v11 =	vmov s1;
	v59 =	vbroadcast v8, $0x0;
	v8 =	vshll.u32 v16, v17;
	v53 =	vld [tilespmem:s30+$0xFFFFFF00]  }
0xb0: {  	v9 =	vshrl.u32 v9, $0x3;
	v11 =	vshrl.u32 v11, $0x3;
	v61 =	vbroadcast v8, $0x0;
	v16 =	vld [tilespmem:s30+$0xFFFFFF40]  }
0xb1: {  	v56 =	vbroadcast v13, $0x0;
	v9 =	vshll.u32 v9, v17;
	v11 =	vshll.u32 v11, v17;
	v8 =	vld [tilespmem:s30+$0xFFFFFF80]  }
0xb2: {  	v60 =	vbroadcast v9, $0x0;
	v57 =	vbroadcast v11, $0x0;
	v11 =	vadd.s32 v19, v61;
	v10 =	vld [tilespmem:s30+$0xFFFFFFC0]  }
0xb3: {  	v9 =	vshll.u32 v15, v17;
	v12 =	vadd.s32 v21, v59;
	v15 =	vld [tilespmem:s30+$0x0];
	v13 =	vmul.f32 $8.000000000e+00, v49  }
0xb4: {  	v45 =	vbroadcast v9, $0x0;
	v62 =	vadd.s32 v54, v60;
	v1 =	vld [tilespmem:s30+$0x80];
	v53 =	vmul.f32 $8.000000000e+00, v53  }
0xb5: {  	v63 =	vld [tilespmem:s30+$0x40];
	v9 =	vmul.f32 $8.000000000e+00, v16;
	v16 =	vadd.s32 v30, v58;
	v13 =	vadd.f32 v13, v52  }
0xb6: {  	v36 =	vadd.s32 v34, v57;
	v50 =	vld [tilespmem:s28+$0x6420];
	v8 =	vmul.f32 $8.000000000e+00, v8;
	v53 =	vadd.f32 v53, v52  }
0xb7: {  	v3 =	vadd.s32 v38, v55;
	v49 =	vld [tilespmem:s28+$0x6430];
	v10 =	vmul.f32 $8.000000000e+00, v10;
	v9 =	vadd.f32 v9, v52;
	[tilespmem:v11+s17+$0x0] =	vst.idx.msk $0xffff, v13  }
0xb8: {  	v8 =	vadd.f32 v8, v52;
	[tilespmem:v12+s17+$0x0] =	vst.idx.msk $0xffff, v53;
	v11 =	vmul.f32 $8.000000000e+00, v15;
	v13 =	vld [tilespmem:s30+$0xD0]  }
0xb9: {  	v1 =	vmul.f32 $8.000000000e+00, v1;
	v12 =	vadd.s32 v42, v56;
	[tilespmem:v62+s17+$0x0] =	vst.idx.msk $0xffff, v9;
	v9 =	vadd.f32 v10, v52;
	v15 =	vld [tilespmem:s30+$0xFFFFFF10]  }
0xba: {  	v10 =	vmul.f32 $8.000000000e+00, v63;
	v63 =	vld [tilespmem:s30+$0xFFFFFF50];
	[tilespmem:v16+s17+$0x0] =	vst.idx.msk $0xffff, v8;
	v8 =	vadd.f32 v11, v52  }
0xbb: {  	s10 =	simm.s32 $0x8;
	v1 =	vadd.f32 v1, v52;
	v53 =	vadd.s32 v46, v45;
	[tilespmem:v36+s17+$0x0] =	vst.idx.msk $0xffff, v9  }
0xbc: {  	v5 =	vmov s10;
	v16 =	vld [tilespmem:s30+$0xFFFFFF90];
	v36 =	vadd.f32 v10, v52;
	[tilespmem:v3+s17+$0x0] =	vst.idx.msk $0xffff, v8;
	v3 =	vadd.s32 v22, v61  }
0xbd: {  	s10 =	simm.s32 $0xB;
	v62 =	vadd.s32 v32, v59;
	v11 =	vshrl.u32 v5, $0x3;
	v10 =	vld [tilespmem:s30+$0xFFFFFFD0];
	v2 =	vmul.f32 $8.000000000e+00, v13  }
0xbe: {  	v5 =	vmov s10;
	v4 =	vld [tilespmem:s30+$0x10];
	[tilespmem:v12+s17+$0x0] =	vst.idx.msk $0xffff, v36;
	v13 =	vmul.f32 $8.000000000e+00, v15;
	v15 =	vadd.s32 v41, v60  }
0xbf: {  	[tilespmem:$0x1FD10] =	vst v5;
	v36 =	vmul.f32 $8.000000000e+00, v63;
	v2 =	vadd.f32 v2, v51  }
0xc0: {  	[tilespmem:v53+s17+$0x0] =	vst.idx.msk $0xffff, v1;
	v53 =	vadd.s32 v24, v58;
	v13 =	vadd.f32 v13, v51  }
0xc1: {  	s1 =	simm.s32 $0x9;
	v6 =	vadd.s32 v44, v57;
	v16 =	vmul.f32 $8.000000000e+00, v16;
	v63 =	vld [tilespmem:s30+$0x90];
	v1 =	vadd.f32 v36, v51;
	[tilespmem:v3+s17+$0x0] =	vst.idx.msk $0xffff, v2  }
0xc2: {  	v7 =	vadd.s32 v47, v55;
	v9 =	vmov s1;
	s1 =	simm.s32 $0xC;
	v5 =	vld [tilespmem:s30+$0x50];
	v10 =	vmul.f32 $8.000000000e+00, v10;
	[tilespmem:v62+s17+$0x0] =	vst.idx.msk $0xffff, v13  }
0xc3: {  	v2 =	vadd.f32 v16, v51;
	v36 =	vmul.f32 $8.000000000e+00, v4;
	v62 =	vmov s1;
	v13 =	vld [tilespmem:s30+$0xE0];
	[tilespmem:v15+s17+$0x0] =	vst.idx.msk $0xffff, v1  }
0xc4: {  	v16 =	vld [tilespmem:s30+$0xFFFFFF20];
	v1 =	vadd.f32 v10, v51;
	[tilespmem:$0x1FD20] =	vst v62  }
0xc5: {  	[tilespmem:v53+s17+$0x0] =	vst.idx.msk $0xffff, v2;
	v2 =	vadd.f32 v36, v51  }
0xc6: {  	v3 =	vmul.f32 $8.000000000e+00, v63;
	[tilespmem:v6+s17+$0x0] =	vst.idx.msk $0xffff, v1  }
0xc7: {  	[tilespmem:v7+s17+$0x0] =	vst.idx.msk $0xffff, v2  }
0xc8: {  	v0 =	vadd.s32 v27, v56;
	v2 =	vadd.f32 v3, v51;
	v3 =	vld [tilespmem:$0x1FE30]  }
0xc9: {  	v10 =	vadd.s32 v14, v45;
	v5 =	vmul.f32 $8.000000000e+00, v5  }
0xca: {  	s5 =	simm.s32 $0xA;
	v63 =	vld [tilespmem:s30+$0xFFFFFFA0]  }
0xcb: {  	v8 =	vmov s5;
	v62 =	vld [tilespmem:s30+$0xFFFFFF60];
	v1 =	vadd.f32 v5, v51  }
0xcc: {  	v12 =	vshrl.u32 v9, $0x3;
	v9 =	vadd.s32 v35, v59;
	v53 =	vshll.u32 v11, v17;
	v6 =	vld [tilespmem:s30+$0xFFFFFFE0]  }
0xcd: {  	v11 =	vshrl.u32 v8, $0x3;
	[tilespmem:v0+s17+$0x0] =	vst.idx.msk $0xffff, v1;
	v8 =	vmul.f32 $8.000000000e+00, v16;
	v3 =	vadd.s32 v3, v61  }
0xce: {  	v1 =	vmul.f32 $8.000000000e+00, v13;
	[tilespmem:v10+s17+$0x0] =	vst.idx.msk $0xffff, v2;
	v10 =	vadd.s32 v39, v58  }
0xcf: {  	v13 =	vadd.s32 v43, v60;
	v8 =	vadd.f32 v8, v50;
	v63 =	vmul.f32 $8.000000000e+00, v63  }
0xd0: {  	v5 =	vmul.f32 $8.000000000e+00, v62;
	v1 =	vadd.f32 v1, v50  }
0xd1: {  	v2 =	vmul.f32 $8.000000000e+00, v6;
	[tilespmem:v9+s17+$0x0] =	vst.idx.msk $0xffff, v8;
	v6 =	vadd.f32 v63, v50  }
0xd2: {  	v4 =	vld [tilespmem:s30+$0x20];
	[tilespmem:v3+s17+$0x0] =	vst.idx.msk $0xffff, v1;
	v1 =	vadd.f32 v5, v50  }
0xd3: {  	v0 =	vadd.s32 v31, v57;
	v16 =	vld [tilespmem:s30+$0x60];
	[tilespmem:v10+s17+$0x0] =	vst.idx.msk $0xffff, v6  }
0xd4: {  	v62 =	vld [tilespmem:s30+$0xA0];
	[tilespmem:v13+s17+$0x0] =	vst.idx.msk $0xffff, v1  }
0xd5: {  	v6 =	vld [tilespmem:$0x1FD10]  }
0xd6: {  	v2 =	vadd.f32 v2, v50  }
0xd7: {  	v3 =	vadd.s32 v40, v55  }
0xd8: {  	s10 =	simm.s32 $0xE;
	s5 =	simm.s32 $0xD;
	v4 =	vmul.f32 $8.000000000e+00, v4;
	v5 =	vadd.s32 v48, v56;
	v7 =	vld [tilespmem:s30+$0xF0];
	[tilespmem:v0+s17+$0x0] =	vst.idx.msk $0xffff, v2  }
0xd9: {  	v15 =	vmov s10;
	v36 =	vmovc v54;
	v54 =	vmov s5;
	v13 =	vmul.f32 $8.000000000e+00, v16;
	v0 =	vld [tilespmem:$0x1FD20]  }
0xda: {  	v4 =	vadd.f32 v4, v50;
	v63 =	vmul.f32 $8.000000000e+00, v62;
	v8 =	vshrl.u32 v6, $0x3;
	v6 =	vld [tilespmem:s30+$0xFFFFFF70]  }
0xdb: {  	v10 =	vshrl.u32 v54, $0x3;
	v54 =	vadd.s32 v28, v61;
	v1 =	vld [tilespmem:s30+$0xFFFFFF30];
	v2 =	vadd.f32 v13, v50  }
0xdc: {  	v62 =	vshrl.u32 v15, $0x3;
	v15 =	vshll.u32 v11, v17;
	v16 =	vadd.s32 v23, v45;
	[tilespmem:v3+s17+$0x0] =	vst.idx.msk $0xffff, v4;
	v3 =	vld [tilespmem:s30+$0xFFFFFFF0]  }
0xdd: {  	v13 =	vadd.s32 v33, v58;
	v4 =	vadd.f32 v63, v50;
	[tilespmem:v5+s17+$0x0] =	vst.idx.msk $0xffff, v2;
	v2 =	vld [tilespmem:s30+$0x30]  }
0xde: {  	v63 =	vshll.u32 v12, v17;
	v12 =	vadd.s32 v25, v59;
	v9 =	vshrl.u32 v0, $0x3;
	v0 =	vld [tilespmem:s30+$0xFFFFFFB0]  }
0xdf: {  	v61 =	vmovc v31;
	v31 =	vmovc v32;
	v59 =	vmul.f32 $8.000000000e+00, v7;
	v7 =	vadd.s32 v29, v60;
	v60 =	vld [tilespmem:s30+$0x70];
	v6 =	vmul.f32 $8.000000000e+00, v6  }
0xe0: {  	v32 =	vmovc v35;
	v35 =	vmovc v41;
	v58 =	vadd.s32 v26, v55;
	v55 =	vadd.s32 v20, v56;
	v1 =	vmul.f32 $8.000000000e+00, v1  }
0xe1: {  	v41 =	vmovc v22;
	v5 =	vadd.f32 v59, v49;
	v59 =	vadd.s32 v37, v57;
	v37 =	vadd.f32 v6, v49  }
0xe2: {  	v26 =	vmovc v36;
	v36 =	vmov v43;
	[tilespmem:v16+s17+$0x0] =	vst.idx.msk $0xffff, v4;
	v1 =	vadd.f32 v1, v49;
	v3 =	vmul.f32 $8.000000000e+00, v3  }
0xe3: {  	v43 =	vmovc v61;
	[tilespmem:v54+s17+$0x0] =	vst.idx.msk $0xffff, v5;
	v54 =	vadd.s32 v18, v45;
	v45 =	vmov v23;
	v0 =	vmul.f32 $8.000000000e+00, v0  }
0xe4: {  	v23 =	vmovc v19;
	[tilespmem:v12+s17+$0x0] =	vst.idx.msk $0xffff, v1;
	v11 =	vmul.f32 $8.000000000e+00, v2;
	v12 =	vadd.f32 v3, v49;
	v56 =	vmul.f32 $8.000000000e+00, v60  }
0xe5: {  	s31 =	simm.s32 $0x10;
	s1 =	simm.s32 $0xF;
	v57 =	vld [tilespmem:s30+$0xB0];
	v16 =	vadd.f32 v0, v49;
	[tilespmem:v7+s17+$0x0] =	vst.idx.msk $0xffff, v37;
	v37 =	vmovc v25;
	v25 =	vmov v28;
	v28 =	vmov v14  }
.LBB2_3:
0xe6: {  	_ =	sdelay $0x1  }
0xe7: {  	v0 =	vmov s1;
	s30 =	sadd.s32 $0x200, s30;
	v3 =	vshll.u32 v8, v17  }
0xe8: {  	v7 =	vshll.u32 v9, v17;
	v8 =	vshll.u32 v10, v17;
	v4 =	vld [tilespmem:s30+$0xC0];
	v0 =	vshrl.u32 v0, $0x3  }
0xe9: {  	v60 =	vbroadcast v63, $0x0;
	[tilespmem:v13+s17+$0x0] =	vst.idx.msk $0xffff, v16;
	v6 =	vld [tilespmem:s30+$0xFFFFFF00];
	v0 =	vshll.u32 v0, v17;
	v2 =	vmul.f32 $8.000000000e+00, v57  }
0xea: {  	v62 =	vshll.u32 v62, v17;
	v1 =	vadd.f32 v11, v49;
	v61 =	vbroadcast v0, $0x0;
	v0 =	vld [tilespmem:s30+$0xFFFFFF80]  }
0xeb: {  	[tilespmem:v59+s17+$0x0] =	vst.idx.msk $0xffff, v12;
	v5 =	vadd.f32 v56, v49;
	v57 =	vbroadcast v53, $0x0;
	v53 =	vadd.f32 v2, v49;
	v2 =	vld [tilespmem:s30+$0xFFFFFF40]  }
0xec: {  	v59 =	vbroadcast v15, $0x0;
	v56 =	vbroadcast v7, $0x0;
	[tilespmem:v58+s17+$0x0] =	vst.idx.msk $0xffff, v1;
	v63 =	vadd.s32 v23, v61  }
0xed: {  	[tilespmem:v55+s17+$0x0] =	vst.idx.msk $0xffff, v5;
	v55 =	vbroadcast v8, $0x0;
	v9 =	vld [tilespmem:s30+$0x0];
	v7 =	vadd.s32 v21, v57;
	v4 =	vmul.f32 $8.000000000e+00, v4  }
0xee: {  	v1 =	vld [tilespmem:s30+$0xFFFFFFC0];
	v6 =	vmul.f32 $8.000000000e+00, v6;
	[tilespmem:v54+s17+$0x0] =	vst.idx.msk $0xffff, v53;
	v54 =	vbroadcast v62, $0x0;
	v62 =	vadd.s32 v30, v59  }
0xef: {  	v8 =	vadd.s32 v26, v60;
	v10 =	vld [tilespmem:s30+$0x40];
	v4 =	vadd.f32 v4, v52;
	v0 =	vmul.f32 $8.000000000e+00, v0  }
0xf0: {  	v6 =	vadd.f32 v6, v52;
	v11 =	vld [tilespmem:s30+$0x80];
	v2 =	vmul.f32 $8.000000000e+00, v2  }
0xf1: {  	v58 =	vbroadcast v3, $0x0;
	v13 =	vadd.s32 v38, v56;
	[tilespmem:v63+s17+$0x0] =	vst.idx.msk $0xffff, v4;
	v0 =	vadd.f32 v0, v52  }
0xf2: {  	v63 =	vmul.f32 $8.000000000e+00, v9;
	[tilespmem:v7+s17+$0x0] =	vst.idx.msk $0xffff, v6;
	v6 =	vld [tilespmem:s30+$0xD0];
	v2 =	vadd.f32 v2, v52  }
0xf3: {  	v12 =	vadd.s32 v34, v58;
	v1 =	vmul.f32 $8.000000000e+00, v1;
	v9 =	vmov s31;
	v7 =	vld [tilespmem:s30+$0xFFFFFF10];
	[tilespmem:v62+s17+$0x0] =	vst.idx.msk $0xffff, v0  }
0xf4: {  	v5 =	vshrl.u32 v9, $0x3;
	v62 =	vadd.f32 v63, v52;
	v9 =	vld [tilespmem:s30+$0xFFFFFF90];
	[tilespmem:v8+s17+$0x0] =	vst.idx.msk $0xffff, v2;
	v8 =	vadd.s32 v46, v54  }
0xf5: {  	v53 =	vmul.f32 $8.000000000e+00, v10;
	v4 =	vadd.s32 v42, v55;
	v63 =	vmul.f32 $8.000000000e+00, v11;
	v10 =	vld [tilespmem:s30+$0xFFFFFF50]  }
0xf6: {  	v1 =	vadd.f32 v1, v52;
	[tilespmem:v13+s17+$0x0] =	vst.idx.msk $0xffff, v62  }
0xf7: {  	v3 =	vadd.s32 v41, v61;
	v62 =	vadd.f32 v63, v52;
	v15 =	vld [tilespmem:s30+$0x10]  }
0xf8: {  	v53 =	vadd.f32 v53, v52;
	[tilespmem:v12+s17+$0x0] =	vst.idx.msk $0xffff, v1;
	v13 =	vadd.s32 v31, v57;
	v63 =	vmul.f32 $8.000000000e+00, v6  }
0xf9: {  	v6 =	vmul.f32 $8.000000000e+00, v7;
	[tilespmem:v8+s17+$0x0] =	vst.idx.msk $0xffff, v62;
	v8 =	vadd.s32 v24, v59  }
0xfa: {  	v11 =	vld [tilespmem:s30+$0xFFFFFFD0];
	[tilespmem:v4+s17+$0x0] =	vst.idx.msk $0xffff, v53;
	v1 =	vadd.f32 v63, v51;
	v9 =	vmul.f32 $8.000000000e+00, v9;
	v53 =	vmul.f32 $8.000000000e+00, v10  }
0xfb: {  	v7 =	vadd.s32 v35, v60;
	v63 =	vadd.s32 v47, v56;
	v6 =	vadd.f32 v6, v51  }
0xfc: {  	v16 =	vld [tilespmem:s30+$0x50];
	[tilespmem:v3+s17+$0x0] =	vst.idx.msk $0xffff, v1;
	v1 =	vadd.f32 v9, v51;
	v0 =	vadd.f32 v53, v51;
	v53 =	vmul.f32 $8.000000000e+00, v15  }
0xfd: {  	v10 =	vld [tilespmem:s30+$0x90];
	[tilespmem:v13+s17+$0x0] =	vst.idx.msk $0xffff, v6  }
0xfe: {  	v62 =	vadd.s32 v44, v58;
	v9 =	vld [tilespmem:s30+$0xE0];
	[tilespmem:v8+s17+$0x0] =	vst.idx.msk $0xffff, v1;
	v1 =	vadd.f32 v53, v51  }
0xff: {  	v11 =	vmul.f32 $8.000000000e+00, v11;
	v13 =	vld [tilespmem:s30+$0xFFFFFF20]  }
0x100: {  	v6 =	vadd.s32 v27, v55;
	[tilespmem:v63+s17+$0x0] =	vst.idx.msk $0xffff, v1;
	v63 =	vld [tilespmem:$0x1FE30]  }
0x101: {  	[tilespmem:v7+s17+$0x0] =	vst.idx.msk $0xffff, v0;
	v0 =	vadd.f32 v11, v51;
	v7 =	vmul.f32 $8.000000000e+00, v16  }
0x102: {  	v18 =	vadd.s32 v40, v56;
	v14 =	vadd.s32 v43, v58;
	v3 =	vmul.f32 $8.000000000e+00, v10  }
0x103: {  	v11 =	vadd.s32 v28, v54;
	[tilespmem:v62+s17+$0x0] =	vst.idx.msk $0xffff, v0;
	v0 =	vadd.f32 v7, v51  }
0x104: {  	v19 =	vadd.s32 v48, v55;
	v16 =	vld [tilespmem:s30+$0xFFFFFF60];
	v62 =	vadd.s32 v32, v57;
	v1 =	vadd.f32 v3, v51  }
0x105: {  	s0 =	sadd.s32 $0x1, s31;
	s5 =	sadd.s32 $0x2, s31;
	s10 =	sadd.s32 $0x3, s31;
	v8 =	vld [tilespmem:s30+$0xFFFFFFA0];
	[tilespmem:v6+s17+$0x0] =	vst.idx.msk $0xffff, v0;
	v0 =	vmul.f32 $8.000000000e+00, v9;
	v9 =	vmul.f32 $8.000000000e+00, v13;
	v3 =	vadd.s32 v63, v61  }
0x106: {  	s1 =	sadd.s32 $0x4, s31;
	v12 =	vmov s5;
	v2 =	vmov s0;
	v4 =	vmov s10;
	v10 =	vld [tilespmem:s30+$0xFFFFFFE0]  }
0x107: {  	v2 =	vshrl.u32 v2, $0x3;
	v15 =	vmov s1;
	v9 =	vadd.f32 v9, v50;
	v63 =	vld [tilespmem:s30+$0x20]  }
0x108: {  	v6 =	vshrl.u32 v12, $0x3;
	v12 =	vadd.s32 v36, v60;
	v13 =	vld [tilespmem:s30+$0x60];
	[tilespmem:v11+s17+$0x0] =	vst.idx.msk $0xffff, v1;
	v0 =	vadd.f32 v0, v50  }
0x109: {  	s5 =	sadd.s32 $0x5, s31;
	s10 =	sadd.s32 $0x6, s31;
	v53 =	vshll.u32 v5, v17;
	v11 =	vadd.s32 v39, v59;
	v1 =	vmul.f32 $8.000000000e+00, v16;
	v16 =	vld [tilespmem:s30+$0xA0];
	[tilespmem:v62+s17+$0x0] =	vst.idx.msk $0xffff, v9  }
0x10a: {  	v22 =	vmovc v21;
	v5 =	vmov s5;
	v7 =	vmov s10;
	v8 =	vmul.f32 $8.000000000e+00, v8;
	v21 =	vld [tilespmem:s30+$0xFFFFFF30];
	[tilespmem:v3+s17+$0x0] =	vst.idx.msk $0xffff, v0  }
0x10b: {  	v1 =	vadd.f32 v1, v50;
	v10 =	vmul.f32 $8.000000000e+00, v10;
	v9 =	vshrl.u32 v15, $0x3;
	v20 =	vld [tilespmem:s30+$0xF0]  }
0x10c: {  	v15 =	vshll.u32 v6, v17;
	v0 =	vadd.f32 v8, v50;
	v62 =	vmul.f32 $8.000000000e+00, v63  }
0x10d: {  	[tilespmem:v12+s17+$0x0] =	vst.idx.msk $0xffff, v1;
	v12 =	vmul.f32 $8.000000000e+00, v13;
	v13 =	vadd.s32 v45, v54;
	v63 =	vadd.f32 v10, v50  }
0x10e: {  	v8 =	vshrl.u32 v4, $0x3;
	v4 =	vld [tilespmem:s30+$0xFFFFFF70];
	v3 =	vmul.f32 $8.000000000e+00, v16;
	[tilespmem:v11+s17+$0x0] =	vst.idx.msk $0xffff, v0;
	v0 =	vadd.f32 v62, v50  }
0x10f: {  	v10 =	vshrl.u32 v5, $0x3;
	v1 =	vadd.f32 v12, v50;
	[tilespmem:v14+s17+$0x0] =	vst.idx.msk $0xffff, v63;
	v6 =	vmul.f32 $8.000000000e+00, v21  }
0x110: {  	v5 =	vld [tilespmem:s30+$0xFFFFFFB0];
	[tilespmem:v18+s17+$0x0] =	vst.idx.msk $0xffff, v0;
	v0 =	vadd.f32 v3, v50;
	v3 =	vadd.s32 v25, v61;
	v61 =	vmul.f32 $8.000000000e+00, v20  }
0x111: {  	v62 =	vshrl.u32 v7, $0x3;
	v63 =	vshll.u32 v2, v17;
	v2 =	vadd.s32 v37, v57;
	v7 =	vld [tilespmem:s30+$0xFFFFFFF0]  }
0x112: {  	[tilespmem:v19+s17+$0x0] =	vst.idx.msk $0xffff, v1;
	v1 =	vadd.f32 v61, v49;
	v61 =	vadd.f32 v6, v49;
	v6 =	vld [tilespmem:$0x1FE70]  }
0x113: {  	v12 =	vadd.s32 v29, v60;
	v14 =	vld [tilespmem:s30+$0x70];
	v60 =	vmul.f32 $8.000000000e+00, v4  }
0x114: {  	v11 =	vld [tilespmem:s30+$0x30]  }
0x115: {  	[tilespmem:v13+s17+$0x0] =	vst.idx.msk $0xffff, v0;
	v0 =	vadd.f32 v60, v49;
	v60 =	vld [tilespmem:$0x1FE90]  }
0x116: {  	[tilespmem:v2+s17+$0x0] =	vst.idx.msk $0xffff, v61;
	v61 =	vld [tilespmem:$0x1FF20]  }
0x117: {  	p1 =	slt.u32 s31, $0x78;
	v13 =	vadd.s32 v33, v59;
	v59 =	vadd.s32 v6, v58;
	v6 =	vmul.f32 $8.000000000e+00, v7;
	v7 =	vld [tilespmem:$0x1FE80]  }
.Ltmp0:
0x118: {  	v5 =	vmul.f32 $8.000000000e+00, v5;
	(pc) =	sbr.rel @p1 .LBB2_3-.Ltmp0, $4  }
0x119: {  	_ = 	snop  }
0x11a: {  	v21 =	vmov v22;
	v16 =	vadd.f32 v5, v49  }
0x11b: {  	[tilespmem:v12+s17+$0x0] =	vst.idx.msk $0xffff, v0;
	v11 =	vmul.f32 $8.000000000e+00, v11;
	v55 =	vadd.s32 v60, v55;
	v12 =	vadd.f32 v6, v49  }
0x11c: {  	s1 =	sadd.s32 $0x7, s31;
	s31 =	sadd.s32 $0x8, s31;
	v57 =	vld [tilespmem:s30+$0xB0];
	[tilespmem:v3+s17+$0x0] =	vst.idx.msk $0xffff, v1;
	v54 =	vadd.s32 v61, v54;
	v58 =	vadd.s32 v7, v56;
	v56 =	vmul.f32 $8.000000000e+00, v14  }
0x11d: {  	v0 =	vmov s1;
	s30 =	sadd.s32 $0x200, s30  }
0x11e: {  	v1 =	vld [tilespmem:s30+$0xC0];
	v0 =	vshrl.u32 v0, $0x3  }
0x11f: {  	v2 =	vshll.u32 v8, v17;
	v8 =	vbroadcast v53, $0x0;
	v3 =	vld [tilespmem:s30+$0xFFFFFF00];
	v0 =	vshll.u32 v0, v17  }
0x120: {  	v5 =	vshll.u32 v9, v17;
	v6 =	vshll.u32 v10, v17;
	v4 =	vld [tilespmem:s30+$0xFFFFFF40];
	v10 =	vbroadcast v0, $0x0  }
0x121: {  	v9 =	vbroadcast v63, $0x0;
	v63 =	vbroadcast v15, $0x0;
	v7 =	vshll.u32 v62, v17;
	v0 =	vld [tilespmem:s30+$0xFFFFFF80]  }
0x122: {  	v14 =	vld [tilespmem:s30+$0xFFFFFFC0];
	v62 =	vbroadcast v2, $0x0;
	v60 =	vbroadcast v5, $0x0;
	v2 =	vadd.s32 v23, v10  }
0x123: {  	v15 =	vld [tilespmem:s30+$0x0];
	v53 =	vbroadcast v6, $0x0;
	v5 =	vadd.s32 v21, v8;
	v1 =	vmul.f32 $8.000000000e+00, v1  }
0x124: {  	v61 =	vbroadcast v7, $0x0;
	v6 =	vadd.s32 v26, v9;
	v3 =	vmul.f32 $8.000000000e+00, v3  }
0x125: {  	v18 =	vld [tilespmem:s30+$0x40];
	v7 =	vadd.s32 v30, v63;
	v4 =	vmul.f32 $8.000000000e+00, v4;
	v1 =	vadd.f32 v1, v52  }
0x126: {  	v19 =	vld [tilespmem:s30+$0x80];
	v20 =	vadd.s32 v34, v62;
	v3 =	vadd.f32 v3, v52;
	v0 =	vmul.f32 $8.000000000e+00, v0  }
0x127: {  	[tilespmem:v2+s17+$0x0] =	vst.idx.msk $0xffff, v1;
	v1 =	vadd.f32 v4, v52;
	v2 =	vmul.f32 $8.000000000e+00, v14;
	v4 =	vadd.s32 v38, v60  }
0x128: {  	[tilespmem:v5+s17+$0x0] =	vst.idx.msk $0xffff, v3;
	v0 =	vadd.f32 v0, v52;
	v3 =	vmul.f32 $8.000000000e+00, v15;
	v14 =	vld [tilespmem:s30+$0xD0]  }
0x129: {  	v5 =	vadd.s32 v42, v53;
	[tilespmem:v6+s17+$0x0] =	vst.idx.msk $0xffff, v1;
	v1 =	vld [tilespmem:s30+$0xFFFFFF10];
	v2 =	vadd.f32 v2, v52  }
0x12a: {  	v15 =	vadd.s32 v46, v61;
	v6 =	vmul.f32 $8.000000000e+00, v18;
	[tilespmem:v7+s17+$0x0] =	vst.idx.msk $0xffff, v0;
	v3 =	vadd.f32 v3, v52;
	v0 =	vld [tilespmem:s30+$0xFFFFFF50]  }
0x12b: {  	v7 =	vmul.f32 $8.000000000e+00, v19;
	[tilespmem:v20+s17+$0x0] =	vst.idx.msk $0xffff, v2;
	v2 =	vld [tilespmem:s30+$0xFFFFFF90]  }
0x12c: {  	v6 =	vadd.f32 v6, v52;
	v18 =	vld [tilespmem:s30+$0xFFFFFFD0];
	[tilespmem:v4+s17+$0x0] =	vst.idx.msk $0xffff, v3;
	v4 =	vadd.s32 v41, v10  }
0x12d: {  	v3 =	vadd.f32 v7, v52;
	v7 =	vadd.s32 v31, v8;
	v19 =	vld [tilespmem:s30+$0x10];
	v52 =	vmul.f32 $8.000000000e+00, v14  }
0x12e: {  	[tilespmem:v5+s17+$0x0] =	vst.idx.msk $0xffff, v6;
	v6 =	vadd.s32 v35, v9;
	v1 =	vmul.f32 $8.000000000e+00, v1  }
0x12f: {  	[tilespmem:v15+s17+$0x0] =	vst.idx.msk $0xffff, v3;
	v3 =	vadd.s32 v24, v63;
	v0 =	vmul.f32 $8.000000000e+00, v0;
	v5 =	vadd.f32 v52, v51  }
0x130: {  	[tilespmem:v13+s17+$0x0] =	vst.idx.msk $0xffff, v16;
	v13 =	vadd.s32 v44, v62;
	v14 =	vld [tilespmem:s30+$0x50];
	v1 =	vadd.f32 v1, v51;
	v2 =	vmul.f32 $8.000000000e+00, v2  }
0x131: {  	v0 =	vadd.f32 v0, v51;
	v16 =	vmul.f32 $8.000000000e+00, v18;
	[tilespmem:v4+s17+$0x0] =	vst.idx.msk $0xffff, v5;
	v4 =	vadd.s32 v47, v60  }
0x132: {  	v15 =	vld [tilespmem:s30+$0x90];
	[tilespmem:v7+s17+$0x0] =	vst.idx.msk $0xffff, v1;
	v1 =	vadd.f32 v2, v51;
	v52 =	vmul.f32 $8.000000000e+00, v19  }
0x133: {  	v7 =	vld [tilespmem:s30+$0xE0];
	[tilespmem:v6+s17+$0x0] =	vst.idx.msk $0xffff, v0;
	v0 =	vadd.f32 v16, v51  }
0x134: {  	v5 =	vadd.s32 v27, v53;
	v18 =	vld [tilespmem:s30+$0xFFFFFF20];
	[tilespmem:v3+s17+$0x0] =	vst.idx.msk $0xffff, v1;
	v1 =	vadd.f32 v52, v51  }
0x135: {  	v6 =	vmul.f32 $8.000000000e+00, v14;
	v16 =	vld [tilespmem:s30+$0xFFFFFF60];
	[tilespmem:v13+s17+$0x0] =	vst.idx.msk $0xffff, v0  }
0x136: {  	v14 =	vadd.s32 v28, v61;
	v3 =	vld [tilespmem:s30+$0xFFFFFFA0];
	[tilespmem:v4+s17+$0x0] =	vst.idx.msk $0xffff, v1  }
0x137: {  	v52 =	vmul.f32 $8.000000000e+00, v15;
	v0 =	vadd.f32 v6, v51;
	v4 =	vld [tilespmem:$0x1FE30];
	_ =	sdelay $0x1  }
0x138: {  	v52 =	vadd.f32 v52, v51;
	[tilespmem:v5+s17+$0x0] =	vst.idx.msk $0xffff, v0  }
0x139: {  	v6 =	vld [tilespmem:s30+$0xFFFFFFE0];
	v51 =	vadd.f32 v11, v49;
	v11 =	vadd.s32 v36, v9;
	[tilespmem:v59+s17+$0x0] =	vst.idx.msk $0xffff, v12  }
0x13a: {  	v0 =	vmul.f32 $8.000000000e+00, v7;
	v12 =	vadd.s32 v39, v63;
	[tilespmem:v14+s17+$0x0] =	vst.idx.msk $0xffff, v52;
	v52 =	vmul.f32 $8.000000000e+00, v16  }
0x13b: {  	v7 =	vmul.f32 $8.000000000e+00, v18;
	v14 =	vld [tilespmem:s30+$0xA0];
	v3 =	vmul.f32 $8.000000000e+00, v3;
	v2 =	vadd.s32 v4, v10  }
0x13c: {  	v13 =	vld [tilespmem:s30+$0x20];
	[tilespmem:v58+s17+$0x0] =	vst.idx.msk $0xffff, v51;
	v1 =	vadd.f32 v52, v50;
	v4 =	vadd.s32 v32, v8  }
0x13d: {  	v15 =	vld [tilespmem:s30+$0x60];
	v59 =	vadd.f32 v7, v50;
	v7 =	vadd.s32 v43, v62;
	v51 =	vadd.f32 v3, v50  }
0x13e: {  	v0 =	vadd.f32 v0, v50;
	v6 =	vmul.f32 $8.000000000e+00, v6;
	[tilespmem:v11+s17+$0x0] =	vst.idx.msk $0xffff, v1  }
0x13f: {  	v11 =	vadd.s32 v45, v61;
	[tilespmem:v12+s17+$0x0] =	vst.idx.msk $0xffff, v51  }
0x140: {  	v16 =	vadd.s32 v40, v60;
	v58 =	vadd.f32 v6, v50;
	v51 =	vmul.f32 $8.000000000e+00, v14;
	[tilespmem:v2+s17+$0x0] =	vst.idx.msk $0xffff, v0  }
0x141: {  	v52 =	vmul.f32 $8.000000000e+00, v13;
	v3 =	vadd.s32 v48, v53;
	[tilespmem:v4+s17+$0x0] =	vst.idx.msk $0xffff, v59;
	v4 =	vld [tilespmem:s30+$0xF0]  }
0x142: {  	v6 =	vmul.f32 $8.000000000e+00, v15;
	[tilespmem:v7+s17+$0x0] =	vst.idx.msk $0xffff, v58;
	v58 =	vadd.f32 v51, v50;
	v5 =	vld [tilespmem:s30+$0xFFFFFF30]  }
0x143: {  	v13 =	vld [tilespmem:s30+$0xFFFFFF70];
	v59 =	vadd.f32 v52, v50  }
0x144: {  	v52 =	vadd.f32 v6, v50;
	v6 =	vmul.f32 $8.000000000e+00, v57;
	[tilespmem:v11+s17+$0x0] =	vst.idx.msk $0xffff, v58  }
0x145: {  	v12 =	vld [tilespmem:s30+$0xFFFFFFB0];
	v2 =	vadd.s32 v25, v10;
	v10 =	vadd.f32 v56, v49;
	[tilespmem:v16+s17+$0x0] =	vst.idx.msk $0xffff, v59  }
0x146: {  	v8 =	vadd.s32 v37, v8;
	[tilespmem:v3+s17+$0x0] =	vst.idx.msk $0xffff, v52;
	v50 =	vadd.f32 v6, v49;
	v59 =	vmul.f32 $8.000000000e+00, v4  }
0x147: {  	v7 =	vld [tilespmem:s30+$0xFFFFFFF0];
	v52 =	vadd.s32 v29, v9;
	[tilespmem:v55+s17+$0x0] =	vst.idx.msk $0xffff, v10;
	v51 =	vmul.f32 $8.000000000e+00, v5  }
0x148: {  	v56 =	vmul.f32 $8.000000000e+00, v13;
	v14 =	vld [tilespmem:s30+$0x30];
	[tilespmem:v54+s17+$0x0] =	vst.idx.msk $0xffff, v50;
	v1 =	vadd.f32 v59, v49  }
0x149: {  	v11 =	vld [tilespmem:$0x1FE70];
	v57 =	vadd.f32 v51, v49  }
0x14a: {  	v58 =	vmul.f32 $8.000000000e+00, v12;
	v0 =	vadd.f32 v56, v49;
	v12 =	vld [tilespmem:$0x1FE80];
	[tilespmem:v2+s17+$0x0] =	vst.idx.msk $0xffff, v1  }
0x14b: {  	v6 =	vld [tilespmem:s30+$0x70];
	[tilespmem:v8+s17+$0x0] =	vst.idx.msk $0xffff, v57  }
0x14c: {  	v3 =	vld [tilespmem:$0x1FE90];
	[tilespmem:v52+s17+$0x0] =	vst.idx.msk $0xffff, v0  }
0x14d: {  	v5 =	vld [tilespmem:$0x1FF20]  }
0x14e: {  	v9 =	vadd.s32 v33, v63;
	v10 =	vld [tilespmem:s30+$0xB0]  }
0x14f: {  	v11 =	vadd.s32 v11, v62  }
0x150: {  	v7 =	vmul.f32 $8.000000000e+00, v7;
	v12 =	vadd.s32 v12, v60  }
0x151: {  	v59 =	vadd.f32 v58, v49;
	v60 =	vmul.f32 $8.000000000e+00, v14;
	v3 =	vadd.s32 v3, v53  }
0x152: {  	v63 =	vmul.f32 $8.000000000e+00, v6;
	v62 =	vadd.f32 v7, v49;
	v5 =	vadd.s32 v5, v61  }
0x153: {  	s0 =	simm.s32 $0x0;
	s5 =	simm.s32 $0x1;
	v51 =	vmul.f32 $8.000000000e+00, v10;
	[tilespmem:v9+s17+$0x0] =	vst.idx.msk $0xffff, v59;
	v50 =	vadd.f32 v60, v49  }
0x154: {  	v54 =	vmov s0;
	v56 =	vmov s5;
	s5 =	simm.s32 $0x3;
	v52 =	vadd.f32 v63, v49;
	[tilespmem:v11+s17+$0x0] =	vst.idx.msk $0xffff, v62  }
0x155: {  	s10 =	simm.s32 $0x2;
	v55 =	vshrl.u32 v54, $0x3;
	v58 =	vmov s5;
	[tilespmem:v12+s17+$0x0] =	vst.idx.msk $0xffff, v50;
	v53 =	vadd.f32 v51, v49  }
0x156: {  	s5 =	simm.s32 $0x5;
	v57 =	vmov s10;
	v2 =	vshrl.u32 v56, $0x3;
	v1 =	vshrl.u32 v58, $0x3;
	[tilespmem:v3+s17+$0x0] =	vst.idx.msk $0xffff, v52  }
0x157: {  	s10 =	simm.s32 $0x4;
	v0 =	vshll.u32 v55, v17;
	v2 =	vshll.u32 v2, v17;
	v60 =	vmov s5;
	s5 =	simm.s32 $0x7;
	[tilespmem:v5+s17+$0x0] =	vst.idx.msk $0xffff, v53  }
0x158: {  	v1 =	vshll.u32 v1, v17;
	v59 =	vmov s10;
	s10 =	simm.s32 $0x6;
	v7 =	vmov s5;
	v52 =	vld [tilespmem:s28+$0x6440]  }
0x159: {  	s30 =	simm.s32 $0xB9F0;
	v6 =	vmov s10;
	v4 =	vshrl.u32 v59, $0x3;
	v7 =	vshrl.u32 v7, $0x3;
	v51 =	vld [tilespmem:s28+$0x6450]  }
0x15a: {  	v59 =	vbroadcast v0, $0x0;
	v6 =	vshrl.u32 v6, $0x3;
	v61 =	vshll.u32 v7, v17;
	v8 =	vld [tilespmem:s30+$0xFFFFFFD0]  }
0x15b: {  	v4 =	vshll.u32 v4, v17;
	v62 =	vshll.u32 v6, v17;
	v61 =	vbroadcast v61, $0x0;
	v9 =	vld [tilespmem:s30+$0xFFFFFE10]  }
0x15c: {  	v55 =	vbroadcast v4, $0x0;
	v63 =	vadd.s32 v21, v59;
	v3 =	vshrl.u32 v57, $0x3;
	v7 =	vld [tilespmem:s30+$0xFFFFFE50]  }
0x15d: {  	v57 =	vbroadcast v1, $0x0;
	v1 =	vadd.s32 v23, v61;
	v3 =	vshll.u32 v3, v17;
	v0 =	vld [tilespmem:s30+$0xFFFFFE90]  }
0x15e: {  	v5 =	vshrl.u32 v60, $0x3;
	v60 =	vbroadcast v2, $0x0;
	v58 =	vbroadcast v3, $0x0;
	v3 =	vld [tilespmem:s30+$0xFFFFFED0]  }
0x15f: {  	v54 =	vbroadcast v62, $0x0;
	v5 =	vshll.u32 v5, v17;
	v6 =	vld [tilespmem:s30+$0xFFFFFF10];
	v49 =	vmul.f32 $8.000000000e+00, v8  }
0x160: {  	v10 =	vld [tilespmem:s30+$0xFFFFFF50];
	v56 =	vbroadcast v5, $0x0;
	v8 =	vmul.f32 $8.000000000e+00, v9;
	v9 =	vadd.s32 v26, v60  }
0x161: {  	v11 =	vld [tilespmem:s30+$0xFFFFFF90];
	v62 =	vmul.f32 $8.000000000e+00, v7;
	v7 =	vadd.s32 v30, v58;
	v5 =	vadd.f32 v49, v52  }
0x162: {  	v50 =	vld [tilespmem:s28+$0x6460];
	v12 =	vadd.s32 v34, v57;
	v0 =	vmul.f32 $8.000000000e+00, v0;
	v8 =	vadd.f32 v8, v52  }
0x163: {  	v13 =	vadd.s32 v38, v55;
	v3 =	vmul.f32 $8.000000000e+00, v3;
	v49 =	vld [tilespmem:s28+$0x6470];
	v2 =	vadd.f32 v62, v52;
	[tilespmem:v1+s18+$0x0] =	vst.idx.msk $0xffff, v5  }
0x164: {  	v4 =	vadd.s32 v42, v56;
	v0 =	vadd.f32 v0, v52;
	[tilespmem:v63+s18+$0x0] =	vst.idx.msk $0xffff, v8;
	v63 =	vmul.f32 $8.000000000e+00, v6;
	v5 =	vld [tilespmem:s30+$0xFFFFFFE0]  }
0x165: {  	s10 =	simm.s32 $0x8;
	v53 =	vmul.f32 $8.000000000e+00, v10;
	v8 =	vadd.s32 v46, v54;
	v6 =	vld [tilespmem:s30+$0xFFFFFE20];
	[tilespmem:v9+s18+$0x0] =	vst.idx.msk $0xffff, v2;
	v2 =	vadd.f32 v3, v52  }
0x166: {  	v9 =	vmov s10;
	[tilespmem:v7+s18+$0x0] =	vst.idx.msk $0xffff, v0;
	v10 =	vld [tilespmem:s30+$0xFFFFFE60];
	v62 =	vadd.f32 v63, v52;
	v63 =	vmul.f32 $8.000000000e+00, v11  }
0x167: {  	v53 =	vadd.f32 v53, v52;
	v7 =	vshrl.u32 v9, $0x3;
	v9 =	vld [tilespmem:s30+$0xFFFFFEA0];
	[tilespmem:v12+s18+$0x0] =	vst.idx.msk $0xffff, v2  }
0x168: {  	v11 =	vld [tilespmem:s30+$0xFFFFFEE0];
	[tilespmem:v13+s18+$0x0] =	vst.idx.msk $0xffff, v62;
	v62 =	vadd.f32 v63, v52  }
0x169: {  	v13 =	vld [tilespmem:$0x1FFE0];
	[tilespmem:v4+s18+$0x0] =	vst.idx.msk $0xffff, v53  }
0x16a: {  	v53 =	vmul.f32 $8.000000000e+00, v6;
	v6 =	vld [tilespmem:$0x1FFC0];
	[tilespmem:v8+s18+$0x0] =	vst.idx.msk $0xffff, v62  }
0x16b: {  	v8 =	vld [tilespmem:$0x1FFB0]  }
0x16c: {  	v16 =	vld [tilespmem:$0x1FFD0]  }
0x16d: {  	v1 =	vadd.s32 v41, v61;
	v18 =	vld [tilespmem:$0x1FFF0]  }
0x16e: {  	v14 =	vld [tilespmem:s30+$0xFFFFFF20];
	v63 =	vmul.f32 $8.000000000e+00, v5;
	v13 =	vadd.s32 v13, v59  }
0x16f: {  	v6 =	vadd.s32 v6, v60  }
0x170: {  	v62 =	vmul.f32 $8.000000000e+00, v10;
	v2 =	vadd.f32 v63, v51;
	v8 =	vadd.s32 v8, v58  }
0x171: {  	v10 =	vld [tilespmem:s30+$0xFFFFFFA0];
	v9 =	vmul.f32 $8.000000000e+00, v9;
	v5 =	vadd.f32 v53, v51;
	v16 =	vadd.s32 v16, v57  }
0x172: {  	v0 =	vadd.f32 v62, v51;
	v11 =	vmul.f32 $8.000000000e+00, v11;
	[tilespmem:v1+s18+$0x0] =	vst.idx.msk $0xffff, v2;
	v18 =	vadd.s32 v18, v55  }
0x173: {  	v63 =	vadd.f32 v9, v51;
	v53 =	vmul.f32 $8.000000000e+00, v14;
	[tilespmem:v13+s18+$0x0] =	vst.idx.msk $0xffff, v5  }
0x174: {  	v15 =	vld [tilespmem:s30+$0xFFFFFF60];
	v62 =	vadd.f32 v11, v51;
	[tilespmem:v6+s18+$0x0] =	vst.idx.msk $0xffff, v0  }
0x175: {  	v1 =	vadd.f32 v53, v51;
	v11 =	vld [tilespmem:$0x1FFA0];
	[tilespmem:v8+s18+$0x0] =	vst.idx.msk $0xffff, v63  }
0x176: {  	v63 =	vmul.f32 $8.000000000e+00, v10;
	[tilespmem:v16+s18+$0x0] =	vst.idx.msk $0xffff, v62  }
0x177: {  	v9 =	vld [tilespmem:s30+$0xFFFFFFF0];
	[tilespmem:v18+s18+$0x0] =	vst.idx.msk $0xffff, v1  }
0x178: {  	v5 =	vadd.s32 v27, v56;
	v1 =	vadd.f32 v63, v51;
	v63 =	vld [tilespmem:$0x1FE30]  }
0x179: {  	v6 =	vmul.f32 $8.000000000e+00, v15;
	v16 =	vld [tilespmem:$0x1FF40]  }
0x17a: {  	v13 =	vld [tilespmem:s30+$0xFFFFFE30]  }
0x17b: {  	v62 =	vadd.f32 v6, v51;
	v11 =	vadd.s32 v11, v54  }
0x17c: {  	s5 =	simm.s32 $0xA  }
0x17d: {  	v12 =	vmov s5;
	v15 =	vld [tilespmem:s30+$0xFFFFFE70];
	[tilespmem:v5+s18+$0x0] =	vst.idx.msk $0xffff, v62;
	v2 =	vadd.s32 v63, v61  }
0x17e: {  	v62 =	vmul.f32 $8.000000000e+00, v9;
	v5 =	vshrl.u32 v12, $0x3;
	v12 =	vld [tilespmem:$0x1FF30];
	v16 =	vadd.s32 v16, v59  }
0x17f: {  	v10 =	vld [tilespmem:s30+$0xFFFFFEF0];
	v9 =	vmul.f32 $8.000000000e+00, v13  }
0x180: {  	v0 =	vadd.f32 v62, v50;
	[tilespmem:v11+s18+$0x0] =	vst.idx.msk $0xffff, v1  }
0x181: {  	v9 =	vadd.f32 v9, v50;
	v11 =	vld [tilespmem:$0x1FF50]  }
0x182: {  	v63 =	vmul.f32 $8.000000000e+00, v15;
	v19 =	vld [tilespmem:$0x1FF70];
	[tilespmem:v2+s18+$0x0] =	vst.idx.msk $0xffff, v0  }
0x183: {  	v12 =	vadd.s32 v12, v60;
	v2 =	vld [tilespmem:$0x1FF60];
	[tilespmem:v16+s18+$0x0] =	vst.idx.msk $0xffff, v9  }
0x184: {  	v62 =	vadd.f32 v63, v50;
	v63 =	vmul.f32 $8.000000000e+00, v10;
	v10 =	vld [tilespmem:$0x1FF90];
	_ =	sdelay $0x1  }
0x185: {  	v8 =	vld [tilespmem:s30+$0xFFFFFEB0]  }
0x186: {  	v18 =	vld [tilespmem:s30+$0xFFFFFF30]  }
0x187: {  	v13 =	vld [tilespmem:s30+$0xFFFFFF70];
	[tilespmem:v12+s18+$0x0] =	vst.idx.msk $0xffff, v62  }
0x188: {  	v16 =	vadd.s32 v10, v56;
	v10 =	vld [tilespmem:$0x1FF80]  }
0x189: {  	v15 =	vld [tilespmem:s30+$0xFFFFFFB0];
	v11 =	vadd.s32 v11, v58  }
0x18a: {  	s10 =	simm.s32 $0xB;
	v8 =	vmul.f32 $8.000000000e+00, v8;
	v19 =	vadd.s32 v19, v57  }
0x18b: {  	v4 =	vmov s10;
	v2 =	vadd.s32 v2, v55  }
0x18c: {  	v53 =	vshll.u32 v7, v17;
	v8 =	vadd.f32 v8, v50;
	v9 =	vmul.f32 $8.000000000e+00, v18  }
0x18d: {  	s5 =	simm.s32 $0xD;
	v1 =	vadd.f32 v63, v50;
	v12 =	vmul.f32 $8.000000000e+00, v13;
	v20 =	vadd.s32 v10, v54  }
0x18e: {  	s10 =	simm.s32 $0xE;
	v7 =	vmov s5;
	v18 =	vld [tilespmem:s30+$0x0];
	v13 =	vmul.f32 $8.000000000e+00, v15;
	[tilespmem:v11+s18+$0x0] =	vst.idx.msk $0xffff, v8;
	v11 =	vadd.f32 v9, v50  }
0x18f: {  	v6 =	vmov s10;
	v0 =	vld [tilespmem:s30+$0xFFFFFE40];
	[tilespmem:v19+s18+$0x0] =	vst.idx.msk $0xffff, v1;
	v10 =	vshrl.u32 v7, $0x3;
	v7 =	vadd.f32 v12, v50  }
0x190: {  	v62 =	vshrl.u32 v6, $0x3;
	v6 =	vadd.f32 v13, v50;
	v8 =	vshrl.u32 v4, $0x3;
	v4 =	vld [tilespmem:s30+$0xFFFFFE80];
	[tilespmem:v2+s18+$0x0] =	vst.idx.msk $0xffff, v11  }
0x191: {  	[tilespmem:v16+s18+$0x0] =	vst.idx.msk $0xffff, v7  }
0x192: {  	v11 =	vadd.s32 v25, v61;
	[tilespmem:v20+s18+$0x0] =	vst.idx.msk $0xffff, v6  }
0x193: {  	v61 =	vadd.s32 v37, v59;
	v12 =	vmul.f32 $8.000000000e+00, v18;
	v6 =	vld [tilespmem:$0x1FE70]  }
0x194: {  	s1 =	simm.s32 $0x9;
	v60 =	vadd.s32 v29, v60;
	v0 =	vmul.f32 $8.000000000e+00, v0;
	v1 =	vld [tilespmem:s30+$0xFFFFFEC0]  }
0x195: {  	v3 =	vmov s1;
	s1 =	simm.s32 $0xC;
	v2 =	vld [tilespmem:s30+$0xFFFFFF00];
	v4 =	vmul.f32 $8.000000000e+00, v4;
	v12 =	vadd.f32 v12, v49  }
0x196: {  	v14 =	vmov s1;
	v0 =	vadd.f32 v0, v49;
	v7 =	vld [tilespmem:s30+$0xFFFFFF40]  }
0x197: {  	v9 =	vshrl.u32 v14, $0x3;
	v14 =	vld [tilespmem:s30+$0xFFFFFF80];
	v4 =	vadd.f32 v4, v49;
	[tilespmem:v11+s18+$0x0] =	vst.idx.msk $0xffff, v12  }
0x198: {  	v59 =	vadd.s32 v6, v57;
	v6 =	vld [tilespmem:$0x1FE80];
	[tilespmem:v61+s18+$0x0] =	vst.idx.msk $0xffff, v0  }
0x199: {  	v0 =	vld [tilespmem:$0x1FE90];
	[tilespmem:v60+s18+$0x0] =	vst.idx.msk $0xffff, v4  }
0x19a: {  	v61 =	vld [tilespmem:$0x1FF20]  }
0x19b: {  	v3 =	vshrl.u32 v3, $0x3;
	v1 =	vmul.f32 $8.000000000e+00, v1  }
0x19c: {  	v63 =	vshll.u32 v3, v17;
	v2 =	vmul.f32 $8.000000000e+00, v2  }
0x19d: {  	v15 =	vshll.u32 v5, v17;
	v13 =	vadd.s32 v33, v58;
	v16 =	vadd.f32 v1, v49  }
0x19e: {  	v12 =	vadd.f32 v2, v49;
	v11 =	vmul.f32 $8.000000000e+00, v7;
	v58 =	vadd.s32 v6, v55  }
0x19f: {  	s31 =	simm.s32 $0x10;
	s1 =	simm.s32 $0xF;
	v57 =	vld [tilespmem:s30+$0xFFFFFFC0];
	v55 =	vadd.s32 v0, v56;
	v56 =	vmul.f32 $8.000000000e+00, v14;
	v54 =	vadd.s32 v61, v54  }
.LBB2_5:
0x1a0: {  	_ =	sdelay $0x2  }
0x1a1: {  	v0 =	vmov s1;
	s30 =	sadd.s32 $0x200, s30;
	v3 =	vshll.u32 v8, v17  }
0x1a2: {  	v7 =	vshll.u32 v9, v17;
	v4 =	vld [tilespmem:s30+$0xFFFFFFD0];
	v0 =	vshrl.u32 v0, $0x3;
	v2 =	vmul.f32 $8.000000000e+00, v57  }
0x1a3: {  	v8 =	vshll.u32 v10, v17;
	v1 =	vadd.f32 v11, v49;
	v6 =	vld [tilespmem:s30+$0xFFFFFE10];
	v0 =	vshll.u32 v0, v17  }
0x1a4: {  	[tilespmem:v13+s18+$0x0] =	vst.idx.msk $0xffff, v16;
	v61 =	vbroadcast v0, $0x0;
	v57 =	vbroadcast v53, $0x0;
	v53 =	vadd.f32 v2, v49;
	v2 =	vld [tilespmem:s30+$0xFFFFFE50]  }
0x1a5: {  	v60 =	vbroadcast v63, $0x0;
	v62 =	vshll.u32 v62, v17;
	[tilespmem:v59+s18+$0x0] =	vst.idx.msk $0xffff, v12;
	v5 =	vadd.f32 v56, v49;
	v0 =	vld [tilespmem:s30+$0xFFFFFE90]  }
0x1a6: {  	v59 =	vbroadcast v15, $0x0;
	v56 =	vbroadcast v7, $0x0;
	[tilespmem:v58+s18+$0x0] =	vst.idx.msk $0xffff, v1;
	v63 =	vadd.s32 v23, v61  }
0x1a7: {  	[tilespmem:v55+s18+$0x0] =	vst.idx.msk $0xffff, v5;
	v55 =	vbroadcast v8, $0x0;
	v9 =	vld [tilespmem:s30+$0xFFFFFF10];
	v7 =	vadd.s32 v21, v57;
	v4 =	vmul.f32 $8.000000000e+00, v4  }
0x1a8: {  	v8 =	vadd.s32 v26, v60;
	v10 =	vld [tilespmem:s30+$0xFFFFFF50];
	v6 =	vmul.f32 $8.000000000e+00, v6;
	[tilespmem:v54+s18+$0x0] =	vst.idx.msk $0xffff, v53;
	v54 =	vbroadcast v62, $0x0  }
0x1a9: {  	v62 =	vadd.s32 v30, v59;
	v4 =	vadd.f32 v4, v52;
	v11 =	vld [tilespmem:s30+$0xFFFFFF90];
	v2 =	vmul.f32 $8.000000000e+00, v2  }
0x1aa: {  	v1 =	vld [tilespmem:s30+$0xFFFFFED0];
	v6 =	vadd.f32 v6, v52;
	v0 =	vmul.f32 $8.000000000e+00, v0  }
0x1ab: {  	v58 =	vbroadcast v3, $0x0;
	v13 =	vadd.s32 v38, v56;
	[tilespmem:v63+s18+$0x0] =	vst.idx.msk $0xffff, v4;
	v2 =	vadd.f32 v2, v52  }
0x1ac: {  	v0 =	vadd.f32 v0, v52;
	v63 =	vmul.f32 $8.000000000e+00, v9;
	v4 =	vadd.s32 v42, v55;
	[tilespmem:v7+s18+$0x0] =	vst.idx.msk $0xffff, v6;
	v6 =	vld [tilespmem:s30+$0xFFFFFFE0]  }
0x1ad: {  	v12 =	vadd.s32 v34, v58;
	v53 =	vmul.f32 $8.000000000e+00, v10;
	v7 =	vld [tilespmem:s30+$0xFFFFFE20];
	[tilespmem:v8+s18+$0x0] =	vst.idx.msk $0xffff, v2;
	v8 =	vadd.s32 v46, v54  }
0x1ae: {  	v9 =	vmov s31;
	[tilespmem:v62+s18+$0x0] =	vst.idx.msk $0xffff, v0;
	v62 =	vadd.f32 v63, v52;
	v63 =	vmul.f32 $8.000000000e+00, v11;
	v10 =	vld [tilespmem:s30+$0xFFFFFE60]  }
0x1af: {  	v1 =	vmul.f32 $8.000000000e+00, v1;
	v5 =	vshrl.u32 v9, $0x3;
	v53 =	vadd.f32 v53, v52;
	v9 =	vld [tilespmem:s30+$0xFFFFFEA0]  }
0x1b0: {  	[tilespmem:v13+s18+$0x0] =	vst.idx.msk $0xffff, v62;
	v62 =	vadd.f32 v63, v52  }
0x1b1: {  	v1 =	vadd.f32 v1, v52;
	[tilespmem:v4+s18+$0x0] =	vst.idx.msk $0xffff, v53;
	v63 =	vadd.s32 v41, v61;
	v14 =	vld [tilespmem:s30+$0xFFFFFF20]  }
0x1b2: {  	v13 =	vadd.s32 v31, v57;
	v53 =	vmul.f32 $8.000000000e+00, v6;
	[tilespmem:v8+s18+$0x0] =	vst.idx.msk $0xffff, v62  }
0x1b3: {  	[tilespmem:v12+s18+$0x0] =	vst.idx.msk $0xffff, v1;
	v6 =	vmul.f32 $8.000000000e+00, v7;
	v8 =	vadd.s32 v24, v59;
	v62 =	vmul.f32 $8.000000000e+00, v10;
	v10 =	vld [tilespmem:s30+$0xFFFFFFA0]  }
0x1b4: {  	v11 =	vld [tilespmem:s30+$0xFFFFFEE0];
	v1 =	vadd.f32 v53, v51;
	v9 =	vmul.f32 $8.000000000e+00, v9  }
0x1b5: {  	v18 =	vadd.s32 v47, v56;
	v6 =	vadd.f32 v6, v51  }
0x1b6: {  	v15 =	vld [tilespmem:s30+$0xFFFFFF60];
	v7 =	vadd.s32 v35, v60;
	[tilespmem:v63+s18+$0x0] =	vst.idx.msk $0xffff, v1;
	v63 =	vadd.f32 v9, v51;
	v53 =	vmul.f32 $8.000000000e+00, v14  }
0x1b7: {  	[tilespmem:v13+s18+$0x0] =	vst.idx.msk $0xffff, v6  }
0x1b8: {  	v16 =	vadd.s32 v44, v58;
	v9 =	vld [tilespmem:s30+$0xFFFFFFF0];
	v1 =	vadd.f32 v53, v51;
	[tilespmem:v8+s18+$0x0] =	vst.idx.msk $0xffff, v63;
	v63 =	vmul.f32 $8.000000000e+00, v10  }
0x1b9: {  	v11 =	vmul.f32 $8.000000000e+00, v11;
	v13 =	vld [tilespmem:s30+$0xFFFFFE30];
	v0 =	vadd.f32 v62, v51  }
0x1ba: {  	v6 =	vadd.s32 v27, v55;
	[tilespmem:v18+s18+$0x0] =	vst.idx.msk $0xffff, v1;
	v1 =	vadd.f32 v63, v51;
	v63 =	vld [tilespmem:$0x1FE30]  }
0x1bb: {  	v62 =	vadd.f32 v11, v51;
	[tilespmem:v7+s18+$0x0] =	vst.idx.msk $0xffff, v0;
	v7 =	vmul.f32 $8.000000000e+00, v15;
	_ =	sdelay $0x1  }
0x1bc: {  	v11 =	vadd.s32 v28, v54;
	[tilespmem:v16+s18+$0x0] =	vst.idx.msk $0xffff, v62;
	v15 =	vld [tilespmem:s30+$0xFFFFFE70];
	v62 =	vadd.f32 v7, v51  }
0x1bd: {  	v20 =	vadd.s32 v40, v56;
	v16 =	vadd.s32 v32, v57;
	v8 =	vld [tilespmem:s30+$0xFFFFFEB0]  }
0x1be: {  	s0 =	sadd.s32 $0x1, s31;
	s5 =	sadd.s32 $0x2, s31;
	v10 =	vld [tilespmem:s30+$0xFFFFFEF0];
	[tilespmem:v6+s18+$0x0] =	vst.idx.msk $0xffff, v62;
	v62 =	vmul.f32 $8.000000000e+00, v9;
	v9 =	vmul.f32 $8.000000000e+00, v13;
	v3 =	vadd.s32 v63, v61  }
0x1bf: {  	s10 =	sadd.s32 $0x3, s31;
	v19 =	vadd.s32 v43, v58;
	v12 =	vmov s5;
	v2 =	vmov s0;
	v18 =	vld [tilespmem:s30+$0xFFFFFF30]  }
0x1c0: {  	v4 =	vmov s10;
	v2 =	vshrl.u32 v2, $0x3;
	v9 =	vadd.f32 v9, v50  }
0x1c1: {  	v6 =	vshrl.u32 v12, $0x3;
	v12 =	vadd.s32 v36, v60;
	v13 =	vld [tilespmem:s30+$0xFFFFFF70];
	[tilespmem:v11+s18+$0x0] =	vst.idx.msk $0xffff, v1;
	v0 =	vadd.f32 v62, v50  }
0x1c2: {  	s5 =	sadd.s32 $0x5, s31;
	v53 =	vshll.u32 v5, v17;
	v11 =	vadd.s32 v39, v59;
	v63 =	vmul.f32 $8.000000000e+00, v15;
	v15 =	vld [tilespmem:s30+$0xFFFFFFB0];
	[tilespmem:v16+s18+$0x0] =	vst.idx.msk $0xffff, v9  }
0x1c3: {  	s10 =	sadd.s32 $0x6, s31;
	v5 =	vmov s5;
	v8 =	vmul.f32 $8.000000000e+00, v8;
	v10 =	vmul.f32 $8.000000000e+00, v10;
	v21 =	vld [tilespmem:s30+$0xFFFFFE40];
	[tilespmem:v3+s18+$0x0] =	vst.idx.msk $0xffff, v0  }
0x1c4: {  	v7 =	vmov s10;
	v62 =	vmul.f32 $8.000000000e+00, v18;
	v1 =	vadd.f32 v63, v50;
	v18 =	vld [tilespmem:s30+$0x0]  }
0x1c5: {  	v16 =	vadd.s32 v48, v55;
	v63 =	vadd.f32 v10, v50;
	v0 =	vadd.f32 v8, v50  }
0x1c6: {  	[tilespmem:v12+s18+$0x0] =	vst.idx.msk $0xffff, v1;
	v12 =	vmul.f32 $8.000000000e+00, v13;
	v13 =	vadd.s32 v45, v54;
	v8 =	vshrl.u32 v4, $0x3  }
0x1c7: {  	v4 =	vld [tilespmem:s30+$0xFFFFFE80];
	v3 =	vmul.f32 $8.000000000e+00, v15;
	v15 =	vshll.u32 v6, v17;
	[tilespmem:v11+s18+$0x0] =	vst.idx.msk $0xffff, v0;
	v0 =	vadd.f32 v62, v50  }
0x1c8: {  	[tilespmem:v19+s18+$0x0] =	vst.idx.msk $0xffff, v63;
	v1 =	vadd.f32 v12, v50;
	v6 =	vmul.f32 $8.000000000e+00, v21;
	v62 =	vshrl.u32 v7, $0x3  }
0x1c9: {  	v7 =	vld [tilespmem:s30+$0xFFFFFF00];
	[tilespmem:v20+s18+$0x0] =	vst.idx.msk $0xffff, v0;
	v0 =	vadd.f32 v3, v50;
	v3 =	vadd.s32 v25, v61;
	v61 =	vmul.f32 $8.000000000e+00, v18  }
0x1ca: {  	s1 =	sadd.s32 $0x4, s31;
	v10 =	vshrl.u32 v5, $0x3;
	v63 =	vshll.u32 v2, v17;
	v2 =	vadd.s32 v37, v57;
	v5 =	vld [tilespmem:s30+$0xFFFFFEC0]  }
0x1cb: {  	v14 =	vmov s1;
	[tilespmem:v16+s18+$0x0] =	vst.idx.msk $0xffff, v1;
	v1 =	vadd.f32 v61, v49;
	v61 =	vadd.f32 v6, v49;
	v6 =	vld [tilespmem:$0x1FE70]  }
0x1cc: {  	v9 =	vshrl.u32 v14, $0x3;
	v12 =	vadd.s32 v29, v60;
	v14 =	vld [tilespmem:s30+$0xFFFFFF80];
	v60 =	vmul.f32 $8.000000000e+00, v4  }
0x1cd: {  	v11 =	vld [tilespmem:s30+$0xFFFFFF40]  }
0x1ce: {  	[tilespmem:v13+s18+$0x0] =	vst.idx.msk $0xffff, v0;
	v0 =	vadd.f32 v60, v49;
	v60 =	vld [tilespmem:$0x1FE90]  }
0x1cf: {  	[tilespmem:v2+s18+$0x0] =	vst.idx.msk $0xffff, v61;
	v61 =	vld [tilespmem:$0x1FF20]  }
0x1d0: {  	p1 =	slt.u32 s31, $0x78;
	v13 =	vadd.s32 v33, v59;
	v59 =	vadd.s32 v6, v58;
	v6 =	vmul.f32 $8.000000000e+00, v7;
	v7 =	vld [tilespmem:$0x1FE80]  }
.Ltmp1:
0x1d1: {  	v5 =	vmul.f32 $8.000000000e+00, v5;
	(pc) =	sbr.rel @p1 .LBB2_5-.Ltmp1, $4  }
0x1d2: {  	_ = 	snop  }
0x1d3: {  	v21 =	vmov v22;
	v16 =	vadd.f32 v5, v49  }
0x1d4: {  	[tilespmem:v12+s18+$0x0] =	vst.idx.msk $0xffff, v0;
	v11 =	vmul.f32 $8.000000000e+00, v11;
	v55 =	vadd.s32 v60, v55;
	v12 =	vadd.f32 v6, v49  }
0x1d5: {  	s1 =	sadd.s32 $0x7, s31;
	s31 =	sadd.s32 $0x8, s31;
	v57 =	vld [tilespmem:s30+$0xFFFFFFC0];
	[tilespmem:v3+s18+$0x0] =	vst.idx.msk $0xffff, v1;
	v54 =	vadd.s32 v61, v54;
	v58 =	vadd.s32 v7, v56;
	v56 =	vmul.f32 $8.000000000e+00, v14  }
0x1d6: {  	v0 =	vmov s1;
	s30 =	sadd.s32 $0x200, s30  }
0x1d7: {  	v1 =	vld [tilespmem:s30+$0xFFFFFFD0];
	v0 =	vshrl.u32 v0, $0x3  }
0x1d8: {  	v2 =	vshll.u32 v8, v17;
	v8 =	vbroadcast v53, $0x0;
	v3 =	vld [tilespmem:s30+$0xFFFFFE10];
	v0 =	vshll.u32 v0, v17  }
0x1d9: {  	v5 =	vshll.u32 v9, v17;
	v6 =	vshll.u32 v10, v17;
	v4 =	vld [tilespmem:s30+$0xFFFFFE50];
	v10 =	vbroadcast v0, $0x0  }
0x1da: {  	v9 =	vbroadcast v63, $0x0;
	v63 =	vbroadcast v15, $0x0;
	v7 =	vshll.u32 v62, v17;
	v0 =	vld [tilespmem:s30+$0xFFFFFE90]  }
0x1db: {  	v14 =	vld [tilespmem:s30+$0xFFFFFED0];
	v62 =	vbroadcast v2, $0x0;
	v60 =	vbroadcast v5, $0x0;
	v2 =	vadd.s32 v23, v10  }
0x1dc: {  	v15 =	vld [tilespmem:s30+$0xFFFFFF10];
	v53 =	vbroadcast v6, $0x0;
	v5 =	vadd.s32 v21, v8;
	v1 =	vmul.f32 $8.000000000e+00, v1  }
0x1dd: {  	v18 =	vld [tilespmem:s30+$0xFFFFFF50];
	v61 =	vbroadcast v7, $0x0;
	v6 =	vadd.s32 v26, v9;
	v3 =	vmul.f32 $8.000000000e+00, v3  }
0x1de: {  	v19 =	vld [tilespmem:s30+$0xFFFFFF90];
	v7 =	vadd.s32 v30, v63;
	v4 =	vmul.f32 $8.000000000e+00, v4;
	v1 =	vadd.f32 v1, v52  }
0x1df: {  	v20 =	vadd.s32 v34, v62;
	v3 =	vadd.f32 v3, v52;
	v0 =	vmul.f32 $8.000000000e+00, v0  }
0x1e0: {  	[tilespmem:v2+s18+$0x0] =	vst.idx.msk $0xffff, v1;
	v1 =	vadd.f32 v4, v52;
	v2 =	vmul.f32 $8.000000000e+00, v14;
	v4 =	vadd.s32 v38, v60  }
0x1e1: {  	v34 =	vmul.f32 $8.000000000e+00, v15;
	[tilespmem:v5+s18+$0x0] =	vst.idx.msk $0xffff, v3;
	v0 =	vadd.f32 v0, v52;
	v38 =	vld [tilespmem:s30+$0xFFFFFFE0]  }
0x1e2: {  	v5 =	vadd.s32 v42, v53;
	v42 =	vmul.f32 $8.000000000e+00, v18;
	[tilespmem:v6+s18+$0x0] =	vst.idx.msk $0xffff, v1;
	v1 =	vld [tilespmem:s30+$0xFFFFFE20];
	v2 =	vadd.f32 v2, v52  }
0x1e3: {  	v15 =	vadd.s32 v46, v61;
	v46 =	vmul.f32 $8.000000000e+00, v19;
	v3 =	vadd.f32 v34, v52;
	[tilespmem:v7+s18+$0x0] =	vst.idx.msk $0xffff, v0;
	v0 =	vld [tilespmem:s30+$0xFFFFFE60]  }
0x1e4: {  	v6 =	vadd.f32 v42, v52;
	[tilespmem:v20+s18+$0x0] =	vst.idx.msk $0xffff, v2;
	v2 =	vld [tilespmem:s30+$0xFFFFFEA0]  }
0x1e5: {  	v18 =	vld [tilespmem:s30+$0xFFFFFEE0];
	[tilespmem:v4+s18+$0x0] =	vst.idx.msk $0xffff, v3;
	v3 =	vadd.f32 v46, v52;
	v52 =	vadd.s32 v41, v10  }
0x1e6: {  	v34 =	vadd.s32 v31, v8;
	v19 =	vld [tilespmem:s30+$0xFFFFFF20];
	v38 =	vmul.f32 $8.000000000e+00, v38  }
0x1e7: {  	v42 =	vadd.s32 v35, v9;
	[tilespmem:v5+s18+$0x0] =	vst.idx.msk $0xffff, v6;
	v1 =	vmul.f32 $8.000000000e+00, v1  }
0x1e8: {  	[tilespmem:v15+s18+$0x0] =	vst.idx.msk $0xffff, v3;
	v3 =	vadd.s32 v24, v63;
	v0 =	vmul.f32 $8.000000000e+00, v0;
	v5 =	vadd.f32 v38, v51  }
0x1e9: {  	[tilespmem:v13+s18+$0x0] =	vst.idx.msk $0xffff, v16;
	v13 =	vadd.s32 v44, v62;
	v15 =	vld [tilespmem:s30+$0xFFFFFFA0];
	v1 =	vadd.f32 v1, v51;
	v2 =	vmul.f32 $8.000000000e+00, v2  }
0x1ea: {  	v46 =	vld [tilespmem:s30+$0xFFFFFF60];
	[tilespmem:v52+s18+$0x0] =	vst.idx.msk $0xffff, v5;
	v0 =	vadd.f32 v0, v51;
	v52 =	vmul.f32 $8.000000000e+00, v18;
	v5 =	vadd.s32 v47, v60  }
0x1eb: {  	v20 =	vmov v35;
	[tilespmem:v34+s18+$0x0] =	vst.idx.msk $0xffff, v1;
	v34 =	vadd.f32 v2, v51;
	v35 =	vmul.f32 $8.000000000e+00, v19  }
0x1ec: {  	[tilespmem:v42+s18+$0x0] =	vst.idx.msk $0xffff, v0;
	v4 =	vadd.f32 v52, v51  }
0x1ed: {  	[tilespmem:v3+s18+$0x0] =	vst.idx.msk $0xffff, v34;
	v2 =	vadd.f32 v35, v51  }
0x1ee: {  	v38 =	vadd.s32 v27, v53;
	v0 =	vld [tilespmem:s30+$0xFFFFFE30];
	v34 =	vmul.f32 $8.000000000e+00, v15;
	[tilespmem:v13+s18+$0x0] =	vst.idx.msk $0xffff, v4  }
0x1ef: {  	v42 =	vmul.f32 $8.000000000e+00, v46;
	v46 =	vadd.s32 v28, v61;
	v52 =	vld [tilespmem:s30+$0xFFFFFE70];
	[tilespmem:v5+s18+$0x0] =	vst.idx.msk $0xffff, v2  }
0x1f0: {  	v3 =	vadd.f32 v34, v51;
	v34 =	vld [tilespmem:$0x1FE30]  }
0x1f1: {  	v16 =	vld [tilespmem:s30+$0xFFFFFFF0];
	v6 =	vadd.f32 v42, v51;
	_ =	sdelay $0x1  }
0x1f2: {  	v4 =	vld [tilespmem:s30+$0xFFFFFEB0];
	[tilespmem:v38+s18+$0x0] =	vst.idx.msk $0xffff, v6;
	v38 =	vadd.s32 v32, v8  }
0x1f3: {  	v2 =	vld [tilespmem:s30+$0xFFFFFEF0];
	v0 =	vmul.f32 $8.000000000e+00, v0;
	[tilespmem:v46+s18+$0x0] =	vst.idx.msk $0xffff, v3;
	v46 =	vadd.s32 v36, v9  }
0x1f4: {  	v11 =	vadd.f32 v11, v49;
	v1 =	vmul.f32 $8.000000000e+00, v52;
	v35 =	vadd.s32 v34, v10  }
0x1f5: {  	v7 =	vld [tilespmem:s30+$0xFFFFFF30];
	v42 =	vmul.f32 $8.000000000e+00, v16;
	[tilespmem:v59+s18+$0x0] =	vst.idx.msk $0xffff, v12;
	v0 =	vadd.f32 v0, v50  }
0x1f6: {  	[tilespmem:v58+s18+$0x0] =	vst.idx.msk $0xffff, v11;
	v58 =	vmul.f32 $8.000000000e+00, v57;
	v51 =	vld [tilespmem:s30+$0xFFFFFF70];
	v52 =	vadd.s32 v39, v63;
	v1 =	vadd.f32 v1, v50  }
0x1f7: {  	v59 =	vadd.s32 v43, v62;
	v15 =	vld [tilespmem:s30+$0xFFFFFFB0];
	v13 =	vadd.f32 v42, v50;
	v4 =	vmul.f32 $8.000000000e+00, v4;
	[tilespmem:v38+s18+$0x0] =	vst.idx.msk $0xffff, v0  }
0x1f8: {  	v3 =	vadd.f32 v58, v49;
	v2 =	vmul.f32 $8.000000000e+00, v2;
	[tilespmem:v46+s18+$0x0] =	vst.idx.msk $0xffff, v1  }
0x1f9: {  	v38 =	vadd.f32 v4, v50;
	v1 =	vld [tilespmem:s30+$0xFFFFFE40];
	[tilespmem:v35+s18+$0x0] =	vst.idx.msk $0xffff, v13;
	v35 =	vadd.s32 v40, v60  }
0x1fa: {  	v6 =	vadd.s32 v48, v53;
	[tilespmem:v54+s18+$0x0] =	vst.idx.msk $0xffff, v3;
	v42 =	vmul.f32 $8.000000000e+00, v7;
	v2 =	vadd.f32 v2, v50;
	v7 =	vld [tilespmem:s30+$0x0]  }
0x1fb: {  	v46 =	vmul.f32 $8.000000000e+00, v51;
	[tilespmem:v52+s18+$0x0] =	vst.idx.msk $0xffff, v38;
	v0 =	vld [tilespmem:s30+$0xFFFFFE80];
	v38 =	vadd.f32 v56, v49;
	v13 =	vadd.s32 v45, v61  }
0x1fc: {  	v4 =	vadd.f32 v42, v50;
	v51 =	vmul.f32 $8.000000000e+00, v15;
	[tilespmem:v59+s18+$0x0] =	vst.idx.msk $0xffff, v2  }
0x1fd: {  	v8 =	vadd.s32 v37, v8;
	v52 =	vadd.f32 v46, v50;
	[tilespmem:v55+s18+$0x0] =	vst.idx.msk $0xffff, v38  }
0x1fe: {  	v14 =	vld [tilespmem:s30+$0xFFFFFEC0];
	v59 =	vadd.f32 v51, v50;
	v1 =	vmul.f32 $8.000000000e+00, v1;
	[tilespmem:v35+s18+$0x0] =	vst.idx.msk $0xffff, v4;
	v35 =	vadd.s32 v25, v10  }
0x1ff: {  	v16 =	vmov v45;
	v46 =	vadd.s32 v29, v9;
	v11 =	vld [tilespmem:s30+$0xFFFFFF00];
	[tilespmem:v6+s18+$0x0] =	vst.idx.msk $0xffff, v52;
	v45 =	vmul.f32 $8.000000000e+00, v7  }
0x200: {  	v50 =	vld [tilespmem:s30+$0xFFFFFF80];
	v0 =	vmul.f32 $8.000000000e+00, v0;
	v1 =	vadd.f32 v1, v49;
	[tilespmem:v13+s18+$0x0] =	vst.idx.msk $0xffff, v59  }
0x201: {  	v10 =	vld [tilespmem:$0x1FE70];
	v2 =	vadd.f32 v45, v49  }
0x202: {  	v0 =	vadd.f32 v0, v49;
	v13 =	vld [tilespmem:$0x1FE80];
	[tilespmem:v8+s18+$0x0] =	vst.idx.msk $0xffff, v1  }
0x203: {  	v42 =	vld [tilespmem:s30+$0xFFFFFF40];
	[tilespmem:v35+s18+$0x0] =	vst.idx.msk $0xffff, v2  }
0x204: {  	v57 =	vld [tilespmem:$0x1FE90];
	[tilespmem:v46+s18+$0x0] =	vst.idx.msk $0xffff, v0  }
0x205: {  	v6 =	vld [tilespmem:$0x1FF20]  }
0x206: {  	v51 =	vadd.s32 v33, v63;
	v52 =	vld [tilespmem:s30+$0xFFFFFFC0]  }
0x207: {  	v54 =	vmul.f32 $8.000000000e+00, v14;
	v10 =	vadd.s32 v10, v62  }
0x208: {  	v11 =	vmul.f32 $8.000000000e+00, v11;
	v13 =	vadd.s32 v13, v60  }
0x209: {  	v55 =	vadd.f32 v54, v49;
	v56 =	vmul.f32 $8.000000000e+00, v42;
	v3 =	vadd.s32 v57, v53  }
0x20a: {  	v58 =	vadd.f32 v11, v49;
	v59 =	vmul.f32 $8.000000000e+00, v50;
	v6 =	vadd.s32 v6, v61  }
0x20b: {  	[tilespmem:v51+s18+$0x0] =	vst.idx.msk $0xffff, v55;
	v60 =	vadd.f32 v56, v49;
	v61 =	vmul.f32 $8.000000000e+00, v52  }
0x20c: {  	s0 =	sshll.u32 s25, $0x14;
	v62 =	vadd.f32 v59, v49;
	[tilespmem:v10+s18+$0x0] =	vst.idx.msk $0xffff, v58  }
0x20d: {  	s0 =	sor.u32 s7, s0;
	[tilespmem:v13+s18+$0x0] =	vst.idx.msk $0xffff, v60;
	v63 =	vadd.f32 v61, v49  }
0x20e: {  	s0 =	sshrl.u32 s0, $0x3;
	[tilespmem:v3+s18+$0x0] =	vst.idx.msk $0xffff, v62  }
0x20f: {  	s1 =	simm.s32 $0x11800;
	s31 =	sadd.s32 s2, s0;
	[tilespmem:v6+s18+$0x0] =	vst.idx.msk $0xffff, v63  }
0x210: {  	[hbm4b:s31+s3] =	stream.linear.scatter [tilespmem:s1], [sflag:$0x3], $0x80, $0x38;
	[tilespmem:$0x1A000] =	vst v63  }
0x211: {  	s5 =	simm.s32 $0x11888;
	s10 =	sadd.s32 $0x10, s31  }
0x212: {  	[hbm4b:s10+s3] =	stream.linear.scatter [tilespmem:s5], [sflag:$0x3], $0x80, $0x38;
	[tilespmem:$0x1A000] =	vst v63  }
0x213: {  	s5 =	simm.s32 $0x11910;
	s10 =	sadd.s32 $0x20, s31  }
0x214: {  	[hbm4b:s10+s3] =	stream.linear.scatter [tilespmem:s5], [sflag:$0x3], $0x80, $0x38;
	[tilespmem:$0x1A000] =	vst v63  }
0x215: {  	s5 =	simm.s32 $0x11998;
	s10 =	sadd.s32 $0x30, s31  }
0x216: {  	[hbm4b:s10+s3] =	stream.linear.scatter [tilespmem:s5], [sflag:$0x3], $0x80, $0x38;
	[tilespmem:$0x1A000] =	vst v63  }
0x217: {  	s5 =	simm.s32 $0x11A20;
	s10 =	sadd.s32 $0x40, s31  }
0x218: {  	[hbm4b:s10+s3] =	stream.linear.scatter [tilespmem:s5], [sflag:$0x3], $0x80, $0x38;
	[tilespmem:$0x1A000] =	vst v63  }
0x219: {  	s0 =	simm.s32 $0x11BB8;
	s5 =	simm.s32 $0x11AA8;
	s10 =	sadd.s32 $0x50, s31  }
0x21a: {  	[hbm4b:s10+s3] =	stream.linear.scatter [tilespmem:s5], [sflag:$0x3], $0x80, $0x38;
	[tilespmem:$0x1A000] =	vst v63  }
0x21b: {  	s30 =	simm.s32 $0x440;
	s5 =	simm.s32 $0x11B30;
	s10 =	sadd.s32 $0x60, s31  }
0x21c: {  	v23 =	vmovc v31;
	v31 =	vmov v44;
	v19 =	vmov v36;
	v37 =	vmov v43;
	[hbm4b:s10+s3] =	stream.linear.scatter [tilespmem:s5], [sflag:$0x3], $0x80, $0x38;
	[tilespmem:$0x1A000] =	vst v63  }
0x21d: {  	v33 =	vmovc v27;
	v27 =	vmovc v16;
	v25 =	vmov v41;
	v35 =	vmov v24;
	v45 =	vmov v40;
	s1 =	simm.s32 $0x2200;
	s10 =	sadd.s32 $0x70, s31;
	s31 =	sadd.s32 $0x1000, s31  }
.LBB2_7:
0x21e: {  	[hbm4b:s10+s3] =	stream.linear.scatter [tilespmem:s0], [sflag:$0x3], $0x80, $0x38;
	[tilespmem:$0x1A000] =	vst v63  }
0x21f: {  	s0 =	smov.u32 s30;
	s10 =	smov.u32 s1  }
0x220: {  	s5 =	sadd.s32 $0x1100, s1;
	s30 =	sshra.s32 s10, $0x2;
	s10 =	sadd.s32 $0x11800, s0  }
0x221: {  	[hbm4b:s31+s3] =	stream.linear.scatter [tilespmem:s10], [sflag:$0x3], $0x80, $0x38;
	[tilespmem:$0x1A000] =	vst v63  }
0x222: {  	p1 =	sne.s32 s1, $0xFF00;
	s1 =	sadd.s32 $0x11888, s0;
	s10 =	sadd.s32 $0x10, s31  }
0x223: {  	[hbm4b:s10+s3] =	stream.linear.scatter [tilespmem:s1], [sflag:$0x3], $0x80, $0x38;
	[tilespmem:$0x1A000] =	vst v63  }
0x224: {  	s1 =	sadd.s32 $0x11910, s0;
	s10 =	sadd.s32 $0x20, s31  }
0x225: {  	[hbm4b:s10+s3] =	stream.linear.scatter [tilespmem:s1], [sflag:$0x3], $0x80, $0x38;
	[tilespmem:$0x1A000] =	vst v63  }
0x226: {  	s1 =	sadd.s32 $0x11998, s0;
	s10 =	sadd.s32 $0x30, s31  }
0x227: {  	[hbm4b:s10+s3] =	stream.linear.scatter [tilespmem:s1], [sflag:$0x3], $0x80, $0x38;
	[tilespmem:$0x1A000] =	vst v63  }
0x228: {  	s1 =	sadd.s32 $0x11A20, s0;
	s10 =	sadd.s32 $0x40, s31  }
0x229: {  	[hbm4b:s10+s3] =	stream.linear.scatter [tilespmem:s1], [sflag:$0x3], $0x80, $0x38;
	[tilespmem:$0x1A000] =	vst v63  }
.Ltmp2:
0x22a: {  	s1 =	sadd.s32 $0x11AA8, s0;
	s10 =	sadd.s32 $0x50, s31;
	(pc) =	sbr.rel @p1 .LBB2_7-.Ltmp2, $4  }
0x22b: {  	[hbm4b:s10+s3] =	stream.linear.scatter [tilespmem:s1], [sflag:$0x3], $0x80, $0x38;
	[tilespmem:$0x1A000] =	vst v63  }
0x22c: {  	s1 =	sadd.s32 $0x11B30, s0;
	s10 =	sadd.s32 $0x60, s31;
	s0 =	sadd.s32 $0x11BB8, s0  }
0x22d: {  	[hbm4b:s10+s3] =	stream.linear.scatter [tilespmem:s1], [sflag:$0x3], $0x80, $0x38;
	[tilespmem:$0x1A000] =	vst v63  }
0x22e: {  	s10 =	sadd.s32 $0x70, s31;
	s31 =	sadd.s32 $0x1000, s31;
	s1 =	smov.u32 s5  }
0x22f: {  	[hbm4b:s10+s3] =	stream.linear.scatter [tilespmem:s0], [sflag:$0x3], $0x80, $0x38;
	[tilespmem:$0x1A000] =	vst v63  }
0x230: {  	s5 =	sadd.s32 $0x11800, s30  }
0x231: {  	[hbm4b:s31+s3] =	stream.linear.scatter [tilespmem:s5], [sflag:$0x3], $0x80, $0x38;
	[tilespmem:$0x1A000] =	vst v63  }
0x232: {  	s10 =	sadd.s32 $0x11888, s30;
	s1 =	sadd.s32 $0x10, s31  }
0x233: {  	[hbm4b:s1+s3] =	stream.linear.scatter [tilespmem:s10], [sflag:$0x3], $0x80, $0x38;
	[tilespmem:$0x1A000] =	vst v63  }
0x234: {  	s5 =	sadd.s32 $0x11910, s30;
	s10 =	sadd.s32 $0x20, s31  }
0x235: {  	[hbm4b:s10+s3] =	stream.linear.scatter [tilespmem:s5], [sflag:$0x3], $0x80, $0x38;
	[tilespmem:$0x1A000] =	vst v63  }
0x236: {  	s5 =	sadd.s32 $0x11998, s30;
	s10 =	sadd.s32 $0x30, s31  }
0x237: {  	[hbm4b:s10+s3] =	stream.linear.scatter [tilespmem:s5], [sflag:$0x3], $0x80, $0x38;
	[tilespmem:$0x1A000] =	vst v63  }
0x238: {  	s5 =	sadd.s32 $0x11A20, s30;
	s10 =	sadd.s32 $0x40, s31  }
0x239: {  	[hbm4b:s10+s3] =	stream.linear.scatter [tilespmem:s5], [sflag:$0x3], $0x80, $0x38;
	[tilespmem:$0x1A000] =	vst v63  }
0x23a: {  	p1 =	sne.s32 s25, $0x31;
	s5 =	sadd.s32 $0x11AA8, s30;
	s10 =	sadd.s32 $0x50, s31  }
0x23b: {  	[hbm4b:s10+s3] =	stream.linear.scatter [tilespmem:s5], [sflag:$0x3], $0x80, $0x38;
	[tilespmem:$0x1A000] =	vst v63  }
.Ltmp3:
0x23c: {  	_ = 	snop;
	(pc) =	sbr.rel @p1 .LBB2_10-.Ltmp3, $4  }
0x23d: {  	s5 =	sadd.s32 $0x11B30, s30;
	s10 =	sadd.s32 $0x60, s31  }
0x23e: {  	[hbm4b:s10+s3] =	stream.linear.scatter [tilespmem:s5], [sflag:$0x3], $0x80, $0x38;
	[tilespmem:$0x1A000] =	vst v63  }
0x23f: {  	s30 =	sadd.s32 $0x11BB8, s30;
	s31 =	sadd.s32 $0x70, s31  }
0x240: {  	[hbm4b:s31+s3] =	stream.linear.scatter [tilespmem:s30], [sflag:$0x3], $0x80, $0x38;
	[tilespmem:$0x1A000] =	vst v63  }
.Ltmp4:
0x241: {  	(pc) =	sbr.rel .LBB2_11-.Ltmp4, $4  }
0x242: {  	_ = 	snop  }
0x243: {  	_ =	swait.ge [sflag:s19], $0x4000  }
0x244: {  	[sflag:s19] =	ssyncset.done $0x0  }
0x245: {  	[sflag:s19] =	ssyncadd.s32 $0xFFFFC000  }
.LBB2_10:
0x246: {  	v3 =	vld [tilespmem:$0x1FE10];
	_ =	sdelay $0x1  }
0x247: {  	s0 =	sadd.s32 $0x4, s29  }
0x248: {  	v0 =	vmov s0  }
0x249: {  	v0 =	vand.u32 $0x1FC, v0  }
0x24a: {  	v1 =	vadd.s32 v3, v0  }
0x24b: {  	v4 =	vld [tilespmem:$0x1FD30];
	_ =	sdelay $0x3  }
0x24c: {  	v1 =	vld.idx.msk [tilespmem:v1+s3+$0x0], $0xffff  }
0x24d: {  	v2 =	vadd.s32 v4, v0  }
0x24e: {  	v5 =	vld [tilespmem:$0x1FD40];
	_ =	sdelay $0x2  }
0x24f: {  	[tilespmem:$0x9600] =	vst v1  }
0x250: {  	v1 =	vld.idx.msk [tilespmem:v2+s3+$0x0], $0xffff  }
0x251: {  	v51 =	vadd.s32 v5, v0  }
0x252: {  	v6 =	vld [tilespmem:$0x1FD50];
	_ =	sdelay $0x2  }
0x253: {  	[tilespmem:$0x9610] =	vst v1  }
0x254: {  	v1 =	vld.idx.msk [tilespmem:v51+s3+$0x0], $0xffff  }
0x255: {  	v52 =	vadd.s32 v6, v0  }
0x256: {  	v7 =	vld [tilespmem:$0x1FD60];
	_ =	sdelay $0x2  }
0x257: {  	[tilespmem:$0x9620] =	vst v1  }
0x258: {  	v1 =	vld.idx.msk [tilespmem:v52+s3+$0x0], $0xffff  }
0x259: {  	v53 =	vadd.s32 v7, v0  }
0x25a: {  	v8 =	vld [tilespmem:$0x1FD70];
	_ =	sdelay $0x2  }
0x25b: {  	[tilespmem:$0x9630] =	vst v1  }
0x25c: {  	v1 =	vld.idx.msk [tilespmem:v53+s3+$0x0], $0xffff  }
0x25d: {  	v54 =	vadd.s32 v8, v0  }
0x25e: {  	v9 =	vld [tilespmem:$0x1FD80];
	_ =	sdelay $0x2  }
0x25f: {  	[tilespmem:$0x9640] =	vst v1  }
0x260: {  	v1 =	vld.idx.msk [tilespmem:v54+s3+$0x0], $0xffff  }
0x261: {  	v55 =	vadd.s32 v9, v0  }
0x262: {  	v10 =	vld [tilespmem:$0x1FD90];
	_ =	sdelay $0x2  }
0x263: {  	[tilespmem:$0x9650] =	vst v1  }
0x264: {  	v1 =	vld.idx.msk [tilespmem:v55+s3+$0x0], $0xffff  }
0x265: {  	v0 =	vadd.s32 v10, v0;
	_ =	sdelay $0x2  }
0x266: {  	s31 =	sadd.s32 $0x5, s29  }
0x267: {  	v56 =	vmov s31;
	[tilespmem:$0x9660] =	vst v1  }
0x268: {  	v1 =	vand.u32 $0x1FD, v56;
	v0 =	vld.idx.msk [tilespmem:v0+s3+$0x0], $0xffff  }
0x269: {  	v57 =	vadd.s32 v3, v1;
	_ =	sdelay $0x3  }
0x26a: {  	[tilespmem:$0x9670] =	vst v0  }
0x26b: {  	v0 =	vld.idx.msk [tilespmem:v57+s3+$0x0], $0xffff  }
0x26c: {  	v58 =	vadd.s32 v4, v1;
	_ =	sdelay $0x3  }
0x26d: {  	[tilespmem:$0x9680] =	vst v0  }
0x26e: {  	v0 =	vld.idx.msk [tilespmem:v58+s3+$0x0], $0xffff  }
0x26f: {  	v59 =	vadd.s32 v5, v1;
	_ =	sdelay $0x3  }
0x270: {  	[tilespmem:$0x9690] =	vst v0  }
0x271: {  	v0 =	vld.idx.msk [tilespmem:v59+s3+$0x0], $0xffff  }
0x272: {  	v60 =	vadd.s32 v6, v1;
	_ =	sdelay $0x3  }
0x273: {  	[tilespmem:$0x96A0] =	vst v0  }
0x274: {  	v0 =	vld.idx.msk [tilespmem:v60+s3+$0x0], $0xffff  }
0x275: {  	v61 =	vadd.s32 v7, v1;
	_ =	sdelay $0x3  }
0x276: {  	[tilespmem:$0x96B0] =	vst v0  }
0x277: {  	v0 =	vld.idx.msk [tilespmem:v61+s3+$0x0], $0xffff  }
0x278: {  	v62 =	vadd.s32 v8, v1;
	_ =	sdelay $0x3  }
0x279: {  	[tilespmem:$0x96C0] =	vst v0  }
0x27a: {  	v0 =	vld.idx.msk [tilespmem:v62+s3+$0x0], $0xffff  }
0x27b: {  	v63 =	vadd.s32 v9, v1;
	_ =	sdelay $0x3  }
0x27c: {  	[tilespmem:$0x96D0] =	vst v0  }
0x27d: {  	v0 =	vld.idx.msk [tilespmem:v63+s3+$0x0], $0xffff  }
0x27e: {  	v1 =	vadd.s32 v10, v1;
	_ =	sdelay $0x3  }
0x27f: {  	[tilespmem:$0x96E0] =	vst v0  }
0x280: {  	v0 =	vld.idx.msk [tilespmem:v1+s3+$0x0], $0xffff;
	_ =	sdelay $0x4  }
.Ltmp5:
0x281: {  	[tilespmem:$0x96F0] =	vst v0;
	(pc) =	sbr.rel @p0 .LBB2_12-.Ltmp5, $4  }
0x282: {  	[tilespmem:s13], [sflag:$0x1] =	stream.indirect.gather [hbm4b:s4+s11], $0x40, s12, s11, $0xb8;
	[tilespmem:$0x1A000] =	vst v63  }
0x283: {  	_ =	swait.ge [sflag:s19], $0x4000  }
0x284: {  	[sflag:s19] =	ssyncset.done $0x0  }
0x285: {  	[sflag:s19] =	ssyncadd.s32 $0xFFFFC000  }
.LBB2_11:
0x286: {  	_ =	swait.ge [sflag:s20], $0x4000  }
0x287: {  	[sflag:s20] =	ssyncset.done $0x0  }
0x288: {  	[sflag:s20] =	ssyncadd.s32 $0xFFFFC000  }
.LBB2_12:
0x289: {  	s29 =	simm.s32 $0xD900  }
0x28a: {  	v8 =	vld [tilespmem:s29+$0xC0]  }
0x28b: {  	s0 =	simm.s32 $0x0;
	s31 =	simm.s32 $0x1;
	s1 =	simm.s32 $0x2;
	v9 =	vld [tilespmem:s29+$0xFFFFFF00]  }
0x28c: {  	s10 =	simm.s32 $0x3;
	v42 =	vld [tilespmem:$0x1FF00];
	v0 =	vmov s0;
	v1 =	vmov s31;
	v2 =	vmov s1;
	s31 =	simm.s32 $0x4  }
0x28d: {  	s5 =	sshll.u32 s26, $0x6;
	v12 =	vld [tilespmem:$0x1FEC0];
	v3 =	vmov s10;
	s10 =	simm.s32 $0x5;
	s1 =	simm.s32 $0x7;
	v0 =	vshrl.u32 v0, $0x3;
	v4 =	vmov s31  }
0x28e: {  	v13 =	vld [tilespmem:$0x1FED0];
	s5 =	sand.u32 $0x3FFFFFC0, s5;
	v5 =	vmov s10;
	v7 =	vmov s1;
	v0 =	vshll.u32 v0, v17  }
0x28f: {  	v52 =	vld [tilespmem:s5+$0x6400];
	v1 =	vshrl.u32 v1, $0x3;
	v7 =	vshrl.u32 v7, $0x3;
	v59 =	vbroadcast v0, $0x0  }
0x290: {  	v36 =	vshll.u32 v7, v17;
	v44 =	vmul.f32 $8.000000000e+00, v8;
	v8 =	vmul.f32 $8.000000000e+00, v9;
	v9 =	vld [tilespmem:$0x1FEA0]  }
0x291: {  	v2 =	vshrl.u32 v2, $0x3;
	v3 =	vshrl.u32 v3, $0x3;
	v7 =	vld [tilespmem:s29+$0xFFFFFF40];
	v61 =	vbroadcast v36, $0x0  }
0x292: {  	v38 =	vld [tilespmem:s29+$0xFFFFFF80];
	v1 =	vshll.u32 v1, v17;
	v3 =	vshll.u32 v3, v17;
	v43 =	vadd.s32 v21, v59  }
0x293: {  	v41 =	vld [tilespmem:s29+$0xFFFFFFC0];
	s31 =	simm.s32 $0x6;
	v60 =	vbroadcast v1, $0x0;
	v57 =	vbroadcast v3, $0x0;
	v3 =	vadd.s32 v42, v61  }
0x294: {  	v51 =	vld [tilespmem:s5+$0x6410];
	v6 =	vmov s31;
	v4 =	vshrl.u32 v4, $0x3;
	v5 =	vshrl.u32 v5, $0x3  }
0x295: {  	v50 =	vld [tilespmem:s5+$0x6420];
	v5 =	vshll.u32 v5, v17;
	v8 =	vadd.f32 v8, v52;
	v9 =	vadd.s32 v9, v60  }
0x296: {  	v56 =	vbroadcast v5, $0x0;
	v5 =	vadd.f32 v44, v52;
	v46 =	vmul.f32 $8.000000000e+00, v7;
	v7 =	vld [tilespmem:$0x1FEB0]  }
0x297: {  	v49 =	vld [tilespmem:s5+$0x6430];
	v2 =	vshll.u32 v2, v17;
	v6 =	vshrl.u32 v6, $0x3;
	v4 =	vshll.u32 v4, v17;
	[tilespmem:v43+s21+$0x0] =	vst.idx.msk $0xffff, v8  }
0x298: {  	v40 =	vshll.u32 v6, v17;
	v6 =	vld [tilespmem:s29+$0x0];
	v1 =	vadd.f32 v46, v52;
	[tilespmem:v3+s21+$0x0] =	vst.idx.msk $0xffff, v5  }
0x299: {  	v58 =	vbroadcast v2, $0x0;
	v55 =	vbroadcast v4, $0x0;
	v4 =	vld [tilespmem:$0x1FEE0]  }
0x29a: {  	v10 =	vld [tilespmem:s29+$0x40];
	[tilespmem:v9+s21+$0x0] =	vst.idx.msk $0xffff, v1  }
0x29b: {  	v7 =	vadd.s32 v7, v58;
	v8 =	vld [tilespmem:$0x1FEF0]  }
0x29c: {  	v11 =	vld [tilespmem:s29+$0x80];
	v0 =	vmul.f32 $8.000000000e+00, v38;
	v12 =	vadd.s32 v12, v57  }
0x29d: {  	v54 =	vbroadcast v40, $0x0;
	v2 =	vmul.f32 $8.000000000e+00, v41;
	v13 =	vadd.s32 v13, v55  }
0x29e: {  	v0 =	vadd.f32 v0, v52;
	v53 =	vmul.f32 $8.000000000e+00, v6;
	v5 =	vld [tilespmem:s29+$0xD0];
	v43 =	vmovc v4;
	v4 =	vadd.s32 v4, v56  }
0x29f: {  	s5 =	simm.s32 $0x8;
	v63 =	vmul.f32 $8.000000000e+00, v10;
	v62 =	vadd.f32 v2, v52;
	v6 =	vld [tilespmem:s29+$0xFFFFFF10]  }
0x2a0: {  	v36 =	vadd.f32 v53, v52;
	v9 =	vmov s5;
	v10 =	vld [tilespmem:s29+$0xFFFFFF50];
	[tilespmem:v7+s21+$0x0] =	vst.idx.msk $0xffff, v0;
	v46 =	vmovc v8;
	v8 =	vadd.s32 v8, v54  }
0x2a1: {  	v38 =	vmul.f32 $8.000000000e+00, v11;
	v40 =	vadd.f32 v63, v52;
	[tilespmem:v12+s21+$0x0] =	vst.idx.msk $0xffff, v62;
	v7 =	vshrl.u32 v9, $0x3;
	v9 =	vld [tilespmem:s29+$0xFFFFFF90]  }
0x2a2: {  	v42 =	vadd.s32 v25, v61;
	[tilespmem:v13+s21+$0x0] =	vst.idx.msk $0xffff, v36;
	v11 =	vld [tilespmem:s29+$0xFFFFFFD0]  }
0x2a3: {  	v41 =	vadd.f32 v38, v52;
	v13 =	vadd.s32 v23, v59;
	v14 =	vld [tilespmem:s29+$0x10];
	v44 =	vmul.f32 $8.000000000e+00, v5;
	[tilespmem:v4+s21+$0x0] =	vst.idx.msk $0xffff, v40  }
0x2a4: {  	v53 =	vmul.f32 $8.000000000e+00, v6;
	v6 =	vadd.s32 v20, v60;
	v15 =	vld [tilespmem:s29+$0x50]  }
0x2a5: {  	v1 =	vadd.f32 v44, v51;
	v62 =	vmul.f32 $8.000000000e+00, v10;
	[tilespmem:v8+s21+$0x0] =	vst.idx.msk $0xffff, v41;
	v8 =	vadd.s32 v35, v58  }
0x2a6: {  	v16 =	vadd.s32 v31, v57;
	v5 =	vadd.f32 v53, v51;
	v9 =	vmul.f32 $8.000000000e+00, v9;
	v10 =	vld [tilespmem:s29+$0x90]  }
0x2a7: {  	v18 =	vadd.s32 v47, v55;
	[tilespmem:v42+s21+$0x0] =	vst.idx.msk $0xffff, v1;
	v11 =	vmul.f32 $8.000000000e+00, v11;
	v0 =	vadd.f32 v62, v51  }
0x2a8: {  	[tilespmem:v13+s21+$0x0] =	vst.idx.msk $0xffff, v5;
	v38 =	vmul.f32 $8.000000000e+00, v14;
	v40 =	vadd.s32 v33, v56;
	v63 =	vadd.f32 v9, v51;
	v9 =	vld [tilespmem:s29+$0xE0]  }
0x2a9: {  	v13 =	vld [tilespmem:s29+$0xFFFFFF20];
	[tilespmem:v6+s21+$0x0] =	vst.idx.msk $0xffff, v0;
	v41 =	vadd.f32 v11, v51;
	v6 =	vmul.f32 $8.000000000e+00, v15  }
0x2aa: {  	v42 =	vadd.f32 v38, v51;
	v11 =	vadd.s32 v28, v54;
	v15 =	vld [tilespmem:s29+$0xFFFFFF60];
	[tilespmem:v8+s21+$0x0] =	vst.idx.msk $0xffff, v63  }
0x2ab: {  	s31 =	simm.s32 $0xA;
	v36 =	vmov v47;
	[tilespmem:v16+s21+$0x0] =	vst.idx.msk $0xffff, v41;
	v47 =	vadd.f32 v6, v51;
	v44 =	vmul.f32 $8.000000000e+00, v10;
	v8 =	vld [tilespmem:s29+$0xFFFFFFA0]  }
0x2ac: {  	v12 =	vmov s31;
	[tilespmem:v18+s21+$0x0] =	vst.idx.msk $0xffff, v42;
	v63 =	vadd.s32 v34, v61;
	v10 =	vld [tilespmem:s29+$0xFFFFFFE0]  }
0x2ad: {  	v18 =	vld [tilespmem:s29+$0x20];
	v16 =	vadd.s32 v32, v59;
	[tilespmem:v40+s21+$0x0] =	vst.idx.msk $0xffff, v47;
	v40 =	vmul.f32 $8.000000000e+00, v9;
	v62 =	vadd.f32 v44, v51  }
0x2ae: {  	v5 =	vshrl.u32 v12, $0x3;
	v12 =	vadd.s32 v19, v60;
	v9 =	vmul.f32 $8.000000000e+00, v13  }
0x2af: {  	v41 =	vmul.f32 $8.000000000e+00, v15;
	v0 =	vadd.f32 v40, v50;
	[tilespmem:v11+s21+$0x0] =	vst.idx.msk $0xffff, v62;
	v11 =	vadd.s32 v39, v58  }
0x2b0: {  	v24 =	vmovc v32;
	v9 =	vadd.f32 v9, v50;
	v44 =	vmovc v19;
	v19 =	vadd.s32 v37, v57;
	v8 =	vmul.f32 $8.000000000e+00, v8  }
0x2b1: {  	v32 =	vadd.s32 v45, v55;
	[tilespmem:v63+s21+$0x0] =	vst.idx.msk $0xffff, v0;
	v62 =	vadd.f32 v41, v50;
	v63 =	vmul.f32 $8.000000000e+00, v10  }
0x2b2: {  	v13 =	vld [tilespmem:s29+$0x60];
	[tilespmem:v16+s21+$0x0] =	vst.idx.msk $0xffff, v9;
	v9 =	vmul.f32 $8.000000000e+00, v18;
	v8 =	vadd.f32 v8, v50  }
0x2b3: {  	[tilespmem:v12+s21+$0x0] =	vst.idx.msk $0xffff, v62;
	v1 =	vadd.f32 v63, v50  }
0x2b4: {  	[tilespmem:v11+s21+$0x0] =	vst.idx.msk $0xffff, v8;
	v11 =	vadd.f32 v9, v50  }
0x2b5: {  	[tilespmem:v19+s21+$0x0] =	vst.idx.msk $0xffff, v1  }
0x2b6: {  	s10 =	simm.s32 $0x9;
	v16 =	vadd.s32 v48, v56;
	v15 =	vld [tilespmem:s29+$0xA0];
	[tilespmem:v32+s21+$0x0] =	vst.idx.msk $0xffff, v11  }
0x2b7: {  	v2 =	vmov s10;
	s10 =	simm.s32 $0xD;
	v12 =	vmul.f32 $8.000000000e+00, v13;
	v47 =	vld [tilespmem:$0x1FE40]  }
0x2b8: {  	v53 =	vshll.u32 v7, v17;
	v7 =	vmov s10  }
0x2b9: {  	v18 =	vld [tilespmem:s29+$0xF0];
	v10 =	vshrl.u32 v7, $0x3;
	v7 =	vadd.f32 v12, v50  }
0x2ba: {  	s1 =	simm.s32 $0xB;
	v40 =	vmov v20;
	v20 =	vadd.s32 v27, v54;
	v41 =	vmov v48;
	v48 =	vld [tilespmem:$0x1FF10]  }
0x2bb: {  	v2 =	vshrl.u32 v2, $0x3;
	s31 =	simm.s32 $0xE;
	v4 =	vmov s1;
	v0 =	vld [tilespmem:s29+$0xFFFFFF30];
	v13 =	vmul.f32 $8.000000000e+00, v15;
	[tilespmem:v16+s21+$0x0] =	vst.idx.msk $0xffff, v7  }
0x2bc: {  	v6 =	vmov s31;
	v63 =	vshll.u32 v2, v17;
	v2 =	vadd.s32 v47, v59;
	v59 =	vld [tilespmem:$0x1FE50]  }
0x2bd: {  	v62 =	vshrl.u32 v6, $0x3;
	v8 =	vshrl.u32 v4, $0x3;
	v4 =	vld [tilespmem:s29+$0xFFFFFF70];
	v6 =	vadd.f32 v13, v50  }
0x2be: {  	v42 =	vld [tilespmem:s29+$0xFFFFFFB0]  }
0x2bf: {  	v13 =	vld [tilespmem:$0x1FE60];
	v11 =	vadd.s32 v48, v61;
	[tilespmem:v20+s21+$0x0] =	vst.idx.msk $0xffff, v6  }
0x2c0: {  	v12 =	vmul.f32 $8.000000000e+00, v18;
	v6 =	vld [tilespmem:$0x1FE70]  }
0x2c1: {  	v15 =	vshll.u32 v5, v17;
	v0 =	vmul.f32 $8.000000000e+00, v0;
	v5 =	vadd.s32 v59, v60  }
0x2c2: {  	s5 =	simm.s32 $0xC;
	v38 =	vmov v39;
	v39 =	vld [tilespmem:s29+$0xFFFFFFF0];
	v12 =	vadd.f32 v12, v49;
	v4 =	vmul.f32 $8.000000000e+00, v4  }
0x2c3: {  	v14 =	vmov s5;
	v7 =	vld [tilespmem:s29+$0x30];
	v0 =	vadd.f32 v0, v49  }
0x2c4: {  	v9 =	vshrl.u32 v14, $0x3;
	v14 =	vld [tilespmem:s29+$0x70];
	v4 =	vadd.f32 v4, v49;
	[tilespmem:v11+s21+$0x0] =	vst.idx.msk $0xffff, v12  }
0x2c5: {  	v1 =	vmul.f32 $8.000000000e+00, v42;
	v30 =	vmovc v59;
	v42 =	vmov v6;
	v59 =	vadd.s32 v6, v57;
	v6 =	vld [tilespmem:$0x1FE80];
	[tilespmem:v2+s21+$0x0] =	vst.idx.msk $0xffff, v0  }
0x2c6: {  	v0 =	vld [tilespmem:$0x1FE90];
	[tilespmem:v5+s21+$0x0] =	vst.idx.msk $0xffff, v4  }
0x2c7: {  	v61 =	vld [tilespmem:$0x1FF20];
	_ =	sdelay $0x1  }
0x2c8: {  	v3 =	vmul.f32 $8.000000000e+00, v39  }
0x2c9: {  	v29 =	vmovc v28;
	v16 =	vadd.f32 v1, v49;
	v26 =	vmovc v13;
	v13 =	vadd.s32 v13, v58;
	v11 =	vmul.f32 $8.000000000e+00, v7  }
0x2ca: {  	v32 =	vmovc v47;
	v12 =	vadd.f32 v3, v49;
	v58 =	vadd.s32 v6, v55;
	v55 =	vadd.s32 v0, v56  }
0x2cb: {  	s30 =	simm.s32 $0x10;
	s1 =	simm.s32 $0xF;
	v57 =	vld [tilespmem:s29+$0xB0];
	v28 =	vmovc v6;
	v47 =	vmovc v0;
	v56 =	vmul.f32 $8.000000000e+00, v14;
	v39 =	vmov v61;
	v54 =	vadd.s32 v61, v54  }
.LBB2_13:
0x2cc: {  	_ = 	snop  }
0x2cd: {  	s29 =	sadd.s32 $0x200, s29;
	v5 =	vadd.f32 v56, v49  }
0x2ce: {  	v4 =	vld [tilespmem:s29+$0xC0]  }
0x2cf: {  	v0 =	vmov s1;
	[tilespmem:v55+s21+$0x0] =	vst.idx.msk $0xffff, v5;
	v55 =	vld [tilespmem:$0x1FF00]  }
0x2d0: {  	v0 =	vshrl.u32 v0, $0x3;
	v6 =	vld [tilespmem:s29+$0xFFFFFF00]  }
0x2d1: {  	v3 =	vshll.u32 v8, v17;
	[tilespmem:v59+s21+$0x0] =	vst.idx.msk $0xffff, v12;
	v12 =	vld [tilespmem:$0x1FEC0];
	v0 =	vshll.u32 v0, v17;
	v2 =	vmul.f32 $8.000000000e+00, v57  }
0x2d2: {  	v8 =	vshll.u32 v10, v17;
	[tilespmem:v13+s21+$0x0] =	vst.idx.msk $0xffff, v16;
	v1 =	vadd.f32 v11, v49;
	v13 =	vld [tilespmem:$0x1FED0];
	v61 =	vbroadcast v0, $0x0  }
0x2d3: {  	v62 =	vshll.u32 v62, v17;
	v57 =	vbroadcast v53, $0x0;
	v53 =	vadd.f32 v2, v49;
	v2 =	vld [tilespmem:s29+$0xFFFFFF40]  }
0x2d4: {  	[tilespmem:v58+s21+$0x0] =	vst.idx.msk $0xffff, v1;
	v58 =	vbroadcast v3, $0x0;
	v3 =	vadd.s32 v55, v61;
	v55 =	vbroadcast v8, $0x0;
	v8 =	vld [tilespmem:$0x1FEA0]  }
0x2d5: {  	[tilespmem:v54+s21+$0x0] =	vst.idx.msk $0xffff, v53;
	v54 =	vbroadcast v62, $0x0;
	v62 =	vld [tilespmem:$0x1FEB0]  }
0x2d6: {  	v0 =	vld [tilespmem:s29+$0xFFFFFF80]  }
0x2d7: {  	v7 =	vshll.u32 v9, v17;
	v60 =	vbroadcast v63, $0x0;
	v59 =	vbroadcast v15, $0x0;
	v63 =	vld [tilespmem:s29+$0xFFFFFFC0]  }
0x2d8: {  	v56 =	vbroadcast v7, $0x0;
	v9 =	vld [tilespmem:s29+$0x0];
	v7 =	vadd.s32 v21, v57;
	v4 =	vmul.f32 $8.000000000e+00, v4  }
0x2d9: {  	v10 =	vld [tilespmem:s29+$0x40];
	v6 =	vmul.f32 $8.000000000e+00, v6;
	v8 =	vadd.s32 v8, v60  }
0x2da: {  	v4 =	vadd.f32 v4, v52;
	v11 =	vld [tilespmem:s29+$0x80];
	v2 =	vmul.f32 $8.000000000e+00, v2;
	v5 =	vadd.s32 v62, v59  }
0x2db: {  	v12 =	vadd.s32 v12, v58;
	v6 =	vadd.f32 v6, v52;
	v0 =	vmul.f32 $8.000000000e+00, v0  }
0x2dc: {  	v13 =	vadd.s32 v13, v56;
	v1 =	vmul.f32 $8.000000000e+00, v63;
	v2 =	vadd.f32 v2, v52;
	[tilespmem:v3+s21+$0x0] =	vst.idx.msk $0xffff, v4  }
0x2dd: {  	v63 =	vmul.f32 $8.000000000e+00, v9;
	v0 =	vadd.f32 v0, v52;
	[tilespmem:v7+s21+$0x0] =	vst.idx.msk $0xffff, v6;
	v4 =	vadd.s32 v43, v55;
	v6 =	vld [tilespmem:s29+$0xD0]  }
0x2de: {  	v1 =	vadd.f32 v1, v52;
	v53 =	vmul.f32 $8.000000000e+00, v10;
	v9 =	vmov s30;
	v7 =	vld [tilespmem:s29+$0xFFFFFF10];
	[tilespmem:v8+s21+$0x0] =	vst.idx.msk $0xffff, v2  }
0x2df: {  	v62 =	vadd.f32 v63, v52;
	v63 =	vmul.f32 $8.000000000e+00, v11;
	v8 =	vadd.s32 v46, v54;
	[tilespmem:v5+s21+$0x0] =	vst.idx.msk $0xffff, v0;
	v10 =	vld [tilespmem:s29+$0xFFFFFF50]  }
0x2e0: {  	[tilespmem:v12+s21+$0x0] =	vst.idx.msk $0xffff, v1;
	v53 =	vadd.f32 v53, v52;
	v5 =	vshrl.u32 v9, $0x3;
	v9 =	vld [tilespmem:s29+$0xFFFFFF90]  }
0x2e1: {  	v11 =	vld [tilespmem:s29+$0xFFFFFFD0];
	[tilespmem:v13+s21+$0x0] =	vst.idx.msk $0xffff, v62;
	v62 =	vadd.f32 v63, v52;
	v63 =	vadd.s32 v25, v61  }
0x2e2: {  	v13 =	vadd.s32 v23, v57;
	v14 =	vld [tilespmem:s29+$0x10];
	[tilespmem:v4+s21+$0x0] =	vst.idx.msk $0xffff, v53;
	v53 =	vmul.f32 $8.000000000e+00, v6  }
0x2e3: {  	v18 =	vadd.s32 v36, v56;
	v6 =	vmul.f32 $8.000000000e+00, v7;
	v7 =	vadd.s32 v40, v60;
	v15 =	vld [tilespmem:s29+$0x50]  }
0x2e4: {  	v1 =	vadd.f32 v53, v51;
	[tilespmem:v8+s21+$0x0] =	vst.idx.msk $0xffff, v62;
	v8 =	vadd.s32 v35, v59;
	v62 =	vmul.f32 $8.000000000e+00, v10  }
0x2e5: {  	v16 =	vadd.s32 v31, v58;
	v6 =	vadd.f32 v6, v51;
	v10 =	vld [tilespmem:s29+$0x90];
	v9 =	vmul.f32 $8.000000000e+00, v9  }
0x2e6: {  	v20 =	vadd.s32 v45, v56;
	v11 =	vmul.f32 $8.000000000e+00, v11;
	[tilespmem:v63+s21+$0x0] =	vst.idx.msk $0xffff, v1;
	v0 =	vadd.f32 v62, v51  }
0x2e7: {  	v53 =	vmul.f32 $8.000000000e+00, v14;
	[tilespmem:v13+s21+$0x0] =	vst.idx.msk $0xffff, v6;
	v6 =	vadd.s32 v33, v55;
	v63 =	vadd.f32 v9, v51;
	v9 =	vld [tilespmem:s29+$0xE0]  }
0x2e8: {  	s31 =	sadd.s32 $0x2, s30;
	v19 =	vadd.s32 v37, v58;
	v13 =	vld [tilespmem:s29+$0xFFFFFF20];
	v62 =	vadd.f32 v11, v51;
	[tilespmem:v7+s21+$0x0] =	vst.idx.msk $0xffff, v0;
	v7 =	vmul.f32 $8.000000000e+00, v15  }
0x2e9: {  	s0 =	sadd.s32 $0x1, s30;
	v12 =	vmov s31;
	v1 =	vadd.f32 v53, v51;
	v11 =	vadd.s32 v29, v54;
	[tilespmem:v8+s21+$0x0] =	vst.idx.msk $0xffff, v63;
	v15 =	vld [tilespmem:s29+$0xFFFFFF60]  }
0x2ea: {  	s1 =	sadd.s32 $0x3, s30;
	v2 =	vmov s0;
	[tilespmem:v16+s21+$0x0] =	vst.idx.msk $0xffff, v62;
	v63 =	vmul.f32 $8.000000000e+00, v10;
	v8 =	vld [tilespmem:s29+$0xFFFFFFA0];
	v62 =	vadd.f32 v7, v51  }
0x2eb: {  	v3 =	vadd.s32 v34, v61;
	v4 =	vmov s1;
	v2 =	vshrl.u32 v2, $0x3;
	[tilespmem:v18+s21+$0x0] =	vst.idx.msk $0xffff, v1;
	v10 =	vld [tilespmem:s29+$0xFFFFFFE0]  }
0x2ec: {  	s5 =	sadd.s32 $0x4, s30;
	v18 =	vld [tilespmem:s29+$0x20];
	v16 =	vadd.s32 v24, v57;
	v63 =	vadd.f32 v63, v51;
	[tilespmem:v6+s21+$0x0] =	vst.idx.msk $0xffff, v62;
	v62 =	vmul.f32 $8.000000000e+00, v9  }
0x2ed: {  	v14 =	vmov s5;
	v53 =	vshll.u32 v5, v17;
	v9 =	vmul.f32 $8.000000000e+00, v13  }
0x2ee: {  	v6 =	vshrl.u32 v12, $0x3;
	v12 =	vadd.s32 v44, v60;
	v13 =	vld [tilespmem:s29+$0x60];
	[tilespmem:v11+s21+$0x0] =	vst.idx.msk $0xffff, v63;
	v0 =	vadd.f32 v62, v50  }
0x2ef: {  	s10 =	sadd.s32 $0x5, s30;
	v11 =	vadd.s32 v38, v59;
	v63 =	vmul.f32 $8.000000000e+00, v15;
	v15 =	vld [tilespmem:s29+$0xA0];
	v9 =	vadd.f32 v9, v50  }
0x2f0: {  	s31 =	sadd.s32 $0x6, s30;
	v5 =	vmov s10;
	v8 =	vmul.f32 $8.000000000e+00, v8;
	v10 =	vmul.f32 $8.000000000e+00, v10;
	[tilespmem:v3+s21+$0x0] =	vst.idx.msk $0xffff, v0  }
0x2f1: {  	v7 =	vmov s31;
	v62 =	vmul.f32 $8.000000000e+00, v18;
	v1 =	vadd.f32 v63, v50;
	[tilespmem:v16+s21+$0x0] =	vst.idx.msk $0xffff, v9  }
0x2f2: {  	v0 =	vadd.f32 v8, v50;
	v16 =	vadd.s32 v41, v55;
	v63 =	vadd.f32 v10, v50;
	v18 =	vld [tilespmem:s29+$0xF0]  }
0x2f3: {  	v8 =	vshrl.u32 v4, $0x3;
	v9 =	vshrl.u32 v14, $0x3;
	v21 =	vld [tilespmem:s29+$0xFFFFFF30];
	[tilespmem:v12+s21+$0x0] =	vst.idx.msk $0xffff, v1;
	v12 =	vmul.f32 $8.000000000e+00, v13  }
0x2f4: {  	v55 =	vadd.s32 v47, v55;
	[tilespmem:v11+s21+$0x0] =	vst.idx.msk $0xffff, v0;
	v0 =	vadd.f32 v62, v50;
	v4 =	vld [tilespmem:s29+$0xFFFFFF70];
	v3 =	vmul.f32 $8.000000000e+00, v15  }
0x2f5: {  	v10 =	vshrl.u32 v5, $0x3;
	v13 =	vadd.s32 v27, v54;
	[tilespmem:v19+s21+$0x0] =	vst.idx.msk $0xffff, v63;
	v5 =	vld [tilespmem:s29+$0xFFFFFFB0];
	v1 =	vadd.f32 v12, v50  }
0x2f6: {  	v62 =	vshrl.u32 v7, $0x3;
	v7 =	vld [tilespmem:s29+$0xFFFFFFF0];
	[tilespmem:v20+s21+$0x0] =	vst.idx.msk $0xffff, v0;
	v0 =	vadd.f32 v3, v50;
	v3 =	vadd.s32 v48, v61  }
0x2f7: {  	v63 =	vshll.u32 v2, v17;
	v2 =	vadd.s32 v32, v57;
	v11 =	vld [tilespmem:s29+$0x30];
	[tilespmem:v16+s21+$0x0] =	vst.idx.msk $0xffff, v1;
	v61 =	vmul.f32 $8.000000000e+00, v18  }
0x2f8: {  	p0 =	slt.u32 s30, $0x78;
	v15 =	vshll.u32 v6, v17;
	v12 =	vadd.s32 v30, v60;
	v6 =	vmul.f32 $8.000000000e+00, v21;
	v14 =	vld [tilespmem:s29+$0x70]  }
.Ltmp6:
0x2f9: {  	v54 =	vadd.s32 v39, v54;
	v60 =	vmul.f32 $8.000000000e+00, v4;
	v1 =	vadd.f32 v61, v49;
	(pc) =	sbr.rel @p0 .LBB2_13-.Ltmp6, $4  }
0x2fa: {  	[tilespmem:v13+s21+$0x0] =	vst.idx.msk $0xffff, v0;
	v13 =	vadd.s32 v26, v59;
	v61 =	vadd.f32 v6, v49;
	v5 =	vmul.f32 $8.000000000e+00, v5  }
0x2fb: {  	v59 =	vadd.s32 v42, v58;
	v6 =	vmul.f32 $8.000000000e+00, v7;
	v0 =	vadd.f32 v60, v49;
	[tilespmem:v3+s21+$0x0] =	vst.idx.msk $0xffff, v1  }
0x2fc: {  	v58 =	vadd.s32 v28, v56;
	[tilespmem:v2+s21+$0x0] =	vst.idx.msk $0xffff, v61;
	v16 =	vadd.f32 v5, v49  }
0x2fd: {  	s1 =	sadd.s32 $0x7, s30;
	s30 =	sadd.s32 $0x8, s30;
	v21 =	vmovc v22;
	v57 =	vld [tilespmem:s29+$0xB0];
	v11 =	vmul.f32 $8.000000000e+00, v11;
	[tilespmem:v12+s21+$0x0] =	vst.idx.msk $0xffff, v0;
	v12 =	vadd.f32 v6, v49;
	v56 =	vmul.f32 $8.000000000e+00, v14  }
0x2fe: {  	v18 =	vbroadcast v53, $0x0;
	v53 =	vld [tilespmem:$0x1FF00]  }
0x2ff: {  	v0 =	vmov s1;
	s29 =	sadd.s32 $0x200, s29;
	v60 =	vld [tilespmem:$0x1FEA0]  }
0x300: {  	v1 =	vld [tilespmem:s29+$0xC0];
	v0 =	vshrl.u32 v0, $0x3  }
0x301: {  	v20 =	vbroadcast v63, $0x0;
	v3 =	vld [tilespmem:s29+$0xFFFFFF00];
	v0 =	vshll.u32 v0, v17  }
0x302: {  	v2 =	vshll.u32 v8, v17;
	v4 =	vld [tilespmem:s29+$0xFFFFFF40];
	v61 =	vbroadcast v0, $0x0  }
0x303: {  	v5 =	vshll.u32 v9, v17;
	v9 =	vbroadcast v2, $0x0;
	v2 =	vld [tilespmem:$0x1FEB0];
	[tilespmem:$0x1FD00] =	vst v20  }
0x304: {  	v6 =	vshll.u32 v10, v17;
	v10 =	vbroadcast v5, $0x0;
	v0 =	vld [tilespmem:s29+$0xFFFFFF80];
	v5 =	vadd.s32 v53, v61  }
0x305: {  	v1 =	vmul.f32 $8.000000000e+00, v1  }
0x306: {  	v63 =	vbroadcast v15, $0x0;
	v7 =	vshll.u32 v62, v17  }
0x307: {  	v8 =	vadd.s32 v21, v18;
	v14 =	vld [tilespmem:s29+$0xFFFFFFC0];
	v53 =	vbroadcast v6, $0x0;
	v1 =	vadd.f32 v1, v52  }
0x308: {  	v62 =	vmovc v18;
	v18 =	vld [tilespmem:s29+$0x40];
	v6 =	vadd.s32 v60, v20;
	v60 =	vbroadcast v7, $0x0;
	v4 =	vmul.f32 $8.000000000e+00, v4  }
0x309: {  	v3 =	vmul.f32 $8.000000000e+00, v3;
	v7 =	vadd.s32 v2, v63;
	v2 =	vmul.f32 $8.000000000e+00, v0;
	v0 =	vld [tilespmem:$0x1FEC0];
	[tilespmem:v5+s21+$0x0] =	vst.idx.msk $0xffff, v1  }
0x30a: {  	v1 =	vadd.f32 v4, v52;
	v4 =	vld [tilespmem:$0x1FED0]  }
0x30b: {  	v15 =	vld [tilespmem:s29+$0x0];
	v3 =	vadd.f32 v3, v52;
	_ =	sdelay $0x1  }
0x30c: {  	[tilespmem:v8+s21+$0x0] =	vst.idx.msk $0xffff, v3;
	v8 =	vadd.s32 v43, v53  }
0x30d: {  	v19 =	vld [tilespmem:s29+$0x80];
	[tilespmem:v6+s21+$0x0] =	vst.idx.msk $0xffff, v1;
	v6 =	vmul.f32 $8.000000000e+00, v18;
	v20 =	vadd.s32 v0, v9  }
0x30e: {  	v5 =	vmul.f32 $8.000000000e+00, v14;
	v0 =	vadd.f32 v2, v52;
	v4 =	vadd.s32 v4, v10  }
0x30f: {  	v3 =	vmul.f32 $8.000000000e+00, v15;
	v6 =	vadd.f32 v6, v52  }
0x310: {  	v2 =	vadd.f32 v5, v52;
	[tilespmem:v7+s21+$0x0] =	vst.idx.msk $0xffff, v0  }
0x311: {  	v3 =	vadd.f32 v3, v52;
	[tilespmem:v8+s21+$0x0] =	vst.idx.msk $0xffff, v6  }
0x312: {  	v14 =	vld [tilespmem:s29+$0xD0];
	v7 =	vmul.f32 $8.000000000e+00, v19;
	[tilespmem:v20+s21+$0x0] =	vst.idx.msk $0xffff, v2  }
0x313: {  	v1 =	vld [tilespmem:s29+$0xFFFFFF10];
	[tilespmem:v4+s21+$0x0] =	vst.idx.msk $0xffff, v3  }
0x314: {  	v15 =	vadd.s32 v46, v60;
	v3 =	vadd.f32 v7, v52;
	v52 =	vmovc v62;
	v7 =	vadd.s32 v23, v62;
	v62 =	vld [tilespmem:$0x1FD00]  }
0x315: {  	v0 =	vld [tilespmem:s29+$0xFFFFFF50]  }
0x316: {  	v2 =	vld [tilespmem:s29+$0xFFFFFF90]  }
0x317: {  	v18 =	vld [tilespmem:s29+$0xFFFFFFD0];
	v4 =	vadd.s32 v25, v61  }
0x318: {  	v5 =	vmul.f32 $8.000000000e+00, v14;
	v19 =	vld [tilespmem:s29+$0x10]  }
0x319: {  	v1 =	vmul.f32 $8.000000000e+00, v1;
	v14 =	vld [tilespmem:s29+$0x50];
	[tilespmem:v15+s21+$0x0] =	vst.idx.msk $0xffff, v3;
	v6 =	vadd.s32 v40, v62  }
0x31a: {  	v5 =	vadd.f32 v5, v51;
	v0 =	vmul.f32 $8.000000000e+00, v0;
	v3 =	vadd.s32 v35, v63;
	v15 =	vld [tilespmem:s29+$0x90]  }
0x31b: {  	v1 =	vadd.f32 v1, v51;
	[tilespmem:v13+s21+$0x0] =	vst.idx.msk $0xffff, v16;
	v13 =	vadd.s32 v31, v9;
	v2 =	vmul.f32 $8.000000000e+00, v2  }
0x31c: {  	v0 =	vadd.f32 v0, v51;
	v16 =	vmul.f32 $8.000000000e+00, v18;
	[tilespmem:v4+s21+$0x0] =	vst.idx.msk $0xffff, v5;
	v4 =	vadd.s32 v36, v10  }
0x31d: {  	[tilespmem:v7+s21+$0x0] =	vst.idx.msk $0xffff, v1;
	v1 =	vadd.f32 v2, v51;
	v5 =	vadd.s32 v33, v53;
	v2 =	vmul.f32 $8.000000000e+00, v19;
	v7 =	vld [tilespmem:s29+$0xE0]  }
0x31e: {  	v18 =	vld [tilespmem:s29+$0xFFFFFF20];
	[tilespmem:v6+s21+$0x0] =	vst.idx.msk $0xffff, v0;
	v0 =	vadd.f32 v16, v51;
	v6 =	vmul.f32 $8.000000000e+00, v14;
	v14 =	vadd.s32 v29, v60  }
0x31f: {  	[tilespmem:v3+s21+$0x0] =	vst.idx.msk $0xffff, v1;
	v1 =	vadd.f32 v2, v51;
	v2 =	vmul.f32 $8.000000000e+00, v15;
	v16 =	vld [tilespmem:s29+$0xFFFFFF60]  }
0x320: {  	v3 =	vld [tilespmem:s29+$0xFFFFFFA0];
	[tilespmem:v13+s21+$0x0] =	vst.idx.msk $0xffff, v0;
	v0 =	vadd.f32 v6, v51  }
0x321: {  	[tilespmem:v4+s21+$0x0] =	vst.idx.msk $0xffff, v1;
	v51 =	vadd.f32 v2, v51;
	v2 =	vadd.s32 v34, v61;
	v6 =	vld [tilespmem:s29+$0xFFFFFFE0]  }
0x322: {  	v8 =	vmov v9;
	v4 =	vadd.s32 v24, v52;
	v13 =	vld [tilespmem:s29+$0x20];
	[tilespmem:v5+s21+$0x0] =	vst.idx.msk $0xffff, v0;
	v0 =	vmul.f32 $8.000000000e+00, v7  }
0x323: {  	v5 =	vadd.f32 v11, v49;
	v7 =	vmul.f32 $8.000000000e+00, v18;
	v11 =	vadd.s32 v44, v62;
	v15 =	vld [tilespmem:s29+$0x60];
	[tilespmem:v14+s21+$0x0] =	vst.idx.msk $0xffff, v51  }
0x324: {  	[tilespmem:v59+s21+$0x0] =	vst.idx.msk $0xffff, v12;
	v12 =	vadd.s32 v38, v63;
	v51 =	vmul.f32 $8.000000000e+00, v16;
	v14 =	vld [tilespmem:s29+$0xA0];
	v0 =	vadd.f32 v0, v50  }
0x325: {  	v3 =	vmul.f32 $8.000000000e+00, v3;
	[tilespmem:v58+s21+$0x0] =	vst.idx.msk $0xffff, v5;
	v5 =	vadd.f32 v7, v50;
	v7 =	vadd.s32 v37, v8  }
0x326: {  	v16 =	vadd.s32 v45, v10;
	v1 =	vadd.f32 v51, v50;
	v6 =	vmul.f32 $8.000000000e+00, v6;
	[tilespmem:v2+s21+$0x0] =	vst.idx.msk $0xffff, v0  }
0x327: {  	[tilespmem:v4+s21+$0x0] =	vst.idx.msk $0xffff, v5;
	v0 =	vadd.f32 v3, v50;
	v2 =	vmul.f32 $8.000000000e+00, v13;
	v3 =	vadd.s32 v41, v53;
	v4 =	vld [tilespmem:s29+$0xF0]  }
0x328: {  	v5 =	vld [tilespmem:s29+$0xFFFFFF30];
	[tilespmem:v11+s21+$0x0] =	vst.idx.msk $0xffff, v1;
	v59 =	vadd.f32 v6, v50;
	v6 =	vmul.f32 $8.000000000e+00, v15;
	v11 =	vadd.s32 v27, v60  }
0x329: {  	[tilespmem:v12+s21+$0x0] =	vst.idx.msk $0xffff, v0;
	v0 =	vadd.f32 v2, v50;
	v13 =	vld [tilespmem:s29+$0xFFFFFF70];
	v2 =	vmul.f32 $8.000000000e+00, v14  }
0x32a: {  	v58 =	vmov v8;
	v8 =	vadd.s32 v32, v52;
	v12 =	vld [tilespmem:s29+$0xFFFFFFB0];
	[tilespmem:v7+s21+$0x0] =	vst.idx.msk $0xffff, v59;
	v59 =	vadd.f32 v6, v50  }
0x32b: {  	v6 =	vmul.f32 $8.000000000e+00, v57;
	[tilespmem:v16+s21+$0x0] =	vst.idx.msk $0xffff, v0;
	v7 =	vld [tilespmem:s29+$0xFFFFFFF0];
	v0 =	vadd.f32 v2, v50;
	v2 =	vadd.s32 v48, v61  }
0x32c: {  	v51 =	vmov v10;
	v10 =	vadd.f32 v56, v49;
	v14 =	vld [tilespmem:s29+$0x30];
	[tilespmem:v3+s21+$0x0] =	vst.idx.msk $0xffff, v59;
	v57 =	vmul.f32 $8.000000000e+00, v4  }
0x32d: {  	v50 =	vadd.s32 v30, v62;
	v59 =	vadd.f32 v6, v49;
	v61 =	vmul.f32 $8.000000000e+00, v5;
	v6 =	vld [tilespmem:s29+$0x70];
	[tilespmem:v11+s21+$0x0] =	vst.idx.msk $0xffff, v0  }
0x32e: {  	v9 =	vadd.s32 v26, v63;
	[tilespmem:v55+s21+$0x0] =	vst.idx.msk $0xffff, v10;
	v52 =	vmul.f32 $8.000000000e+00, v13;
	v10 =	vld [tilespmem:s29+$0xB0];
	v1 =	vadd.f32 v57, v49  }
0x32f: {  	v11 =	vadd.s32 v42, v58;
	[tilespmem:v54+s21+$0x0] =	vst.idx.msk $0xffff, v59;
	v55 =	vadd.f32 v61, v49;
	v56 =	vmul.f32 $8.000000000e+00, v12  }
0x330: {  	v12 =	vadd.s32 v28, v51;
	v0 =	vadd.f32 v52, v49;
	v7 =	vmul.f32 $8.000000000e+00, v7;
	[tilespmem:v2+s21+$0x0] =	vst.idx.msk $0xffff, v1  }
0x331: {  	v59 =	vadd.s32 v47, v53;
	[tilespmem:v8+s21+$0x0] =	vst.idx.msk $0xffff, v55;
	v57 =	vadd.f32 v56, v49;
	v58 =	vmul.f32 $8.000000000e+00, v14  }
0x332: {  	v63 =	vadd.s32 v39, v60;
	[tilespmem:v50+s21+$0x0] =	vst.idx.msk $0xffff, v0;
	v61 =	vadd.f32 v7, v49;
	v62 =	vmul.f32 $8.000000000e+00, v6  }
0x333: {  	[tilespmem:v9+s21+$0x0] =	vst.idx.msk $0xffff, v57;
	v50 =	vadd.f32 v58, v49;
	v51 =	vmul.f32 $8.000000000e+00, v10  }
0x334: {  	[tilespmem:v11+s21+$0x0] =	vst.idx.msk $0xffff, v61;
	v52 =	vadd.f32 v62, v49  }
0x335: {  	[tilespmem:v12+s21+$0x0] =	vst.idx.msk $0xffff, v50;
	v53 =	vadd.f32 v51, v49  }
0x336: {  	[tilespmem:v59+s21+$0x0] =	vst.idx.msk $0xffff, v52  }
0x337: {  	s1 =	simm.s32 $0x5;
	[tilespmem:v63+s21+$0x0] =	vst.idx.msk $0xffff, v53  }
0x338: {  	s0 =	simm.s32 $0x0;
	v60 =	vmov s1;
	s29 =	simm.s32 $0xF9F0;
	v52 =	vld [tilespmem:s28+$0x64C0]  }
0x339: {  	s5 =	simm.s32 $0x1;
	s10 =	simm.s32 $0x2;
	v5 =	vshrl.u32 v60, $0x3;
	v54 =	vmov s0;
	v8 =	vld [tilespmem:s29+$0xFFFFFFD0]  }
0x33a: {  	s30 =	simm.s32 $0x3;
	v55 =	vshrl.u32 v54, $0x3;
	v56 =	vmov s5;
	v57 =	vmov s10;
	s10 =	simm.s32 $0x7;
	v9 =	vld [tilespmem:s29+$0xFFFFFE10]  }
0x33b: {  	v2 =	vshrl.u32 v56, $0x3;
	v58 =	vmov s30;
	v7 =	vmov s10;
	v51 =	vld [tilespmem:s28+$0x64D0]  }
0x33c: {  	s31 =	simm.s32 $0x4;
	v0 =	vshll.u32 v55, v17;
	v2 =	vshll.u32 v2, v17;
	v7 =	vshrl.u32 v7, $0x3;
	v62 =	vld [tilespmem:$0x1FF00]  }
0x33d: {  	v3 =	vshrl.u32 v57, $0x3;
	v61 =	vshll.u32 v7, v17;
	v59 =	vmov s31;
	v50 =	vld [tilespmem:s28+$0x64E0]  }
0x33e: {  	v61 =	vbroadcast v61, $0x0;
	v4 =	vshrl.u32 v59, $0x3;
	v59 =	vbroadcast v0, $0x0;
	v7 =	vld [tilespmem:s29+$0xFFFFFE50]  }
0x33f: {  	v1 =	vshrl.u32 v58, $0x3;
	v49 =	vmul.f32 $8.000000000e+00, v8;
	v8 =	vmul.f32 $8.000000000e+00, v9;
	v9 =	vld [tilespmem:$0x1FEA0]  }
0x340: {  	v3 =	vshll.u32 v3, v17;
	v1 =	vshll.u32 v1, v17;
	v0 =	vld [tilespmem:s29+$0xFFFFFE90];
	v63 =	vadd.s32 v21, v59  }
0x341: {  	v58 =	vbroadcast v3, $0x0;
	v57 =	vbroadcast v1, $0x0;
	v3 =	vld [tilespmem:s29+$0xFFFFFED0];
	v1 =	vadd.s32 v62, v61  }
0x342: {  	v5 =	vshll.u32 v5, v17;
	s5 =	simm.s32 $0x6;
	v60 =	vbroadcast v2, $0x0;
	v12 =	vld [tilespmem:$0x1FEC0]  }
0x343: {  	v56 =	vbroadcast v5, $0x0;
	v6 =	vmov s5;
	v13 =	vld [tilespmem:$0x1FED0];
	v8 =	vadd.f32 v8, v52  }
0x344: {  	v62 =	vmul.f32 $8.000000000e+00, v7;
	v7 =	vld [tilespmem:$0x1FEB0];
	v5 =	vadd.f32 v49, v52;
	v9 =	vadd.s32 v9, v60  }
0x345: {  	v6 =	vshrl.u32 v6, $0x3;
	v49 =	vld [tilespmem:s28+$0x64F0];
	[tilespmem:v63+s22+$0x0] =	vst.idx.msk $0xffff, v8  }
0x346: {  	v2 =	vshll.u32 v6, v17;
	v4 =	vshll.u32 v4, v17;
	v6 =	vld [tilespmem:s29+$0xFFFFFF10];
	[tilespmem:v1+s22+$0x0] =	vst.idx.msk $0xffff, v5  }
0x347: {  	v54 =	vbroadcast v2, $0x0;
	v55 =	vbroadcast v4, $0x0;
	v2 =	vadd.f32 v62, v52;
	v4 =	vld [tilespmem:$0x1FEE0]  }
0x348: {  	v10 =	vld [tilespmem:s29+$0xFFFFFF50]  }
0x349: {  	v7 =	vadd.s32 v7, v58;
	[tilespmem:v9+s22+$0x0] =	vst.idx.msk $0xffff, v2  }
0x34a: {  	v0 =	vmul.f32 $8.000000000e+00, v0;
	v13 =	vadd.s32 v13, v55;
	v8 =	vld [tilespmem:$0x1FEF0]  }
0x34b: {  	v11 =	vld [tilespmem:s29+$0xFFFFFF90];
	v12 =	vadd.s32 v12, v57;
	v63 =	vmul.f32 $8.000000000e+00, v6  }
0x34c: {  	v3 =	vmul.f32 $8.000000000e+00, v3;
	v0 =	vadd.f32 v0, v52;
	v4 =	vadd.s32 v4, v56  }
0x34d: {  	v53 =	vmul.f32 $8.000000000e+00, v10;
	v6 =	vld [tilespmem:s29+$0xFFFFFE20];
	v62 =	vadd.f32 v63, v52  }
0x34e: {  	v2 =	vadd.f32 v3, v52;
	[tilespmem:v7+s22+$0x0] =	vst.idx.msk $0xffff, v0  }
0x34f: {  	v53 =	vadd.f32 v53, v52;
	v5 =	vld [tilespmem:s29+$0xFFFFFFE0];
	[tilespmem:v13+s22+$0x0] =	vst.idx.msk $0xffff, v62;
	v8 =	vadd.s32 v8, v54  }
0x350: {  	v63 =	vmul.f32 $8.000000000e+00, v11;
	v10 =	vld [tilespmem:s29+$0xFFFFFE60];
	[tilespmem:v12+s22+$0x0] =	vst.idx.msk $0xffff, v2  }
0x351: {  	s30 =	simm.s32 $0x8;
	v13 =	vld [tilespmem:$0x1FFE0];
	[tilespmem:v4+s22+$0x0] =	vst.idx.msk $0xffff, v53  }
0x352: {  	v9 =	vmov s30;
	v62 =	vadd.f32 v63, v52;
	v53 =	vmul.f32 $8.000000000e+00, v6;
	v6 =	vld [tilespmem:$0x1FFC0]  }
0x353: {  	v7 =	vshrl.u32 v9, $0x3;
	v9 =	vld [tilespmem:s29+$0xFFFFFEA0]  }
0x354: {  	v11 =	vld [tilespmem:s29+$0xFFFFFEE0];
	[tilespmem:v8+s22+$0x0] =	vst.idx.msk $0xffff, v62  }
0x355: {  	v1 =	vadd.s32 v25, v61;
	v8 =	vld [tilespmem:$0x1FFB0]  }
0x356: {  	v63 =	vmul.f32 $8.000000000e+00, v5;
	v13 =	vadd.s32 v13, v59;
	v16 =	vld [tilespmem:$0x1FFD0]  }
0x357: {  	v6 =	vadd.s32 v6, v60;
	v18 =	vld [tilespmem:$0x1FFF0]  }
0x358: {  	v14 =	vld [tilespmem:s29+$0xFFFFFF20];
	v2 =	vadd.f32 v63, v51;
	v62 =	vmul.f32 $8.000000000e+00, v10  }
0x359: {  	v5 =	vadd.f32 v53, v51  }
0x35a: {  	[tilespmem:v1+s22+$0x0] =	vst.idx.msk $0xffff, v2;
	v0 =	vadd.f32 v62, v51;
	v8 =	vadd.s32 v8, v58  }
0x35b: {  	v9 =	vmul.f32 $8.000000000e+00, v9;
	v11 =	vmul.f32 $8.000000000e+00, v11;
	[tilespmem:v13+s22+$0x0] =	vst.idx.msk $0xffff, v5;
	v16 =	vadd.s32 v16, v57  }
0x35c: {  	v15 =	vld [tilespmem:s29+$0xFFFFFF60];
	v18 =	vadd.s32 v18, v55;
	[tilespmem:v6+s22+$0x0] =	vst.idx.msk $0xffff, v0  }
0x35d: {  	v53 =	vmul.f32 $8.000000000e+00, v14;
	v63 =	vadd.f32 v9, v51;
	v62 =	vadd.f32 v11, v51;
	v11 =	vld [tilespmem:$0x1FFA0]  }
0x35e: {  	v10 =	vld [tilespmem:s29+$0xFFFFFFA0]  }
0x35f: {  	v1 =	vadd.f32 v53, v51;
	[tilespmem:v8+s22+$0x0] =	vst.idx.msk $0xffff, v63  }
0x360: {  	v5 =	vadd.s32 v33, v56;
	v9 =	vld [tilespmem:s29+$0xFFFFFFF0];
	[tilespmem:v16+s22+$0x0] =	vst.idx.msk $0xffff, v62  }
0x361: {  	v6 =	vmul.f32 $8.000000000e+00, v15;
	[tilespmem:v18+s22+$0x0] =	vst.idx.msk $0xffff, v1  }
0x362: {  	v11 =	vadd.s32 v11, v54;
	v16 =	vld [tilespmem:$0x1FF40]  }
0x363: {  	v13 =	vld [tilespmem:s29+$0xFFFFFE30];
	v63 =	vmul.f32 $8.000000000e+00, v10;
	v62 =	vadd.f32 v6, v51  }
0x364: {  	v2 =	vadd.s32 v34, v61;
	v15 =	vld [tilespmem:s29+$0xFFFFFE70]  }
0x365: {  	s1 =	simm.s32 $0xA;
	v8 =	vld [tilespmem:s29+$0xFFFFFEB0];
	v63 =	vadd.f32 v63, v51;
	[tilespmem:v5+s22+$0x0] =	vst.idx.msk $0xffff, v62;
	v62 =	vmul.f32 $8.000000000e+00, v9  }
0x366: {  	v12 =	vmov s1;
	v10 =	vld [tilespmem:s29+$0xFFFFFEF0]  }
0x367: {  	v5 =	vshrl.u32 v12, $0x3;
	v12 =	vld [tilespmem:$0x1FF30];
	v0 =	vadd.f32 v62, v50;
	v16 =	vadd.s32 v16, v59;
	[tilespmem:v11+s22+$0x0] =	vst.idx.msk $0xffff, v63  }
0x368: {  	v9 =	vmul.f32 $8.000000000e+00, v13;
	v11 =	vld [tilespmem:$0x1FF50]  }
0x369: {  	v19 =	vld [tilespmem:$0x1FF70];
	[tilespmem:v2+s22+$0x0] =	vst.idx.msk $0xffff, v0  }
0x36a: {  	v9 =	vadd.f32 v9, v50;
	v2 =	vld [tilespmem:$0x1FF60]  }
0x36b: {  	v18 =	vld [tilespmem:s29+$0xFFFFFF30];
	v63 =	vmul.f32 $8.000000000e+00, v15  }
0x36c: {  	v12 =	vadd.s32 v12, v60;
	[tilespmem:v16+s22+$0x0] =	vst.idx.msk $0xffff, v9  }
0x36d: {  	v62 =	vadd.f32 v63, v50;
	v63 =	vmul.f32 $8.000000000e+00, v10;
	v11 =	vadd.s32 v11, v58;
	v10 =	vld [tilespmem:$0x1FF90]  }
0x36e: {  	v8 =	vmul.f32 $8.000000000e+00, v8;
	v19 =	vadd.s32 v19, v57  }
0x36f: {  	v2 =	vadd.s32 v2, v55  }
0x370: {  	v13 =	vld [tilespmem:s29+$0xFFFFFF70];
	v8 =	vadd.f32 v8, v50;
	v9 =	vmul.f32 $8.000000000e+00, v18  }
0x371: {  	v1 =	vadd.f32 v63, v50;
	[tilespmem:v12+s22+$0x0] =	vst.idx.msk $0xffff, v62  }
0x372: {  	v16 =	vadd.s32 v10, v56;
	v10 =	vld [tilespmem:$0x1FF80];
	[tilespmem:v11+s22+$0x0] =	vst.idx.msk $0xffff, v8;
	v11 =	vadd.f32 v9, v50  }
0x373: {  	[tilespmem:v19+s22+$0x0] =	vst.idx.msk $0xffff, v1  }
0x374: {  	v15 =	vld [tilespmem:s29+$0xFFFFFFB0];
	[tilespmem:v2+s22+$0x0] =	vst.idx.msk $0xffff, v11  }
0x375: {  	s30 =	simm.s32 $0xD;
	v12 =	vmul.f32 $8.000000000e+00, v13;
	v11 =	vadd.s32 v48, v61;
	v61 =	vld [tilespmem:$0x1FE40]  }
0x376: {  	v53 =	vshll.u32 v7, v17;
	v7 =	vmov s30  }
0x377: {  	s31 =	simm.s32 $0x9;
	v20 =	vadd.s32 v10, v54;
	v10 =	vshrl.u32 v7, $0x3;
	v7 =	vadd.f32 v12, v50  }
0x378: {  	s5 =	simm.s32 $0xB;
	v3 =	vmov s31;
	v18 =	vld [tilespmem:s29+$0x0]  }
0x379: {  	s31 =	simm.s32 $0xE;
	v3 =	vshrl.u32 v3, $0x3;
	v4 =	vmov s5;
	v0 =	vld [tilespmem:s29+$0xFFFFFE40];
	v13 =	vmul.f32 $8.000000000e+00, v15;
	[tilespmem:v16+s22+$0x0] =	vst.idx.msk $0xffff, v7  }
0x37a: {  	v6 =	vmov s31;
	v63 =	vshll.u32 v3, v17;
	v3 =	vadd.s32 v61, v59;
	v59 =	vld [tilespmem:$0x1FE50]  }
0x37b: {  	v62 =	vshrl.u32 v6, $0x3;
	v6 =	vadd.f32 v13, v50;
	v8 =	vshrl.u32 v4, $0x3;
	v4 =	vld [tilespmem:s29+$0xFFFFFE80];
	_ =	sdelay $0x1  }
0x37c: {  	v13 =	vld [tilespmem:$0x1FE60];
	[tilespmem:v20+s22+$0x0] =	vst.idx.msk $0xffff, v6  }
0x37d: {  	v12 =	vmul.f32 $8.000000000e+00, v18;
	v6 =	vld [tilespmem:$0x1FE70]  }
0x37e: {  	v15 =	vshll.u32 v5, v17;
	v0 =	vmul.f32 $8.000000000e+00, v0;
	v1 =	vld [tilespmem:s29+$0xFFFFFEC0];
	v5 =	vadd.s32 v59, v60  }
0x37f: {  	s10 =	simm.s32 $0xC;
	v2 =	vld [tilespmem:s29+$0xFFFFFF00];
	v4 =	vmul.f32 $8.000000000e+00, v4;
	v12 =	vadd.f32 v12, v49  }
0x380: {  	v14 =	vmov s10;
	v0 =	vadd.f32 v0, v49;
	v7 =	vld [tilespmem:s29+$0xFFFFFF40]  }
0x381: {  	v9 =	vshrl.u32 v14, $0x3;
	v4 =	vadd.f32 v4, v49;
	v14 =	vld [tilespmem:s29+$0xFFFFFF80];
	[tilespmem:v11+s22+$0x0] =	vst.idx.msk $0xffff, v12  }
0x382: {  	v59 =	vadd.s32 v6, v57;
	v6 =	vld [tilespmem:$0x1FE80];
	[tilespmem:v3+s22+$0x0] =	vst.idx.msk $0xffff, v0  }
0x383: {  	v0 =	vld [tilespmem:$0x1FE90];
	[tilespmem:v5+s22+$0x0] =	vst.idx.msk $0xffff, v4  }
0x384: {  	v61 =	vld [tilespmem:$0x1FF20]  }
0x385: {  	v1 =	vmul.f32 $8.000000000e+00, v1;
	v2 =	vmul.f32 $8.000000000e+00, v2;
	_ =	sdelay $0x1  }
0x386: {  	v16 =	vadd.f32 v1, v49;
	v12 =	vadd.f32 v2, v49  }
0x387: {  	v13 =	vadd.s32 v13, v58;
	v58 =	vadd.s32 v6, v55;
	v55 =	vadd.s32 v0, v56  }
0x388: {  	s28 =	simm.s32 $0x10;
	s1 =	simm.s32 $0xF;
	v11 =	vmul.f32 $8.000000000e+00, v7;
	v57 =	vld [tilespmem:s29+$0xFFFFFFC0];
	v56 =	vmul.f32 $8.000000000e+00, v14;
	v54 =	vadd.s32 v61, v54  }
.LBB2_15:
0x389: {  	_ = 	snop  }
0x38a: {  	s29 =	sadd.s32 $0x200, s29;
	v5 =	vadd.f32 v56, v49  }
0x38b: {  	v4 =	vld [tilespmem:s29+$0xFFFFFFD0]  }
0x38c: {  	v0 =	vmov s1;
	[tilespmem:v55+s22+$0x0] =	vst.idx.msk $0xffff, v5;
	v55 =	vld [tilespmem:$0x1FF00]  }
0x38d: {  	v0 =	vshrl.u32 v0, $0x3;
	v6 =	vld [tilespmem:s29+$0xFFFFFE10]  }
0x38e: {  	v3 =	vshll.u32 v8, v17;
	[tilespmem:v59+s22+$0x0] =	vst.idx.msk $0xffff, v12;
	v12 =	vld [tilespmem:$0x1FEC0];
	v0 =	vshll.u32 v0, v17;
	v2 =	vmul.f32 $8.000000000e+00, v57  }
0x38f: {  	v8 =	vshll.u32 v10, v17;
	[tilespmem:v13+s22+$0x0] =	vst.idx.msk $0xffff, v16;
	v1 =	vadd.f32 v11, v49;
	v13 =	vld [tilespmem:$0x1FED0];
	v61 =	vbroadcast v0, $0x0  }
0x390: {  	v62 =	vshll.u32 v62, v17;
	v57 =	vbroadcast v53, $0x0;
	v53 =	vadd.f32 v2, v49;
	v2 =	vld [tilespmem:s29+$0xFFFFFE50]  }
0x391: {  	[tilespmem:v58+s22+$0x0] =	vst.idx.msk $0xffff, v1;
	v58 =	vbroadcast v3, $0x0;
	v3 =	vadd.s32 v55, v61;
	v55 =	vbroadcast v8, $0x0;
	v8 =	vld [tilespmem:$0x1FEA0]  }
0x392: {  	[tilespmem:v54+s22+$0x0] =	vst.idx.msk $0xffff, v53;
	v54 =	vbroadcast v62, $0x0;
	v62 =	vld [tilespmem:$0x1FEB0]  }
0x393: {  	v0 =	vld [tilespmem:s29+$0xFFFFFE90]  }
0x394: {  	v7 =	vshll.u32 v9, v17;
	v60 =	vbroadcast v63, $0x0;
	v59 =	vbroadcast v15, $0x0;
	v63 =	vld [tilespmem:s29+$0xFFFFFED0]  }
0x395: {  	v56 =	vbroadcast v7, $0x0;
	v9 =	vld [tilespmem:s29+$0xFFFFFF10];
	v7 =	vadd.s32 v21, v57;
	v4 =	vmul.f32 $8.000000000e+00, v4  }
0x396: {  	v10 =	vld [tilespmem:s29+$0xFFFFFF50];
	v6 =	vmul.f32 $8.000000000e+00, v6;
	v8 =	vadd.s32 v8, v60  }
0x397: {  	v4 =	vadd.f32 v4, v52;
	v11 =	vld [tilespmem:s29+$0xFFFFFF90];
	v2 =	vmul.f32 $8.000000000e+00, v2;
	v5 =	vadd.s32 v62, v59  }
0x398: {  	v12 =	vadd.s32 v12, v58;
	v6 =	vadd.f32 v6, v52;
	v0 =	vmul.f32 $8.000000000e+00, v0  }
0x399: {  	v13 =	vadd.s32 v13, v56;
	v1 =	vmul.f32 $8.000000000e+00, v63;
	v2 =	vadd.f32 v2, v52;
	[tilespmem:v3+s22+$0x0] =	vst.idx.msk $0xffff, v4  }
0x39a: {  	v63 =	vmul.f32 $8.000000000e+00, v9;
	v0 =	vadd.f32 v0, v52;
	[tilespmem:v7+s22+$0x0] =	vst.idx.msk $0xffff, v6;
	v4 =	vadd.s32 v43, v55;
	v6 =	vld [tilespmem:s29+$0xFFFFFFE0]  }
0x39b: {  	v1 =	vadd.f32 v1, v52;
	v53 =	vmul.f32 $8.000000000e+00, v10;
	v9 =	vmov s28;
	v7 =	vld [tilespmem:s29+$0xFFFFFE20];
	[tilespmem:v8+s22+$0x0] =	vst.idx.msk $0xffff, v2  }
0x39c: {  	v62 =	vadd.f32 v63, v52;
	v63 =	vmul.f32 $8.000000000e+00, v11;
	v8 =	vadd.s32 v46, v54;
	[tilespmem:v5+s22+$0x0] =	vst.idx.msk $0xffff, v0;
	v10 =	vld [tilespmem:s29+$0xFFFFFE60]  }
0x39d: {  	[tilespmem:v12+s22+$0x0] =	vst.idx.msk $0xffff, v1;
	v53 =	vadd.f32 v53, v52;
	v5 =	vshrl.u32 v9, $0x3;
	v9 =	vld [tilespmem:s29+$0xFFFFFEA0]  }
0x39e: {  	v11 =	vld [tilespmem:s29+$0xFFFFFEE0];
	[tilespmem:v13+s22+$0x0] =	vst.idx.msk $0xffff, v62;
	v62 =	vadd.f32 v63, v52;
	v63 =	vadd.s32 v25, v61  }
0x39f: {  	v13 =	vadd.s32 v23, v57;
	v14 =	vld [tilespmem:s29+$0xFFFFFF20];
	[tilespmem:v4+s22+$0x0] =	vst.idx.msk $0xffff, v53;
	v53 =	vmul.f32 $8.000000000e+00, v6  }
0x3a0: {  	v18 =	vadd.s32 v36, v56;
	v6 =	vmul.f32 $8.000000000e+00, v7;
	v7 =	vadd.s32 v40, v60;
	v15 =	vld [tilespmem:s29+$0xFFFFFF60]  }
0x3a1: {  	v1 =	vadd.f32 v53, v51;
	[tilespmem:v8+s22+$0x0] =	vst.idx.msk $0xffff, v62;
	v8 =	vadd.s32 v35, v59;
	v62 =	vmul.f32 $8.000000000e+00, v10  }
0x3a2: {  	v16 =	vadd.s32 v31, v58;
	v6 =	vadd.f32 v6, v51;
	v10 =	vld [tilespmem:s29+$0xFFFFFFA0];
	v9 =	vmul.f32 $8.000000000e+00, v9  }
0x3a3: {  	v20 =	vadd.s32 v45, v56;
	v11 =	vmul.f32 $8.000000000e+00, v11;
	[tilespmem:v63+s22+$0x0] =	vst.idx.msk $0xffff, v1;
	v0 =	vadd.f32 v62, v51  }
0x3a4: {  	v53 =	vmul.f32 $8.000000000e+00, v14;
	[tilespmem:v13+s22+$0x0] =	vst.idx.msk $0xffff, v6;
	v6 =	vadd.s32 v33, v55;
	v63 =	vadd.f32 v9, v51;
	v9 =	vld [tilespmem:s29+$0xFFFFFFF0]  }
0x3a5: {  	s1 =	sadd.s32 $0x2, s28;
	v19 =	vadd.s32 v37, v58;
	v13 =	vld [tilespmem:s29+$0xFFFFFE30];
	v62 =	vadd.f32 v11, v51;
	[tilespmem:v7+s22+$0x0] =	vst.idx.msk $0xffff, v0;
	v7 =	vmul.f32 $8.000000000e+00, v15  }
0x3a6: {  	s0 =	sadd.s32 $0x1, s28;
	v12 =	vmov s1;
	v1 =	vadd.f32 v53, v51;
	v11 =	vadd.s32 v29, v54;
	[tilespmem:v8+s22+$0x0] =	vst.idx.msk $0xffff, v63;
	v15 =	vld [tilespmem:s29+$0xFFFFFE70]  }
0x3a7: {  	s5 =	sadd.s32 $0x3, s28;
	v2 =	vmov s0;
	[tilespmem:v16+s22+$0x0] =	vst.idx.msk $0xffff, v62;
	v63 =	vmul.f32 $8.000000000e+00, v10;
	v8 =	vld [tilespmem:s29+$0xFFFFFEB0];
	v62 =	vadd.f32 v7, v51  }
0x3a8: {  	v3 =	vadd.s32 v34, v61;
	v4 =	vmov s5;
	v2 =	vshrl.u32 v2, $0x3;
	[tilespmem:v18+s22+$0x0] =	vst.idx.msk $0xffff, v1;
	v10 =	vld [tilespmem:s29+$0xFFFFFEF0]  }
0x3a9: {  	s10 =	sadd.s32 $0x4, s28;
	v18 =	vld [tilespmem:s29+$0xFFFFFF30];
	v16 =	vadd.s32 v24, v57;
	v63 =	vadd.f32 v63, v51;
	[tilespmem:v6+s22+$0x0] =	vst.idx.msk $0xffff, v62;
	v62 =	vmul.f32 $8.000000000e+00, v9  }
0x3aa: {  	v14 =	vmov s10;
	v53 =	vshll.u32 v5, v17;
	v9 =	vmul.f32 $8.000000000e+00, v13  }
0x3ab: {  	v6 =	vshrl.u32 v12, $0x3;
	v12 =	vadd.s32 v44, v60;
	v13 =	vld [tilespmem:s29+$0xFFFFFF70];
	[tilespmem:v11+s22+$0x0] =	vst.idx.msk $0xffff, v63;
	v0 =	vadd.f32 v62, v50  }
0x3ac: {  	s30 =	sadd.s32 $0x5, s28;
	v11 =	vadd.s32 v38, v59;
	v63 =	vmul.f32 $8.000000000e+00, v15;
	v15 =	vld [tilespmem:s29+$0xFFFFFFB0];
	v9 =	vadd.f32 v9, v50  }
0x3ad: {  	s31 =	sadd.s32 $0x6, s28;
	v5 =	vmov s30;
	v8 =	vmul.f32 $8.000000000e+00, v8;
	v10 =	vmul.f32 $8.000000000e+00, v10;
	[tilespmem:v3+s22+$0x0] =	vst.idx.msk $0xffff, v0  }
0x3ae: {  	v7 =	vmov s31;
	v62 =	vmul.f32 $8.000000000e+00, v18;
	v1 =	vadd.f32 v63, v50;
	[tilespmem:v16+s22+$0x0] =	vst.idx.msk $0xffff, v9  }
0x3af: {  	v0 =	vadd.f32 v8, v50;
	v16 =	vadd.s32 v41, v55;
	v63 =	vadd.f32 v10, v50;
	v18 =	vld [tilespmem:s29+$0x0]  }
0x3b0: {  	v8 =	vshrl.u32 v4, $0x3;
	v9 =	vshrl.u32 v14, $0x3;
	v21 =	vld [tilespmem:s29+$0xFFFFFE40];
	[tilespmem:v12+s22+$0x0] =	vst.idx.msk $0xffff, v1;
	v12 =	vmul.f32 $8.000000000e+00, v13  }
0x3b1: {  	v55 =	vadd.s32 v47, v55;
	[tilespmem:v11+s22+$0x0] =	vst.idx.msk $0xffff, v0;
	v0 =	vadd.f32 v62, v50;
	v4 =	vld [tilespmem:s29+$0xFFFFFE80];
	v3 =	vmul.f32 $8.000000000e+00, v15  }
0x3b2: {  	v10 =	vshrl.u32 v5, $0x3;
	v13 =	vadd.s32 v27, v54;
	[tilespmem:v19+s22+$0x0] =	vst.idx.msk $0xffff, v63;
	v5 =	vld [tilespmem:s29+$0xFFFFFEC0];
	v1 =	vadd.f32 v12, v50  }
0x3b3: {  	v62 =	vshrl.u32 v7, $0x3;
	v7 =	vld [tilespmem:s29+$0xFFFFFF00];
	[tilespmem:v20+s22+$0x0] =	vst.idx.msk $0xffff, v0;
	v0 =	vadd.f32 v3, v50;
	v3 =	vadd.s32 v48, v61  }
0x3b4: {  	v63 =	vshll.u32 v2, v17;
	v2 =	vadd.s32 v32, v57;
	v11 =	vld [tilespmem:s29+$0xFFFFFF40];
	[tilespmem:v16+s22+$0x0] =	vst.idx.msk $0xffff, v1;
	v61 =	vmul.f32 $8.000000000e+00, v18  }
0x3b5: {  	p0 =	slt.u32 s28, $0x78;
	v15 =	vshll.u32 v6, v17;
	v12 =	vadd.s32 v30, v60;
	v6 =	vmul.f32 $8.000000000e+00, v21;
	v14 =	vld [tilespmem:s29+$0xFFFFFF80]  }
.Ltmp7:
0x3b6: {  	v54 =	vadd.s32 v39, v54;
	v60 =	vmul.f32 $8.000000000e+00, v4;
	v1 =	vadd.f32 v61, v49;
	(pc) =	sbr.rel @p0 .LBB2_15-.Ltmp7, $4  }
0x3b7: {  	[tilespmem:v13+s22+$0x0] =	vst.idx.msk $0xffff, v0;
	v13 =	vadd.s32 v26, v59;
	v61 =	vadd.f32 v6, v49;
	v5 =	vmul.f32 $8.000000000e+00, v5  }
0x3b8: {  	v59 =	vadd.s32 v42, v58;
	v6 =	vmul.f32 $8.000000000e+00, v7;
	v0 =	vadd.f32 v60, v49;
	[tilespmem:v3+s22+$0x0] =	vst.idx.msk $0xffff, v1  }
0x3b9: {  	v58 =	vadd.s32 v28, v56;
	[tilespmem:v2+s22+$0x0] =	vst.idx.msk $0xffff, v61;
	v16 =	vadd.f32 v5, v49  }
0x3ba: {  	s1 =	sadd.s32 $0x7, s28;
	s28 =	sadd.s32 $0x8, s28;
	v21 =	vmovc v22;
	v57 =	vld [tilespmem:s29+$0xFFFFFFC0];
	v11 =	vmul.f32 $8.000000000e+00, v11;
	[tilespmem:v12+s22+$0x0] =	vst.idx.msk $0xffff, v0;
	v12 =	vadd.f32 v6, v49;
	v56 =	vmul.f32 $8.000000000e+00, v14  }
0x3bb: {  	v2 =	vshll.u32 v8, v17  }
0x3bc: {  	v0 =	vmov s1;
	s28 =	sadd.s32 $0x200, s29;
	v7 =	vshll.u32 v62, v17;
	v62 =	vbroadcast v2, $0x0;
	v2 =	vld [tilespmem:$0x1FF00]  }
0x3bd: {  	v1 =	vld [tilespmem:s28+$0xFFFFFFD0];
	v0 =	vshrl.u32 v0, $0x3  }
0x3be: {  	v0 =	vshll.u32 v0, v17  }
0x3bf: {  	v6 =	vshll.u32 v10, v17;
	v61 =	vld [tilespmem:$0x1FEA0];
	v10 =	vbroadcast v0, $0x0  }
0x3c0: {  	v4 =	vld [tilespmem:s28+$0xFFFFFE50]  }
0x3c1: {  	v2 =	vadd.s32 v2, v10  }
0x3c2: {  	v5 =	vshll.u32 v9, v17;
	v9 =	vbroadcast v63, $0x0;
	v3 =	vld [tilespmem:s28+$0xFFFFFE10];
	v1 =	vmul.f32 $8.000000000e+00, v1  }
0x3c3: {  	v8 =	vbroadcast v53, $0x0;
	v20 =	vld [tilespmem:$0x1FEC0];
	v53 =	vbroadcast v6, $0x0  }
0x3c4: {  	v6 =	vadd.s32 v61, v9;
	v61 =	vbroadcast v7, $0x0;
	v7 =	vld [tilespmem:$0x1FEB0];
	v1 =	vadd.f32 v1, v52  }
0x3c5: {  	v0 =	vld [tilespmem:s28+$0xFFFFFE90];
	v4 =	vmul.f32 $8.000000000e+00, v4  }
0x3c6: {  	v14 =	vld [tilespmem:s28+$0xFFFFFED0];
	v60 =	vbroadcast v5, $0x0;
	v5 =	vadd.s32 v21, v8;
	[tilespmem:v2+s22+$0x0] =	vst.idx.msk $0xffff, v1  }
0x3c7: {  	v63 =	vbroadcast v15, $0x0;
	v3 =	vmul.f32 $8.000000000e+00, v3;
	v1 =	vadd.f32 v4, v52;
	v4 =	vld [tilespmem:$0x1FED0]  }
0x3c8: {  	v15 =	vld [tilespmem:s28+$0xFFFFFF10]  }
0x3c9: {  	v18 =	vld [tilespmem:s28+$0xFFFFFF50];
	v3 =	vadd.f32 v3, v52;
	v7 =	vadd.s32 v7, v63  }
0x3ca: {  	v19 =	vld [tilespmem:s28+$0xFFFFFF90];
	v0 =	vmul.f32 $8.000000000e+00, v0  }
0x3cb: {  	v20 =	vadd.s32 v20, v62;
	[tilespmem:v5+s22+$0x0] =	vst.idx.msk $0xffff, v3  }
0x3cc: {  	v0 =	vadd.f32 v0, v52;
	v2 =	vmul.f32 $8.000000000e+00, v14;
	[tilespmem:v6+s22+$0x0] =	vst.idx.msk $0xffff, v1;
	v1 =	vld [tilespmem:s28+$0xFFFFFE20];
	v4 =	vadd.s32 v4, v60  }
0x3cd: {  	v3 =	vmul.f32 $8.000000000e+00, v15;
	v5 =	vadd.s32 v43, v53;
	v14 =	vld [tilespmem:s28+$0xFFFFFFE0]  }
0x3ce: {  	v15 =	vadd.s32 v46, v61;
	v2 =	vadd.f32 v2, v52;
	v6 =	vmul.f32 $8.000000000e+00, v18;
	[tilespmem:v7+s22+$0x0] =	vst.idx.msk $0xffff, v0;
	v0 =	vld [tilespmem:s28+$0xFFFFFE60]  }
0x3cf: {  	v22 =	vmov v43;
	v43 =	vmul.f32 $8.000000000e+00, v19;
	v3 =	vadd.f32 v3, v52  }
0x3d0: {  	[tilespmem:v20+s22+$0x0] =	vst.idx.msk $0xffff, v2;
	v6 =	vadd.f32 v6, v52;
	v7 =	vadd.s32 v23, v8;
	v2 =	vld [tilespmem:s28+$0xFFFFFEA0]  }
0x3d1: {  	v18 =	vld [tilespmem:s28+$0xFFFFFEE0];
	v1 =	vmul.f32 $8.000000000e+00, v1;
	[tilespmem:v4+s22+$0x0] =	vst.idx.msk $0xffff, v3;
	v3 =	vadd.f32 v43, v52;
	v4 =	vadd.s32 v25, v10  }
0x3d2: {  	[tilespmem:v5+s22+$0x0] =	vst.idx.msk $0xffff, v6;
	v6 =	vadd.s32 v40, v9;
	v43 =	vmul.f32 $8.000000000e+00, v14;
	v19 =	vld [tilespmem:s28+$0xFFFFFF20]  }
0x3d3: {  	v0 =	vmul.f32 $8.000000000e+00, v0;
	v1 =	vadd.f32 v1, v51;
	v14 =	vld [tilespmem:s28+$0xFFFFFF60];
	[tilespmem:v15+s22+$0x0] =	vst.idx.msk $0xffff, v3  }
0x3d4: {  	[tilespmem:v13+s22+$0x0] =	vst.idx.msk $0xffff, v16;
	v3 =	vadd.s32 v35, v63;
	v5 =	vadd.f32 v43, v51;
	v15 =	vld [tilespmem:s28+$0xFFFFFFA0]  }
0x3d5: {  	v13 =	vadd.s32 v31, v62;
	v2 =	vmul.f32 $8.000000000e+00, v2;
	v0 =	vadd.f32 v0, v51;
	[tilespmem:v7+s22+$0x0] =	vst.idx.msk $0xffff, v1  }
0x3d6: {  	[tilespmem:v4+s22+$0x0] =	vst.idx.msk $0xffff, v5;
	v4 =	vmul.f32 $8.000000000e+00, v18;
	v5 =	vadd.s32 v36, v60  }
0x3d7: {  	v7 =	vadd.s32 v33, v53;
	v1 =	vadd.f32 v2, v51;
	[tilespmem:v6+s22+$0x0] =	vst.idx.msk $0xffff, v0;
	v2 =	vmul.f32 $8.000000000e+00, v19;
	v16 =	vld [tilespmem:s28+$0xFFFFFFF0]  }
0x3d8: {  	v0 =	vld [tilespmem:s28+$0xFFFFFE30];
	v43 =	vmovc v33;
	v33 =	vmul.f32 $8.000000000e+00, v14;
	v14 =	vadd.s32 v29, v61;
	v4 =	vadd.f32 v4, v51  }
0x3d9: {  	[tilespmem:v3+s22+$0x0] =	vst.idx.msk $0xffff, v1;
	v1 =	vld [tilespmem:s28+$0xFFFFFE70];
	v2 =	vadd.f32 v2, v51;
	v3 =	vmul.f32 $8.000000000e+00, v15  }
0x3da: {  	v6 =	vadd.f32 v33, v51;
	[tilespmem:v13+s22+$0x0] =	vst.idx.msk $0xffff, v4;
	v4 =	vld [tilespmem:s28+$0xFFFFFEB0]  }
0x3db: {  	[tilespmem:v5+s22+$0x0] =	vst.idx.msk $0xffff, v2;
	v2 =	vld [tilespmem:s28+$0xFFFFFEF0];
	v3 =	vadd.f32 v3, v51;
	v51 =	vadd.s32 v34, v10  }
0x3dc: {  	[tilespmem:v7+s22+$0x0] =	vst.idx.msk $0xffff, v6;
	v6 =	vadd.s32 v24, v8;
	v33 =	vld [tilespmem:s28+$0xFFFFFF30];
	v13 =	vmul.f32 $8.000000000e+00, v16  }
0x3dd: {  	v11 =	vadd.f32 v11, v49;
	v0 =	vmul.f32 $8.000000000e+00, v0;
	[tilespmem:v14+s22+$0x0] =	vst.idx.msk $0xffff, v3;
	v3 =	vadd.s32 v44, v9;
	v14 =	vld [tilespmem:s28+$0xFFFFFF70]  }
0x3de: {  	[tilespmem:v59+s22+$0x0] =	vst.idx.msk $0xffff, v12;
	v12 =	vadd.s32 v38, v63;
	v1 =	vmul.f32 $8.000000000e+00, v1;
	v15 =	vld [tilespmem:s28+$0xFFFFFFB0];
	v13 =	vadd.f32 v13, v50  }
0x3df: {  	[tilespmem:v58+s22+$0x0] =	vst.idx.msk $0xffff, v11;
	v0 =	vadd.f32 v0, v50;
	v34 =	vadd.s32 v37, v62;
	v4 =	vmul.f32 $8.000000000e+00, v4  }
0x3e0: {  	v1 =	vadd.f32 v1, v50;
	[tilespmem:v51+s22+$0x0] =	vst.idx.msk $0xffff, v13;
	v2 =	vmul.f32 $8.000000000e+00, v2;
	v51 =	vadd.s32 v45, v60  }
0x3e1: {  	v59 =	vadd.s32 v41, v53;
	[tilespmem:v6+s22+$0x0] =	vst.idx.msk $0xffff, v0;
	v0 =	vadd.f32 v4, v50;
	v58 =	vmul.f32 $8.000000000e+00, v33;
	v33 =	vld [tilespmem:s28+$0x0]  }
0x3e2: {  	v13 =	vadd.s32 v27, v61;
	[tilespmem:v3+s22+$0x0] =	vst.idx.msk $0xffff, v1;
	v1 =	vld [tilespmem:s28+$0xFFFFFE40];
	v2 =	vadd.f32 v2, v50;
	v3 =	vmul.f32 $8.000000000e+00, v14  }
0x3e3: {  	[tilespmem:v12+s22+$0x0] =	vst.idx.msk $0xffff, v0;
	v0 =	vld [tilespmem:s28+$0xFFFFFE80];
	v4 =	vadd.f32 v58, v50;
	v12 =	vmul.f32 $8.000000000e+00, v15  }
0x3e4: {  	v14 =	vld [tilespmem:s28+$0xFFFFFEC0];
	[tilespmem:v34+s22+$0x0] =	vst.idx.msk $0xffff, v2;
	v2 =	vadd.f32 v3, v50  }
0x3e5: {  	v48 =	vadd.s32 v48, v10;
	v3 =	vmul.f32 $8.000000000e+00, v57;
	v11 =	vld [tilespmem:s28+$0xFFFFFF00];
	[tilespmem:v51+s22+$0x0] =	vst.idx.msk $0xffff, v4;
	v34 =	vadd.f32 v12, v50  }
0x3e6: {  	v8 =	vadd.s32 v32, v8;
	v50 =	vadd.f32 v56, v49;
	v12 =	vld [tilespmem:s28+$0xFFFFFF40];
	[tilespmem:v59+s22+$0x0] =	vst.idx.msk $0xffff, v2;
	v2 =	vmul.f32 $8.000000000e+00, v33  }
0x3e7: {  	v51 =	vadd.s32 v30, v9;
	v3 =	vadd.f32 v3, v49;
	v1 =	vmul.f32 $8.000000000e+00, v1;
	v56 =	vld [tilespmem:s28+$0xFFFFFF80];
	[tilespmem:v13+s22+$0x0] =	vst.idx.msk $0xffff, v34  }
0x3e8: {  	v57 =	vadd.s32 v26, v63;
	[tilespmem:v55+s22+$0x0] =	vst.idx.msk $0xffff, v50;
	v0 =	vmul.f32 $8.000000000e+00, v0;
	v58 =	vld [tilespmem:s28+$0xFFFFFFC0];
	v2 =	vadd.f32 v2, v49  }
0x3e9: {  	v59 =	vadd.s32 v42, v62;
	[tilespmem:v54+s22+$0x0] =	vst.idx.msk $0xffff, v3;
	v1 =	vadd.f32 v1, v49;
	v3 =	vmul.f32 $8.000000000e+00, v14  }
0x3ea: {  	v13 =	vadd.s32 v28, v60;
	v0 =	vadd.f32 v0, v49;
	v11 =	vmul.f32 $8.000000000e+00, v11;
	[tilespmem:v48+s22+$0x0] =	vst.idx.msk $0xffff, v2  }
0x3eb: {  	[tilespmem:v8+s22+$0x0] =	vst.idx.msk $0xffff, v1;
	v1 =	vadd.f32 v3, v49;
	v2 =	vmul.f32 $8.000000000e+00, v12;
	v3 =	vadd.s32 v47, v53  }
0x3ec: {  	v63 =	vadd.s32 v39, v61;
	[tilespmem:v51+s22+$0x0] =	vst.idx.msk $0xffff, v0;
	v0 =	vadd.f32 v11, v49;
	v60 =	vmul.f32 $8.000000000e+00, v56  }
0x3ed: {  	[tilespmem:v57+s22+$0x0] =	vst.idx.msk $0xffff, v1;
	v1 =	vadd.f32 v2, v49;
	v2 =	vmul.f32 $8.000000000e+00, v58  }
0x3ee: {  	s0 =	sshll.u32 s26, $0x12;
	[tilespmem:v59+s22+$0x0] =	vst.idx.msk $0xffff, v0;
	v0 =	vadd.f32 v60, v49  }
0x3ef: {  	s0 =	sor.u32 s7, s0;
	[tilespmem:v13+s22+$0x0] =	vst.idx.msk $0xffff, v1;
	v1 =	vadd.f32 v2, v49  }
0x3f0: {  	s0 =	sshrl.u32 s0, $0x3;
	[tilespmem:v3+s22+$0x0] =	vst.idx.msk $0xffff, v0  }
0x3f1: {  	s31 =	simm.s32 $0x15C00;
	s5 =	sadd.s32 s2, s0;
	[tilespmem:v63+s22+$0x0] =	vst.idx.msk $0xffff, v1  }
0x3f2: {  	[hbm4b:s5+s3] =	stream.linear.scatter [tilespmem:s31], [sflag:$0x4], $0x80, $0x38;
	[tilespmem:$0x1A000] =	vst v63  }
0x3f3: {  	s1 =	simm.s32 $0x15C88;
	s10 =	sadd.s32 $0x10, s5  }
0x3f4: {  	[hbm4b:s10+s3] =	stream.linear.scatter [tilespmem:s1], [sflag:$0x4], $0x80, $0x38;
	[tilespmem:$0x1A000] =	vst v63  }
0x3f5: {  	s26 =	simm.s32 $0x15D10;
	s30 =	simm.s32 $0x15D98;
	s29 =	sadd.s32 $0x20, s5  }
0x3f6: {  	[hbm4b:s29+s3] =	stream.linear.scatter [tilespmem:s26], [sflag:$0x4], $0x80, $0x38;
	[tilespmem:$0x1A000] =	vst v63  }
0x3f7: {  	s0 =	simm.s32 $0x15FB8;
	s28 =	sadd.s32 $0x1000, s5;
	s31 =	sadd.s32 $0x30, s5  }
0x3f8: {  	[hbm4b:s31+s3] =	stream.linear.scatter [tilespmem:s30], [sflag:$0x4], $0x80, $0x38;
	[tilespmem:$0x1A000] =	vst v63  }
0x3f9: {  	v20 =	vmov v47;
	v52 =	vmov v25;
	s1 =	simm.s32 $0x15E20;
	s10 =	sadd.s32 $0x40, s5;
	s26 =	simm.s32 $0x15EA8  }
0x3fa: {  	v25 =	vmovc v32;
	v19 =	vmovc v29;
	v29 =	vmov v30;
	v32 =	vmov v23;
	v16 =	vmov v27;
	v54 =	vld [tilespmem:$0x1FEA0];
	[hbm4b:s10+s3] =	stream.linear.scatter [tilespmem:s1], [sflag:$0x4], $0x80, $0x38  }
0x3fb: {  	v23 =	vmovc v16;
	v27 =	vmovc v43;
	v62 =	vmov v39;
	v39 =	vmov v38;
	v33 =	vmov v26;
	v30 =	vld [tilespmem:$0x1FEB0];
	s29 =	sadd.s32 $0x50, s5;
	s30 =	simm.s32 $0x15F30;
	s31 =	sadd.s32 $0x60, s5  }
0x3fc: {  	v26 =	vmovc v28;
	v18 =	vmovc v62;
	v14 =	vmov v19;
	v48 =	vmov v41;
	v47 =	vmov v36;
	v34 =	vld [tilespmem:$0x1FEC0];
	[hbm4b:s29+s3] =	stream.linear.scatter [tilespmem:s26], [sflag:$0x4], $0x80, $0x38  }
0x3fd: {  	v2 =	vmovc v44;
	v44 =	vmovc v31;
	v31 =	vmov v37;
	v37 =	vmov v42;
	v42 =	vmov v22;
	v38 =	vld [tilespmem:$0x1FED0];
	s1 =	simm.s32 $0x2200;
	s10 =	sadd.s32 $0x70, s5;
	s26 =	simm.s32 $0x440  }
0x3fe: {  	v22 =	vmovc v52;
	v0 =	vmovc v24;
	v24 =	vmov v35;
	v19 =	vld [tilespmem:$0x1FF00];
	v1 =	vmov v40;
	v40 =	vmov v45;
	[hbm4b:s31+s3] =	stream.linear.scatter [tilespmem:s30], [sflag:$0x4], $0x80, $0x38  }
.LBB2_17:
0x3ff: {  	[hbm4b:s10+s3] =	stream.linear.scatter [tilespmem:s0], [sflag:$0x4], $0x80, $0x38;
	[tilespmem:$0x1A000] =	vst v63  }
0x400: {  	s0 =	smov.u32 s26;
	s5 =	smov.u32 s1  }
0x401: {  	s26 =	sshra.s32 s5, $0x2;
	s5 =	sadd.s32 $0x1100, s1;
	s10 =	sadd.s32 $0x15C00, s0  }
0x402: {  	[hbm4b:s28+s3] =	stream.linear.scatter [tilespmem:s10], [sflag:$0x4], $0x80, $0x38;
	[tilespmem:$0x1A000] =	vst v63  }
0x403: {  	p0 =	sne.s32 s1, $0xFF00;
	s1 =	sadd.s32 $0x15C88, s0;
	s10 =	sadd.s32 $0x10, s28  }
0x404: {  	[hbm4b:s10+s3] =	stream.linear.scatter [tilespmem:s1], [sflag:$0x4], $0x80, $0x38;
	[tilespmem:$0x1A000] =	vst v63  }
0x405: {  	s1 =	sadd.s32 $0x15D10, s0;
	s10 =	sadd.s32 $0x20, s28  }
0x406: {  	[hbm4b:s10+s3] =	stream.linear.scatter [tilespmem:s1], [sflag:$0x4], $0x80, $0x38;
	[tilespmem:$0x1A000] =	vst v63  }
0x407: {  	s1 =	sadd.s32 $0x15D98, s0;
	s10 =	sadd.s32 $0x30, s28  }
0x408: {  	[hbm4b:s10+s3] =	stream.linear.scatter [tilespmem:s1], [sflag:$0x4], $0x80, $0x38;
	[tilespmem:$0x1A000] =	vst v63  }
0x409: {  	s1 =	sadd.s32 $0x15E20, s0;
	s10 =	sadd.s32 $0x40, s28  }
0x40a: {  	[hbm4b:s10+s3] =	stream.linear.scatter [tilespmem:s1], [sflag:$0x4], $0x80, $0x38;
	[tilespmem:$0x1A000] =	vst v63  }
.Ltmp8:
0x40b: {  	s1 =	sadd.s32 $0x15EA8, s0;
	s10 =	sadd.s32 $0x50, s28;
	(pc) =	sbr.rel @p0 .LBB2_17-.Ltmp8, $4  }
0x40c: {  	[hbm4b:s10+s3] =	stream.linear.scatter [tilespmem:s1], [sflag:$0x4], $0x80, $0x38;
	[tilespmem:$0x1A000] =	vst v63  }
0x40d: {  	s1 =	sadd.s32 $0x15F30, s0;
	s10 =	sadd.s32 $0x60, s28;
	s0 =	sadd.s32 $0x15FB8, s0  }
0x40e: {  	[hbm4b:s10+s3] =	stream.linear.scatter [tilespmem:s1], [sflag:$0x4], $0x80, $0x38;
	[tilespmem:$0x1A000] =	vst v63  }
0x40f: {  	s10 =	sadd.s32 $0x70, s28;
	s28 =	sadd.s32 $0x1000, s28;
	s1 =	smov.u32 s5  }
0x410: {  	[hbm4b:s10+s3] =	stream.linear.scatter [tilespmem:s0], [sflag:$0x4], $0x80, $0x38;
	[tilespmem:$0x1A000] =	vst v63  }
0x411: {  	s30 =	sadd.s32 $0x15C00, s26  }
0x412: {  	[hbm4b:s28+s3] =	stream.linear.scatter [tilespmem:s30], [sflag:$0x4], $0x80, $0x38;
	[tilespmem:$0x1A000] =	vst v63  }
0x413: {  	s31 =	sadd.s32 $0x15C88, s26;
	s1 =	sadd.s32 $0x10, s28  }
0x414: {  	[hbm4b:s1+s3] =	stream.linear.scatter [tilespmem:s31], [sflag:$0x4], $0x80, $0x38;
	[tilespmem:$0x1A000] =	vst v63  }
0x415: {  	s5 =	sadd.s32 $0x20, s28;
	s1 =	sadd.s32 $0x15D10, s26  }
0x416: {  	[hbm4b:s5+s3] =	stream.linear.scatter [tilespmem:s1], [sflag:$0x4], $0x80, $0x38;
	[tilespmem:$0x1A000] =	vst v63  }
0x417: {  	s10 =	sadd.s32 $0x15D98, s26;
	s29 =	sadd.s32 $0x30, s28  }
0x418: {  	[hbm4b:s29+s3] =	stream.linear.scatter [tilespmem:s10], [sflag:$0x4], $0x80, $0x38;
	[tilespmem:$0x1A000] =	vst v63  }
0x419: {  	s25 =	sadd.s32 $0x1, s25;
	s30 =	sadd.s32 $0x15E20, s26;
	s31 =	sadd.s32 $0x40, s28  }
0x41a: {  	[hbm4b:s31+s3] =	stream.linear.scatter [tilespmem:s30], [sflag:$0x4], $0x80, $0x38;
	[tilespmem:$0x1A000] =	vst v63  }
0x41b: {  	p0 =	sne.s32 s25, $0x32;
	s1 =	sadd.s32 $0x15EA8, s26;
	s5 =	sadd.s32 $0x50, s28  }
0x41c: {  	[hbm4b:s5+s3] =	stream.linear.scatter [tilespmem:s1], [sflag:$0x4], $0x80, $0x38;
	[tilespmem:$0x1A000] =	vst v63  }
.Ltmp9:
0x41d: {  	_ = 	snop;
	(pc) =	sbr.rel @p0 .LBB2_2-.Ltmp9, $4  }
0x41e: {  	s10 =	sadd.s32 $0x15F30, s26;
	s29 =	sadd.s32 $0x60, s28  }
0x41f: {  	[hbm4b:s29+s3] =	stream.linear.scatter [tilespmem:s10], [sflag:$0x4], $0x80, $0x38;
	[tilespmem:$0x1A000] =	vst v63  }
0x420: {  	s30 =	sadd.s32 $0x15FB8, s26;
	s31 =	sadd.s32 $0x70, s28  }
0x421: {  	v28 =	vld [tilespmem:$0x1FF10];
	v35 =	vmov v0;
	v41 =	vmov v1;
	v43 =	vmov v2;
	[hbm4b:s31+s3] =	stream.linear.scatter [tilespmem:s30], [sflag:$0x4], $0x80, $0x38  }
0x422: {  	s24 =	sadd.s32 $0x1, s24  }
0x423: {  	_ =	swait.ge [sflag:s23], $0x4000;
	p0 =	sne.s32 s24, s8  }
.Ltmp10:
0x424: {  	[sflag:s23] =	ssyncset.done $0x0;
	(pc) =	sbr.rel @p0 .LBB2_1-.Ltmp10, $4  }
0x425: {  	[sflag:s23] =	ssyncadd.s32 $0xFFFFC000  }
0x426: {  	_ =	swait.ge [sflag:s20], $0x4000  }
0x427: {  	[sflag:s20] =	ssyncset.done $0x0  }
0x428: {  	[sflag:s20] =	ssyncadd.s32 $0xFFFFC000  }
0x429: {  	_ =	sfence.sel $0x180000  }
0x42a: {  	[bflag:$0x0] =	sbarrier.arrive $0xFFFF  }
0x42b: {  	_ =	strace $0x90000047  }
0x42c: {  	s0 =	stileid.u32;
	[bflag:$0x2] =	sbarrier.arrive $0xFFFF  }
0x42d: {  	p0 =	sne.s32 s0, $0x0;
	s0 =	rddreg [dreg:$0x2]  }
0x42e: {  	s0 =	sadd.s32 @!p0 $0x100000, s0  }
0x42f: {  	[sflag:s0] =	ssyncadd.tile.s32 @!p0 $0x1;
	_ =	shalt  }
.Lfunc_end2:
_tile_overlayer_lowered:
.L_overlay_start_2:
0x430: {  	(tag) =	ssettag $0x2  }
0x431: {  	s0 =	rddreg [dreg:$0x0];
	s2 =	stileid.u32  }
0x432: {  	s1 =	rddreg [dreg:$0x1];
	p0 =	sne.s32 s2, $0x0  }
0x433: {  	s3 =	rddreg [dreg:$0x2];
	[bflag:$0x3] =	sbarrier.arrive $0xFFFF;
	s2 =	simm.s32 @!p0 $0x1C05  }
0x434: {  	[timem:s3], [sflag:s2] =	dma.local @!p0 [hbm:s0], s1  }
0x435: {  	s0 =	simm.s32 @!p0 $0x5  }
0x436: {  	_ =	swait.ge @!p0 [sflag:s0], s1  }
0x437: {  	s1 =	ssub.s32 @!p0 $0x0, s1;
	[sflag:s0] =	ssyncset.done @!p0 $0x0  }
0x438: {  	[sflag:s0] =	ssyncadd.s32 @!p0 s1  }
0x439: {  	[bflag:$0x3] =	sbarrier.arrive $0xFFFF  }
0x43a: {  	_ =	shalt  }

</sc_bundles>
